<compile_context>
chip_gen: v7x
topology: tpu7x:2x2x1
jax: 0.10.2.dev20260603
libtpu: 0.0.44.dev20260713+nightly
codegen_flags: <defaults>
</compile_context>

<pallas_src>
import functools

import jax
import jax.numpy as jnp
from jax import lax
from jax.experimental import pallas as pl
from jax.experimental.pallas import tpu as pltpu
from jax.experimental.pallas import tpu_sc as plsc

NC = 2
NS = 16
NW = NC * NS
CH = 128
LANES = 16


def _make_deg_kernel(n_pad, cpt):
    mesh = plsc.VectorSubcoreMesh(core_axis_name="c", subcore_axis_name="s")

    @functools.partial(
        pl.kernel,
        out_type=jax.ShapeDtypeStruct((NW, n_pad), jnp.float32),
        mesh=mesh,
        compiler_params=pltpu.CompilerParams(needs_layout_passes=False),
        scratch_types=[
            pltpu.VMEM((cpt, CH), jnp.int32),
            pltpu.VMEM((n_pad,), jnp.float32),
        ],
    )
    def deg_kernel(cat, out, dst_v, hist):
        c = lax.axis_index("c")
        s = lax.axis_index("s")
        wid = s * NC + c

        pltpu.sync_copy(cat.at[1, pl.ds(wid * cpt, cpt)], dst_v)

        def zero_body(i, carry):
            for u in range(4):
                hist[pl.ds(i * 4 * LANES + u * LANES, LANES)] = jnp.zeros(
                    (LANES,), jnp.float32)
            return carry

        lax.fori_loop(0, n_pad // (4 * LANES), zero_body, 0)

        ones = jnp.full((LANES,), 1.0, jnp.float32)

        def add_body(j, carry):
            for k in range(CH // LANES):
                idx = dst_v[j, pl.ds(k * LANES, LANES)]
                plsc.addupdate_scatter(hist, [idx], ones)
            return carry

        lax.fori_loop(0, cpt, add_body, 0)
        pltpu.sync_copy(hist, out.at[wid])

    return deg_kernel


def _make_edge_scatter_kernel(n_pad, cpt, d):
    mesh = plsc.VectorSubcoreMesh(core_axis_name="c", subcore_axis_name="s")
    rows_per_tile = n_pad // NS
    scc = cpt
    while NS * (2 * scc * CH + 2 * CH * d) + n_pad * d > 2_000_000:
        scc //= 2
    n_stages = cpt // scc

    @functools.partial(
        pl.kernel,
        out_type=jax.ShapeDtypeStruct((NC, n_pad, d), jnp.float32),
        mesh=mesh,
        compiler_params=pltpu.CompilerParams(needs_layout_passes=False),
        scratch_types=[
            pltpu.VMEM((scc, CH), jnp.int32),
            pltpu.VMEM((scc, CH), jnp.int32),
            pltpu.VMEM((CH, d), jnp.float32),
            pltpu.VMEM((CH, d), jnp.float32),
            pltpu.VMEM_SHARED((n_pad, d), jnp.float32),
            pltpu.SemaphoreType.DMA,
            pltpu.SemaphoreType.DMA,
        ],
    )
    def edge_kernel(hs, cat, out, src_v, dst_v, rows_a, rows_b,
                    acc, sem_a, sem_b):
        c = lax.axis_index("c")
        s = lax.axis_index("s")
        wid = s * NC + c
        bufs = (rows_a, rows_b)
        sems = (sem_a, sem_b)

        with jax.named_scope("acc_zero"):
            def zero_body(i, carry):
                for l in range(d // LANES):
                    rows_a[i, pl.ds(l * LANES, LANES)] = jnp.zeros(
                        (LANES,), jnp.float32)
                return carry

            lax.fori_loop(0, CH, zero_body, 0)

            base = s * rows_per_tile
            off = 0
            while off < rows_per_tile:
                sz = min(CH, rows_per_tile - off)
                pltpu.sync_copy(rows_a.at[pl.ds(0, sz)],
                                acc.at[pl.ds(base + off, sz)])
                off += sz
            plsc.subcore_barrier()

        with jax.named_scope("edge_loop"):
            for stage in range(n_stages):
                ebase = wid * cpt + stage * scc
                pltpu.sync_copy(cat.at[0, pl.ds(ebase, scc)], src_v)
                pltpu.sync_copy(cat.at[1, pl.ds(ebase, scc)], dst_v)

                for b in range(2):
                    pltpu.async_copy(hs.at[src_v.at[b]], bufs[b], sems[b])

                def pair_body(i, carry):
                    j = i * 2
                    for b in range(2):
                        jj = j + b
                        pltpu.make_async_copy(hs.at[src_v.at[jj]], bufs[b],
                                              sems[b]).wait()
                        pltpu.sync_copy(bufs[b], acc.at[dst_v.at[jj]],
                                        add=True)

                        @pl.when(jj + 2 < scc)
                        def _():
                            pltpu.async_copy(hs.at[src_v.at[jj + 2]],
                                             bufs[b], sems[b])
                    return carry

                lax.fori_loop(0, scc // 2, pair_body, 0)

        with jax.named_scope("acc_out"):
            plsc.subcore_barrier()
            pltpu.sync_copy(acc.at[pl.ds(base, rows_per_tile)],
                            out.at[c, pl.ds(base, rows_per_tile)])

    return edge_kernel


def _dinv_from_parts(degt_blk):
    deg = jnp.maximum(jnp.sum(degt_blk, axis=1), 1.0)
    return lax.rsqrt(deg)


def _tc_prescale_matmul(x, w, degt, blk):
    n, d = x.shape
    nw = degt.shape[1]

    def body(x_ref, w_ref, degt_ref, hs_ref):
        dinv = _dinv_from_parts(degt_ref[...])
        hs_ref[...] = jnp.dot(
            x_ref[...], w_ref[...],
            preferred_element_type=jnp.float32) * dinv[:, None]

    return pl.pallas_call(
        body,
        grid=(n // blk,),
        in_specs=[
            pl.BlockSpec((blk, d), lambda i: (i, 0)),
            pl.BlockSpec((d, d), lambda i: (0, 0)),
            pl.BlockSpec((blk, nw), lambda i: (i, 0)),
        ],
        out_specs=pl.BlockSpec((blk, d), lambda i: (i, 0)),
        out_shape=jax.ShapeDtypeStruct((n, d), jnp.float32),
    )(x, w, degt)


def _tc_mid_layer(parts, degt, b, w, blk, n):
    _, _, d = parts.shape
    nw = degt.shape[1]

    def body(p_ref, degt_ref, b_ref, w_ref, hs_ref):
        dinv = _dinv_from_parts(degt_ref[...])
        agg = p_ref[0] + p_ref[1]
        h1 = jnp.maximum(agg * dinv[:, None] + b_ref[...], 0.0)
        hs_ref[...] = jnp.dot(
            h1, w_ref[...], preferred_element_type=jnp.float32) * dinv[:, None]

    return pl.pallas_call(
        body,
        grid=(n // blk,),
        in_specs=[
            pl.BlockSpec((2, blk, d), lambda i: (0, i, 0)),
            pl.BlockSpec((blk, nw), lambda i: (i, 0)),
            pl.BlockSpec((1, d), lambda i: (0, 0)),
            pl.BlockSpec((d, d), lambda i: (0, 0)),
        ],
        out_specs=pl.BlockSpec((blk, d), lambda i: (i, 0)),
        out_shape=jax.ShapeDtypeStruct((n, d), jnp.float32),
    )(parts, degt, b, w)


def _tc_final(parts, degt, b, blk, n):
    _, _, d = parts.shape
    nw = degt.shape[1]

    def body(p_ref, degt_ref, b_ref, out_ref):
        dinv = _dinv_from_parts(degt_ref[...])
        agg = p_ref[0] + p_ref[1]
        out_ref[...] = agg * dinv[:, None] + b_ref[...]

    return pl.pallas_call(
        body,
        grid=(n // blk,),
        in_specs=[
            pl.BlockSpec((2, blk, d), lambda i: (0, i, 0)),
            pl.BlockSpec((blk, nw), lambda i: (i, 0)),
            pl.BlockSpec((1, d), lambda i: (0, 0)),
        ],
        out_specs=pl.BlockSpec((blk, d), lambda i: (i, 0)),
        out_shape=jax.ShapeDtypeStruct((n, d), jnp.float32),
    )(parts, degt, b)


def kernel(x, edge_index, W1, b1, W2, b2):
    info = plsc.get_sparse_core_info()
    assert (info.num_cores, info.num_subcores) == (NC, NS), (
        "kernel is laid out for 2 SparseCores x 16 subcores")
    n, d = x.shape
    e = edge_index.shape[1]

    n_pad = ((n + 16) + 127) // 128 * 128
    cpt = -(-e // (NW * CH * 8)) * 8
    e_pad = NW * cpt * CH
    pad = e_pad - e
    ei = edge_index.astype(jnp.int32)
    if pad:
        pad_src = ((jnp.arange(pad, dtype=jnp.int32) * 997) % n)
        pad_dst = n + jnp.arange(pad, dtype=jnp.int32) % (n_pad - n)
        if e % CH == 0:
            pad3 = jnp.stack(
                [pad_src.reshape(pad // CH, CH),
                 pad_dst.reshape(pad // CH, CH)])
            cat = jnp.concatenate(
                [ei.reshape(2, e // CH, CH), pad3], axis=1)
        else:
            cat = jnp.concatenate(
                [ei, jnp.stack([pad_src, pad_dst])],
                axis=1).reshape(2, e_pad // CH, CH)
    else:
        cat = ei.reshape(2, e // CH, CH)

    deg_p = _make_deg_kernel(n_pad, cpt)(cat)
    degt = deg_p.T

    blk = 2000 if n % 2000 == 0 else n
    b1r = b1.reshape(1, d)
    b2r = b2.reshape(1, d)

    edge_scatter = _make_edge_scatter_kernel(n_pad, cpt, d)

    hs1 = _tc_prescale_matmul(x, W1, degt, blk)
    p1 = edge_scatter(hs1, cat)
    hs2 = _tc_mid_layer(p1, degt, b1r, W2, blk, n)
    p2 = edge_scatter(hs2, cat)
    out = _tc_final(p2, degt, b2r, blk, n)
    return out

# --- scband reference (transcript-rebuilt; emitter-appended) ---
"""Pipeline reference for scband-gi-ga-mae-15298673509104 (READ-ONLY COPY).

The authoritative reference and input builder live on the scoring server;
editing this copy changes nothing except your own understanding.
"""

import jax, jax.numpy as jnp
import numpy as np

N_NODES = 10000
N_EDGES = 320000
D = 128


def setup_inputs(seed: int = 0) -> dict:
    key = jax.random.key(seed)
    k1, k2, k3, k4, k5, k6 = jax.random.split(key, 6)
    x = jax.random.normal(k1, (N_NODES, D), dtype=jnp.float32)
    edge_index = jax.random.randint(k2, (2, N_EDGES), 0, N_NODES, dtype=jnp.int64)
    scale = 1.0 / np.sqrt(D)
    W1 = jax.random.normal(k3, (D, D), dtype=jnp.float32) * scale
    b1 = jnp.zeros((D,), dtype=jnp.float32)
    W2 = jax.random.normal(k4, (D, D), dtype=jnp.float32) * scale
    b2 = jnp.zeros((D,), dtype=jnp.float32)
    return {"x": x, "edge_index": edge_index, "W1": W1, "b1": b1, "W2": W2, "b2": b2}


def _gcn_layer(h, src, dst, W, b, n_nodes):
    # GCN-style propagation: linear transform, gather by src, normalize, scatter-add to dst
    deg = jnp.zeros((n_nodes,), dtype=h.dtype).at[dst].add(1.0)
    deg = jnp.maximum(deg, 1.0)
    dinv = 1.0 / jnp.sqrt(deg)
    h = h @ W
    norm = dinv[src] * dinv[dst]
    msg = h[src] * norm[:, None]
    out = jnp.zeros((n_nodes, h.shape[1]), dtype=h.dtype).at[dst].add(msg)
    return out + b


def reference(x, edge_index, W1, b1, W2, b2):
    # GiGaMAE.forward -> self.encoder(x, edge_index): 2-layer GCN encoder,
    # returns final layer embedding z (encoder output used downstream).
    src = edge_index[0]
    dst = edge_index[1]
    n = x.shape[0]
    h1 = _gcn_layer(x, src, dst, W1, b1, n)
    h1 = jax.nn.relu(h1)
    h2 = _gcn_layer(h1, src, dst, W2, b2, n)
    return h2

if __name__ == "__main__":
    import jax
    _d = setup_inputs()
    print(jax.jit(kernel)(*tuple(_d.values())))

</pallas_src>

<mosaic_0001>
#map = affine_map<(d0, d1) -> (0, 0)>
#map1 = affine_map<(d0, d1) -> (0, 0, 0)>
module attributes {stable_mosaic.version = 14 : i64} {
  func.func @edge_kernel(%arg0: i32, %arg1: i32, %arg2: memref<10000x128xf32, #tpu.memory_space<hbm>>, %arg3: memref<2x2560x128xi32, #tpu.memory_space<hbm>>, %arg4: memref<2x10112x128xf32, #tpu.memory_space<hbm>>, %arg5: memref<40x128xi32, #tpu.memory_space<vmem>>, %arg6: memref<40x128xi32, #tpu.memory_space<vmem>>, %arg7: memref<128x128xf32, #tpu.memory_space<vmem>>, %arg8: memref<128x128xf32, #tpu.memory_space<vmem>>, %arg9: memref<10112x128xf32, #tpu.memory_space<vmem_shared>>, %arg10: memref<!tpu.dma_semaphore, #tpu.memory_space<semaphore_mem>>, %arg11: memref<!tpu.dma_semaphore, #tpu.memory_space<semaphore_mem>>) attributes {dimension_semantics = [#tpu.dimension_semantics<core_parallel>, #tpu.dimension_semantics<subcore_parallel>], iteration_bounds = array<i64: 2, 16>, scalar_prefetch = 0 : i64, scratch_operands = 7 : i64, tpu.core_type = #tpu.core_type<sc_vector_subcore>, window_params = [{transform_indices = #map}, {transform_indices = #map1}, {transform_indices = #map1}]} {
    %mul3A = arith.constant 2 : i32
    %mul3A_0 = arith.muli %arg1, %mul3A : i32
    %add3A = arith.addi %mul3A_0, %arg0 : i32
    "tpu.trace_start"() <{level = 10 : i32, message = "acc_zero"}> : () -> ()
    %scan3A = arith.constant 0 : i32
    %scan3A_1 = arith.constant 0 : i32
    %scan3A_2 = arith.constant 128 : i32
    %scan3A_3 = arith.addi %scan3A_1, %scan3A_2 : i32
    %scan3A_4 = arith.constant 1 : i32
    scf.for %scan3A_69 = %scan3A_1 to %scan3A_3 step %scan3A_4  : i32 {
      %broadcast_in_dim3A = arith.constant 0.000000e+00 : f32
      %broadcast_in_dim3A_70 = vector.broadcast %broadcast_in_dim3A : f32 to vector<16xf32>
      %swap3A = arith.index_cast %scan3A_69 : i32 to index
      %swap3A_71 = arith.constant 0 : index
      %swap3A_72 = tpu.vector_load %arg7[%swap3A, %swap3A_71] {strides = array<i32>} : memref<128x128xf32, #tpu.memory_space<vmem>>, vector<16xf32>,
      tpu.vector_store %arg7[%swap3A, %swap3A_71], %broadcast_in_dim3A_70 {strides = array<i32>} : memref<128x128xf32, #tpu.memory_space<vmem>>, vector<16xf32>,
      %broadcast_in_dim3A_73 = arith.constant 0.000000e+00 : f32
      %broadcast_in_dim3A_74 = vector.broadcast %broadcast_in_dim3A_73 : f32 to vector<16xf32>
      %swap3A_75 = arith.index_cast %scan3A_69 : i32 to index
      %swap3A_76 = arith.constant 16 : index
      %swap3A_77 = tpu.vector_load %arg7[%swap3A_75, %swap3A_76] {strides = array<i32>} : memref<128x128xf32, #tpu.memory_space<vmem>>, vector<16xf32>,
      tpu.vector_store %arg7[%swap3A_75, %swap3A_76], %broadcast_in_dim3A_74 {strides = array<i32>} : memref<128x128xf32, #tpu.memory_space<vmem>>, vector<16xf32>,
      %broadcast_in_dim3A_78 = arith.constant 0.000000e+00 : f32
      %broadcast_in_dim3A_79 = vector.broadcast %broadcast_in_dim3A_78 : f32 to vector<16xf32>
      %swap3A_80 = arith.index_cast %scan3A_69 : i32 to index
      %swap3A_81 = arith.constant 32 : index
      %swap3A_82 = tpu.vector_load %arg7[%swap3A_80, %swap3A_81] {strides = array<i32>} : memref<128x128xf32, #tpu.memory_space<vmem>>, vector<16xf32>,
      tpu.vector_store %arg7[%swap3A_80, %swap3A_81], %broadcast_in_dim3A_79 {strides = array<i32>} : memref<128x128xf32, #tpu.memory_space<vmem>>, vector<16xf32>,
      %broadcast_in_dim3A_83 = arith.constant 0.000000e+00 : f32
      %broadcast_in_dim3A_84 = vector.broadcast %broadcast_in_dim3A_83 : f32 to vector<16xf32>
      %swap3A_85 = arith.index_cast %scan3A_69 : i32 to index
      %swap3A_86 = arith.constant 48 : index
      %swap3A_87 = tpu.vector_load %arg7[%swap3A_85, %swap3A_86] {strides = array<i32>} : memref<128x128xf32, #tpu.memory_space<vmem>>, vector<16xf32>,
      tpu.vector_store %arg7[%swap3A_85, %swap3A_86], %broadcast_in_dim3A_84 {strides = array<i32>} : memref<128x128xf32, #tpu.memory_space<vmem>>, vector<16xf32>,
      %broadcast_in_dim3A_88 = arith.constant 0.000000e+00 : f32
      %broadcast_in_dim3A_89 = vector.broadcast %broadcast_in_dim3A_88 : f32 to vector<16xf32>
      %swap3A_90 = arith.index_cast %scan3A_69 : i32 to index
      %swap3A_91 = arith.constant 64 : index
      %swap3A_92 = tpu.vector_load %arg7[%swap3A_90, %swap3A_91] {strides = array<i32>} : memref<128x128xf32, #tpu.memory_space<vmem>>, vector<16xf32>,
      tpu.vector_store %arg7[%swap3A_90, %swap3A_91], %broadcast_in_dim3A_89 {strides = array<i32>} : memref<128x128xf32, #tpu.memory_space<vmem>>, vector<16xf32>,
      %broadcast_in_dim3A_93 = arith.constant 0.000000e+00 : f32
      %broadcast_in_dim3A_94 = vector.broadcast %broadcast_in_dim3A_93 : f32 to vector<16xf32>
      %swap3A_95 = arith.index_cast %scan3A_69 : i32 to index
      %swap3A_96 = arith.constant 80 : index
      %swap3A_97 = tpu.vector_load %arg7[%swap3A_95, %swap3A_96] {strides = array<i32>} : memref<128x128xf32, #tpu.memory_space<vmem>>, vector<16xf32>,
      tpu.vector_store %arg7[%swap3A_95, %swap3A_96], %broadcast_in_dim3A_94 {strides = array<i32>} : memref<128x128xf32, #tpu.memory_space<vmem>>, vector<16xf32>,
      %broadcast_in_dim3A_98 = arith.constant 0.000000e+00 : f32
      %broadcast_in_dim3A_99 = vector.broadcast %broadcast_in_dim3A_98 : f32 to vector<16xf32>
      %swap3A_100 = arith.index_cast %scan3A_69 : i32 to index
      %swap3A_101 = arith.constant 96 : index
      %swap3A_102 = tpu.vector_load %arg7[%swap3A_100, %swap3A_101] {strides = array<i32>} : memref<128x128xf32, #tpu.memory_space<vmem>>, vector<16xf32>,
      tpu.vector_store %arg7[%swap3A_100, %swap3A_101], %broadcast_in_dim3A_99 {strides = array<i32>} : memref<128x128xf32, #tpu.memory_space<vmem>>, vector<16xf32>,
      %broadcast_in_dim3A_103 = arith.constant 0.000000e+00 : f32
      %broadcast_in_dim3A_104 = vector.broadcast %broadcast_in_dim3A_103 : f32 to vector<16xf32>
      %swap3A_105 = arith.index_cast %scan3A_69 : i32 to index
      %swap3A_106 = arith.constant 112 : index
      %swap3A_107 = tpu.vector_load %arg7[%swap3A_105, %swap3A_106] {strides = array<i32>} : memref<128x128xf32, #tpu.memory_space<vmem>>, vector<16xf32>,
      tpu.vector_store %arg7[%swap3A_105, %swap3A_106], %broadcast_in_dim3A_104 {strides = array<i32>} : memref<128x128xf32, #tpu.memory_space<vmem>>, vector<16xf32>,
    }
    %scan3A_5 = arith.constant 128 : i32
    %mul3A_6 = arith.constant 632 : i32
    %mul3A_7 = arith.muli %arg1, %mul3A_6 : i32
    %add3A_8 = arith.constant 0 : i32
    %add3A_9 = arith.addi %mul3A_7, %add3A_8 : i32
    "tpu.region"() ({
      %run_scoped3A_69 = tpu.sem_alloc : memref<!tpu.dma_semaphore, #tpu.memory_space<semaphore_mem>>
      %dma_start3A_70 = arith.constant 0 : i32
      %dma_start3A_71 = arith.constant 0 : i32
      %dma_start3A_72 = tpu.memref_slice %arg7[%dma_start3A_70, %dma_start3A_71] : memref<128x128xf32, #tpu.memory_space<vmem>> -> memref<128x128xf32, #tpu.memory_space<vmem>>
      %dma_start3A_73 = arith.constant 0 : i32
      %dma_start3A_74 = tpu.memref_slice %arg9[%add3A_9, %dma_start3A_73] : memref<10112x128xf32, #tpu.memory_space<vmem_shared>> -> memref<128x128xf32, #tpu.memory_space<vmem_shared>>
      %dma_start3A_75 = arith.constant 0 : i32
      %dma_start3A_76 = tpu.memref_slice %arg9[%add3A_9, %dma_start3A_75] : memref<10112x128xf32, #tpu.memory_space<vmem_shared>> -> memref<128x128xf32, #tpu.memory_space<vmem_shared>>
      %dma_start3A_77 = arith.constant 0 : i32
      %dma_start3A_78 = arith.constant 0 : i32
      %dma_start3A_79 = tpu.memref_slice %arg7[%dma_start3A_77, %dma_start3A_78] : memref<128x128xf32, #tpu.memory_space<vmem>> -> memref<128x128xf32, #tpu.memory_space<vmem>>
      tpu.enqueue_dma source(%dma_start3A_79 : memref<128x128xf32, #tpu.memory_space<vmem>>) target(%dma_start3A_76 : memref<128x128xf32, #tpu.memory_space<vmem_shared>>) target_semaphore(%run_scoped3A_69 : memref<!tpu.dma_semaphore, #tpu.memory_space<semaphore_mem>>)
      %dma_wait3A = arith.constant 0 : i32
      %dma_wait3A_80 = arith.constant 0 : i32
      %dma_wait3A_81 = tpu.memref_slice %arg7[%dma_wait3A, %dma_wait3A_80] : memref<128x128xf32, #tpu.memory_space<vmem>> -> memref<128x128xf32, #tpu.memory_space<vmem>>
      %dma_wait3A_82 = arith.constant 0 : i32
      %dma_wait3A_83 = tpu.memref_slice %arg9[%add3A_9, %dma_wait3A_82] : memref<10112x128xf32, #tpu.memory_space<vmem_shared>> -> memref<128x128xf32, #tpu.memory_space<vmem_shared>>
      %dma_wait3A_84 = arith.constant 0 : i32
      %dma_wait3A_85 = tpu.memref_slice %arg9[%add3A_9, %dma_wait3A_84] : memref<10112x128xf32, #tpu.memory_space<vmem_shared>> -> memref<128x128xf32, #tpu.memory_space<vmem_shared>>
      %dma_wait3A_86 = arith.constant 0 : i32
      %dma_wait3A_87 = arith.constant 0 : i32
      %dma_wait3A_88 = tpu.memref_slice %arg7[%dma_wait3A_86, %dma_wait3A_87] : memref<128x128xf32, #tpu.memory_space<vmem>> -> memref<128x128xf32, #tpu.memory_space<vmem>>
      tpu.wait_dma2 semaphore(%run_scoped3A_69 : memref<!tpu.dma_semaphore, #tpu.memory_space<semaphore_mem>>) src(%dma_wait3A_88 : memref<128x128xf32, #tpu.memory_space<vmem>>) dst(%dma_wait3A_85 : memref<128x128xf32, #tpu.memory_space<vmem_shared>>)
      tpu.yield
    }) : () -> ()
    %add3A_10 = arith.constant 128 : i32
    %add3A_11 = arith.addi %mul3A_7, %add3A_10 : i32
    "tpu.region"() ({
      %run_scoped3A_69 = tpu.sem_alloc : memref<!tpu.dma_semaphore, #tpu.memory_space<semaphore_mem>>
      %dma_start3A_70 = arith.constant 0 : i32
      %dma_start3A_71 = arith.constant 0 : i32
      %dma_start3A_72 = tpu.memref_slice %arg7[%dma_start3A_70, %dma_start3A_71] : memref<128x128xf32, #tpu.memory_space<vmem>> -> memref<128x128xf32, #tpu.memory_space<vmem>>
      %dma_start3A_73 = arith.constant 0 : i32
      %dma_start3A_74 = tpu.memref_slice %arg9[%add3A_11, %dma_start3A_73] : memref<10112x128xf32, #tpu.memory_space<vmem_shared>> -> memref<128x128xf32, #tpu.memory_space<vmem_shared>>
      %dma_start3A_75 = arith.constant 0 : i32
      %dma_start3A_76 = tpu.memref_slice %arg9[%add3A_11, %dma_start3A_75] : memref<10112x128xf32, #tpu.memory_space<vmem_shared>> -> memref<128x128xf32, #tpu.memory_space<vmem_shared>>
      %dma_start3A_77 = arith.constant 0 : i32
      %dma_start3A_78 = arith.constant 0 : i32
      %dma_start3A_79 = tpu.memref_slice %arg7[%dma_start3A_77, %dma_start3A_78] : memref<128x128xf32, #tpu.memory_space<vmem>> -> memref<128x128xf32, #tpu.memory_space<vmem>>
      tpu.enqueue_dma source(%dma_start3A_79 : memref<128x128xf32, #tpu.memory_space<vmem>>) target(%dma_start3A_76 : memref<128x128xf32, #tpu.memory_space<vmem_shared>>) target_semaphore(%run_scoped3A_69 : memref<!tpu.dma_semaphore, #tpu.memory_space<semaphore_mem>>)
      %dma_wait3A = arith.constant 0 : i32
      %dma_wait3A_80 = arith.constant 0 : i32
      %dma_wait3A_81 = tpu.memref_slice %arg7[%dma_wait3A, %dma_wait3A_80] : memref<128x128xf32, #tpu.memory_space<vmem>> -> memref<128x128xf32, #tpu.memory_space<vmem>>
      %dma_wait3A_82 = arith.constant 0 : i32
      %dma_wait3A_83 = tpu.memref_slice %arg9[%add3A_11, %dma_wait3A_82] : memref<10112x128xf32, #tpu.memory_space<vmem_shared>> -> memref<128x128xf32, #tpu.memory_space<vmem_shared>>
      %dma_wait3A_84 = arith.constant 0 : i32
      %dma_wait3A_85 = tpu.memref_slice %arg9[%add3A_11, %dma_wait3A_84] : memref<10112x128xf32, #tpu.memory_space<vmem_shared>> -> memref<128x128xf32, #tpu.memory_space<vmem_shared>>
      %dma_wait3A_86 = arith.constant 0 : i32
      %dma_wait3A_87 = arith.constant 0 : i32
      %dma_wait3A_88 = tpu.memref_slice %arg7[%dma_wait3A_86, %dma_wait3A_87] : memref<128x128xf32, #tpu.memory_space<vmem>> -> memref<128x128xf32, #tpu.memory_space<vmem>>
      tpu.wait_dma2 semaphore(%run_scoped3A_69 : memref<!tpu.dma_semaphore, #tpu.memory_space<semaphore_mem>>) src(%dma_wait3A_88 : memref<128x128xf32, #tpu.memory_space<vmem>>) dst(%dma_wait3A_85 : memref<128x128xf32, #tpu.memory_space<vmem_shared>>)
      tpu.yield
    }) : () -> ()
    %add3A_12 = arith.constant 256 : i32
    %add3A_13 = arith.addi %mul3A_7, %add3A_12 : i32
    "tpu.region"() ({
      %run_scoped3A_69 = tpu.sem_alloc : memref<!tpu.dma_semaphore, #tpu.memory_space<semaphore_mem>>
      %dma_start3A_70 = arith.constant 0 : i32
      %dma_start3A_71 = arith.constant 0 : i32
      %dma_start3A_72 = tpu.memref_slice %arg7[%dma_start3A_70, %dma_start3A_71] : memref<128x128xf32, #tpu.memory_space<vmem>> -> memref<128x128xf32, #tpu.memory_space<vmem>>
      %dma_start3A_73 = arith.constant 0 : i32
      %dma_start3A_74 = tpu.memref_slice %arg9[%add3A_13, %dma_start3A_73] : memref<10112x128xf32, #tpu.memory_space<vmem_shared>> -> memref<128x128xf32, #tpu.memory_space<vmem_shared>>
      %dma_start3A_75 = arith.constant 0 : i32
      %dma_start3A_76 = tpu.memref_slice %arg9[%add3A_13, %dma_start3A_75] : memref<10112x128xf32, #tpu.memory_space<vmem_shared>> -> memref<128x128xf32, #tpu.memory_space<vmem_shared>>
      %dma_start3A_77 = arith.constant 0 : i32
      %dma_start3A_78 = arith.constant 0 : i32
      %dma_start3A_79 = tpu.memref_slice %arg7[%dma_start3A_77, %dma_start3A_78] : memref<128x128xf32, #tpu.memory_space<vmem>> -> memref<128x128xf32, #tpu.memory_space<vmem>>
      tpu.enqueue_dma source(%dma_start3A_79 : memref<128x128xf32, #tpu.memory_space<vmem>>) target(%dma_start3A_76 : memref<128x128xf32, #tpu.memory_space<vmem_shared>>) target_semaphore(%run_scoped3A_69 : memref<!tpu.dma_semaphore, #tpu.memory_space<semaphore_mem>>)
      %dma_wait3A = arith.constant 0 : i32
      %dma_wait3A_80 = arith.constant 0 : i32
      %dma_wait3A_81 = tpu.memref_slice %arg7[%dma_wait3A, %dma_wait3A_80] : memref<128x128xf32, #tpu.memory_space<vmem>> -> memref<128x128xf32, #tpu.memory_space<vmem>>
      %dma_wait3A_82 = arith.constant 0 : i32
      %dma_wait3A_83 = tpu.memref_slice %arg9[%add3A_13, %dma_wait3A_82] : memref<10112x128xf32, #tpu.memory_space<vmem_shared>> -> memref<128x128xf32, #tpu.memory_space<vmem_shared>>
      %dma_wait3A_84 = arith.constant 0 : i32
      %dma_wait3A_85 = tpu.memref_slice %arg9[%add3A_13, %dma_wait3A_84] : memref<10112x128xf32, #tpu.memory_space<vmem_shared>> -> memref<128x128xf32, #tpu.memory_space<vmem_shared>>
      %dma_wait3A_86 = arith.constant 0 : i32
      %dma_wait3A_87 = arith.constant 0 : i32
      %dma_wait3A_88 = tpu.memref_slice %arg7[%dma_wait3A_86, %dma_wait3A_87] : memref<128x128xf32, #tpu.memory_space<vmem>> -> memref<128x128xf32, #tpu.memory_space<vmem>>
      tpu.wait_dma2 semaphore(%run_scoped3A_69 : memref<!tpu.dma_semaphore, #tpu.memory_space<semaphore_mem>>) src(%dma_wait3A_88 : memref<128x128xf32, #tpu.memory_space<vmem>>) dst(%dma_wait3A_85 : memref<128x128xf32, #tpu.memory_space<vmem_shared>>)
      tpu.yield
    }) : () -> ()
    %add3A_14 = arith.constant 384 : i32
    %add3A_15 = arith.addi %mul3A_7, %add3A_14 : i32
    "tpu.region"() ({
      %run_scoped3A_69 = tpu.sem_alloc : memref<!tpu.dma_semaphore, #tpu.memory_space<semaphore_mem>>
      %dma_start3A_70 = arith.constant 0 : i32
      %dma_start3A_71 = arith.constant 0 : i32
      %dma_start3A_72 = tpu.memref_slice %arg7[%dma_start3A_70, %dma_start3A_71] : memref<128x128xf32, #tpu.memory_space<vmem>> -> memref<128x128xf32, #tpu.memory_space<vmem>>
      %dma_start3A_73 = arith.constant 0 : i32
      %dma_start3A_74 = tpu.memref_slice %arg9[%add3A_15, %dma_start3A_73] : memref<10112x128xf32, #tpu.memory_space<vmem_shared>> -> memref<128x128xf32, #tpu.memory_space<vmem_shared>>
      %dma_start3A_75 = arith.constant 0 : i32
      %dma_start3A_76 = tpu.memref_slice %arg9[%add3A_15, %dma_start3A_75] : memref<10112x128xf32, #tpu.memory_space<vmem_shared>> -> memref<128x128xf32, #tpu.memory_space<vmem_shared>>
      %dma_start3A_77 = arith.constant 0 : i32
      %dma_start3A_78 = arith.constant 0 : i32
      %dma_start3A_79 = tpu.memref_slice %arg7[%dma_start3A_77, %dma_start3A_78] : memref<128x128xf32, #tpu.memory_space<vmem>> -> memref<128x128xf32, #tpu.memory_space<vmem>>
      tpu.enqueue_dma source(%dma_start3A_79 : memref<128x128xf32, #tpu.memory_space<vmem>>) target(%dma_start3A_76 : memref<128x128xf32, #tpu.memory_space<vmem_shared>>) target_semaphore(%run_scoped3A_69 : memref<!tpu.dma_semaphore, #tpu.memory_space<semaphore_mem>>)
      %dma_wait3A = arith.constant 0 : i32
      %dma_wait3A_80 = arith.constant 0 : i32
      %dma_wait3A_81 = tpu.memref_slice %arg7[%dma_wait3A, %dma_wait3A_80] : memref<128x128xf32, #tpu.memory_space<vmem>> -> memref<128x128xf32, #tpu.memory_space<vmem>>
      %dma_wait3A_82 = arith.constant 0 : i32
      %dma_wait3A_83 = tpu.memref_slice %arg9[%add3A_15, %dma_wait3A_82] : memref<10112x128xf32, #tpu.memory_space<vmem_shared>> -> memref<128x128xf32, #tpu.memory_space<vmem_shared>>
      %dma_wait3A_84 = arith.constant 0 : i32
      %dma_wait3A_85 = tpu.memref_slice %arg9[%add3A_15, %dma_wait3A_84] : memref<10112x128xf32, #tpu.memory_space<vmem_shared>> -> memref<128x128xf32, #tpu.memory_space<vmem_shared>>
      %dma_wait3A_86 = arith.constant 0 : i32
      %dma_wait3A_87 = arith.constant 0 : i32
      %dma_wait3A_88 = tpu.memref_slice %arg7[%dma_wait3A_86, %dma_wait3A_87] : memref<128x128xf32, #tpu.memory_space<vmem>> -> memref<128x128xf32, #tpu.memory_space<vmem>>
      tpu.wait_dma2 semaphore(%run_scoped3A_69 : memref<!tpu.dma_semaphore, #tpu.memory_space<semaphore_mem>>) src(%dma_wait3A_88 : memref<128x128xf32, #tpu.memory_space<vmem>>) dst(%dma_wait3A_85 : memref<128x128xf32, #tpu.memory_space<vmem_shared>>)
      tpu.yield
    }) : () -> ()
    %add3A_16 = arith.constant 512 : i32
    %add3A_17 = arith.addi %mul3A_7, %add3A_16 : i32
    "tpu.region"() ({
      %run_scoped3A_69 = tpu.sem_alloc : memref<!tpu.dma_semaphore, #tpu.memory_space<semaphore_mem>>
      %dma_start3A_70 = arith.constant 0 : i32
      %dma_start3A_71 = arith.constant 0 : i32
      %dma_start3A_72 = tpu.memref_slice %arg7[%dma_start3A_70, %dma_start3A_71] : memref<128x128xf32, #tpu.memory_space<vmem>> -> memref<120x128xf32, #tpu.memory_space<vmem>>
      %dma_start3A_73 = arith.constant 0 : i32
      %dma_start3A_74 = tpu.memref_slice %arg9[%add3A_17, %dma_start3A_73] : memref<10112x128xf32, #tpu.memory_space<vmem_shared>> -> memref<120x128xf32, #tpu.memory_space<vmem_shared>>
      %dma_start3A_75 = arith.constant 0 : i32
      %dma_start3A_76 = tpu.memref_slice %arg9[%add3A_17, %dma_start3A_75] : memref<10112x128xf32, #tpu.memory_space<vmem_shared>> -> memref<120x128xf32, #tpu.memory_space<vmem_shared>>
      %dma_start3A_77 = arith.constant 0 : i32
      %dma_start3A_78 = arith.constant 0 : i32
      %dma_start3A_79 = tpu.memref_slice %arg7[%dma_start3A_77, %dma_start3A_78] : memref<128x128xf32, #tpu.memory_space<vmem>> -> memref<120x128xf32, #tpu.memory_space<vmem>>
      tpu.enqueue_dma source(%dma_start3A_79 : memref<120x128xf32, #tpu.memory_space<vmem>>) target(%dma_start3A_76 : memref<120x128xf32, #tpu.memory_space<vmem_shared>>) target_semaphore(%run_scoped3A_69 : memref<!tpu.dma_semaphore, #tpu.memory_space<semaphore_mem>>)
      %dma_wait3A = arith.constant 0 : i32
      %dma_wait3A_80 = arith.constant 0 : i32
      %dma_wait3A_81 = tpu.memref_slice %arg7[%dma_wait3A, %dma_wait3A_80] : memref<128x128xf32, #tpu.memory_space<vmem>> -> memref<120x128xf32, #tpu.memory_space<vmem>>
      %dma_wait3A_82 = arith.constant 0 : i32
      %dma_wait3A_83 = tpu.memref_slice %arg9[%add3A_17, %dma_wait3A_82] : memref<10112x128xf32, #tpu.memory_space<vmem_shared>> -> memref<120x128xf32, #tpu.memory_space<vmem_shared>>
      %dma_wait3A_84 = arith.constant 0 : i32
      %dma_wait3A_85 = tpu.memref_slice %arg9[%add3A_17, %dma_wait3A_84] : memref<10112x128xf32, #tpu.memory_space<vmem_shared>> -> memref<120x128xf32, #tpu.memory_space<vmem_shared>>
      %dma_wait3A_86 = arith.constant 0 : i32
      %dma_wait3A_87 = arith.constant 0 : i32
      %dma_wait3A_88 = tpu.memref_slice %arg7[%dma_wait3A_86, %dma_wait3A_87] : memref<128x128xf32, #tpu.memory_space<vmem>> -> memref<120x128xf32, #tpu.memory_space<vmem>>
      tpu.wait_dma2 semaphore(%run_scoped3A_69 : memref<!tpu.dma_semaphore, #tpu.memory_space<semaphore_mem>>) src(%dma_wait3A_88 : memref<120x128xf32, #tpu.memory_space<vmem>>) dst(%dma_wait3A_85 : memref<120x128xf32, #tpu.memory_space<vmem_shared>>)
      tpu.yield
    }) : () -> ()
    %barrier3A = arith.constant 0 : index
    tpu.barrier barrier_id(%barrier3A)
    "tpu.trace_stop"() : () -> ()
    "tpu.trace_start"() <{level = 10 : i32, message = "edge_loop"}> : () -> ()
    %mul3A_18 = arith.constant 80 : i32
    %mul3A_19 = arith.muli %add3A, %mul3A_18 : i32
    %add3A_20 = arith.constant 0 : i32
    %add3A_21 = arith.addi %mul3A_19, %add3A_20 : i32
    %run_scoped3A = arith.constant 0 : i32
    "tpu.region"() ({
      %run_scoped3A_69 = tpu.sem_alloc : memref<!tpu.dma_semaphore, #tpu.memory_space<semaphore_mem>>
      %dma_start3A_70 = arith.constant 0 : i32
      %dma_start3A_71 = tpu.memref_slice %arg3[%run_scoped3A, %add3A_21, %dma_start3A_70] : memref<2x2560x128xi32, #tpu.memory_space<hbm>> -> memref<1x40x128xi32, #tpu.memory_space<hbm>>
      %dma_start3A_72 = tpu.memref_squeeze %dma_start3A_71 : memref<1x40x128xi32, #tpu.memory_space<hbm>> -> memref<40x128xi32, #tpu.memory_space<hbm>>
      %dma_start3A_73 = arith.constant 0 : i32
      %dma_start3A_74 = tpu.memref_slice %arg3[%run_scoped3A, %add3A_21, %dma_start3A_73] : memref<2x2560x128xi32, #tpu.memory_space<hbm>> -> memref<1x40x128xi32, #tpu.memory_space<hbm>>
      %dma_start3A_75 = tpu.memref_squeeze %dma_start3A_74 : memref<1x40x128xi32, #tpu.memory_space<hbm>> -> memref<40x128xi32, #tpu.memory_space<hbm>>
      tpu.enqueue_dma source(%dma_start3A_75 : memref<40x128xi32, #tpu.memory_space<hbm>>) target(%arg5 : memref<40x128xi32, #tpu.memory_space<vmem>>) target_semaphore(%run_scoped3A_69 : memref<!tpu.dma_semaphore, #tpu.memory_space<semaphore_mem>>)
      %dma_wait3A = arith.constant 0 : i32
      %dma_wait3A_76 = tpu.memref_slice %arg3[%run_scoped3A, %add3A_21, %dma_wait3A] : memref<2x2560x128xi32, #tpu.memory_space<hbm>> -> memref<1x40x128xi32, #tpu.memory_space<hbm>>
      %dma_wait3A_77 = tpu.memref_squeeze %dma_wait3A_76 : memref<1x40x128xi32, #tpu.memory_space<hbm>> -> memref<40x128xi32, #tpu.memory_space<hbm>>
      %dma_wait3A_78 = arith.constant 0 : i32
      %dma_wait3A_79 = tpu.memref_slice %arg3[%run_scoped3A, %add3A_21, %dma_wait3A_78] : memref<2x2560x128xi32, #tpu.memory_space<hbm>> -> memref<1x40x128xi32, #tpu.memory_space<hbm>>
      %dma_wait3A_80 = tpu.memref_squeeze %dma_wait3A_79 : memref<1x40x128xi32, #tpu.memory_space<hbm>> -> memref<40x128xi32, #tpu.memory_space<hbm>>
      tpu.wait_dma2 semaphore(%run_scoped3A_69 : memref<!tpu.dma_semaphore, #tpu.memory_space<semaphore_mem>>) src(%dma_wait3A_80 : memref<40x128xi32, #tpu.memory_space<hbm>>) dst(%arg5 : memref<40x128xi32, #tpu.memory_space<vmem>>)
      tpu.yield
    }) : () -> ()
    %run_scoped3A_22 = arith.constant 1 : i32
    "tpu.region"() ({
      %run_scoped3A_69 = tpu.sem_alloc : memref<!tpu.dma_semaphore, #tpu.memory_space<semaphore_mem>>
      %dma_start3A_70 = arith.constant 0 : i32
      %dma_start3A_71 = tpu.memref_slice %arg3[%run_scoped3A_22, %add3A_21, %dma_start3A_70] : memref<2x2560x128xi32, #tpu.memory_space<hbm>> -> memref<1x40x128xi32, #tpu.memory_space<hbm>>
      %dma_start3A_72 = tpu.memref_squeeze %dma_start3A_71 : memref<1x40x128xi32, #tpu.memory_space<hbm>> -> memref<40x128xi32, #tpu.memory_space<hbm>>
      %dma_start3A_73 = arith.constant 0 : i32
      %dma_start3A_74 = tpu.memref_slice %arg3[%run_scoped3A_22, %add3A_21, %dma_start3A_73] : memref<2x2560x128xi32, #tpu.memory_space<hbm>> -> memref<1x40x128xi32, #tpu.memory_space<hbm>>
      %dma_start3A_75 = tpu.memref_squeeze %dma_start3A_74 : memref<1x40x128xi32, #tpu.memory_space<hbm>> -> memref<40x128xi32, #tpu.memory_space<hbm>>
      tpu.enqueue_dma source(%dma_start3A_75 : memref<40x128xi32, #tpu.memory_space<hbm>>) target(%arg6 : memref<40x128xi32, #tpu.memory_space<vmem>>) target_semaphore(%run_scoped3A_69 : memref<!tpu.dma_semaphore, #tpu.memory_space<semaphore_mem>>)
      %dma_wait3A = arith.constant 0 : i32
      %dma_wait3A_76 = tpu.memref_slice %arg3[%run_scoped3A_22, %add3A_21, %dma_wait3A] : memref<2x2560x128xi32, #tpu.memory_space<hbm>> -> memref<1x40x128xi32, #tpu.memory_space<hbm>>
      %dma_wait3A_77 = tpu.memref_squeeze %dma_wait3A_76 : memref<1x40x128xi32, #tpu.memory_space<hbm>> -> memref<40x128xi32, #tpu.memory_space<hbm>>
      %dma_wait3A_78 = arith.constant 0 : i32
      %dma_wait3A_79 = tpu.memref_slice %arg3[%run_scoped3A_22, %add3A_21, %dma_wait3A_78] : memref<2x2560x128xi32, #tpu.memory_space<hbm>> -> memref<1x40x128xi32, #tpu.memory_space<hbm>>
      %dma_wait3A_80 = tpu.memref_squeeze %dma_wait3A_79 : memref<1x40x128xi32, #tpu.memory_space<hbm>> -> memref<40x128xi32, #tpu.memory_space<hbm>>
      tpu.wait_dma2 semaphore(%run_scoped3A_69 : memref<!tpu.dma_semaphore, #tpu.memory_space<semaphore_mem>>) src(%dma_wait3A_80 : memref<40x128xi32, #tpu.memory_space<hbm>>) dst(%arg6 : memref<40x128xi32, #tpu.memory_space<vmem>>)
      tpu.yield
    }) : () -> ()
    %dma_start3A = arith.constant 0 : i32
    %dma_start3A_23 = arith.constant 0 : i32
    %dma_start3A_24 = tpu.memref_slice %arg5[%dma_start3A, %dma_start3A_23] : memref<40x128xi32, #tpu.memory_space<vmem>> -> memref<1x128xi32, #tpu.memory_space<vmem>>
    %dma_start3A_25 = tpu.memref_squeeze %dma_start3A_24 : memref<1x128xi32, #tpu.memory_space<vmem>> -> memref<128xi32, #tpu.memory_space<vmem>>
    %dma_start3A_26 = arith.constant 0 : i32
    %dma_start3A_27 = arith.constant 0 : i32
    %dma_start3A_28 = tpu.memref_slice %arg2[%dma_start3A_26, %dma_start3A_27] : memref<10000x128xf32, #tpu.memory_space<hbm>> -> memref<10000x128xf32, #tpu.memory_space<hbm>>
    tpu.enqueue_indirect_dma source(%dma_start3A_28 : memref<10000x128xf32, #tpu.memory_space<hbm>>) target(%arg7 : memref<128x128xf32, #tpu.memory_space<vmem>>) offsets(%dma_start3A_25 : memref<128xi32, #tpu.memory_space<vmem>>) semaphore(%arg10 : memref<!tpu.dma_semaphore, #tpu.memory_space<semaphore_mem>>)
    %dma_start3A_29 = arith.constant 1 : i32
    %dma_start3A_30 = arith.constant 0 : i32
    %dma_start3A_31 = tpu.memref_slice %arg5[%dma_start3A_29, %dma_start3A_30] : memref<40x128xi32, #tpu.memory_space<vmem>> -> memref<1x128xi32, #tpu.memory_space<vmem>>
    %dma_start3A_32 = tpu.memref_squeeze %dma_start3A_31 : memref<1x128xi32, #tpu.memory_space<vmem>> -> memref<128xi32, #tpu.memory_space<vmem>>
    %dma_start3A_33 = arith.constant 0 : i32
    %dma_start3A_34 = arith.constant 0 : i32
    %dma_start3A_35 = tpu.memref_slice %arg2[%dma_start3A_33, %dma_start3A_34] : memref<10000x128xf32, #tpu.memory_space<hbm>> -> memref<10000x128xf32, #tpu.memory_space<hbm>>
    tpu.enqueue_indirect_dma source(%dma_start3A_35 : memref<10000x128xf32, #tpu.memory_space<hbm>>) target(%arg8 : memref<128x128xf32, #tpu.memory_space<vmem>>) offsets(%dma_start3A_32 : memref<128xi32, #tpu.memory_space<vmem>>) semaphore(%arg11 : memref<!tpu.dma_semaphore, #tpu.memory_space<semaphore_mem>>)
    %scan3A_36 = arith.constant 0 : i32
    %scan3A_37 = arith.constant 0 : i32
    %scan3A_38 = arith.constant 20 : i32
    %scan3A_39 = arith.addi %scan3A_37, %scan3A_38 : i32
    %scan3A_40 = arith.constant 1 : i32
    scf.for %scan3A_69 = %scan3A_37 to %scan3A_39 step %scan3A_40  : i32 {
      %mul3A_70 = arith.constant 2 : i32
      %mul3A_71 = arith.muli %scan3A_69, %mul3A_70 : i32
      %add3A_72 = arith.constant 0 : i32
      %add3A_73 = arith.addi %mul3A_71, %add3A_72 : i32
      %dma_wait3A = arith.constant 0 : i32
      %dma_wait3A_74 = tpu.memref_slice %arg5[%add3A_73, %dma_wait3A] : memref<40x128xi32, #tpu.memory_space<vmem>> -> memref<1x128xi32, #tpu.memory_space<vmem>>
      %dma_wait3A_75 = tpu.memref_squeeze %dma_wait3A_74 : memref<1x128xi32, #tpu.memory_space<vmem>> -> memref<128xi32, #tpu.memory_space<vmem>>
      %dma_wait3A_76 = arith.constant 0 : i32
      %dma_wait3A_77 = arith.constant 0 : i32
      %dma_wait3A_78 = tpu.memref_slice %arg2[%dma_wait3A_76, %dma_wait3A_77] : memref<10000x128xf32, #tpu.memory_space<hbm>> -> memref<10000x128xf32, #tpu.memory_space<hbm>>
      tpu.wait_indirect_dma semaphore(%arg10 : memref<!tpu.dma_semaphore, #tpu.memory_space<semaphore_mem>>) src(%dma_wait3A_78 : memref<10000x128xf32, #tpu.memory_space<hbm>>) dst(%arg7 : memref<128x128xf32, #tpu.memory_space<vmem>>)
      "tpu.region"() ({
        %run_scoped3A_98 = tpu.sem_alloc : memref<!tpu.dma_semaphore, #tpu.memory_space<semaphore_mem>>
        %dma_start3A_99 = arith.constant 0 : i32
        %dma_start3A_100 = tpu.memref_slice %arg6[%add3A_73, %dma_start3A_99] : memref<40x128xi32, #tpu.memory_space<vmem>> -> memref<1x128xi32, #tpu.memory_space<vmem>>
        %dma_start3A_101 = tpu.memref_squeeze %dma_start3A_100 : memref<1x128xi32, #tpu.memory_space<vmem>> -> memref<128xi32, #tpu.memory_space<vmem>>
        %dma_start3A_102 = arith.constant 0 : i32
        %dma_start3A_103 = arith.constant 0 : i32
        %dma_start3A_104 = tpu.memref_slice %arg9[%dma_start3A_102, %dma_start3A_103] : memref<10112x128xf32, #tpu.memory_space<vmem_shared>> -> memref<10112x128xf32, #tpu.memory_space<vmem_shared>>
        tpu.enqueue_indirect_dma source(%arg7 : memref<128x128xf32, #tpu.memory_space<vmem>>) target(%dma_start3A_104 : memref<10112x128xf32, #tpu.memory_space<vmem_shared>>) offsets(%dma_start3A_101 : memref<128xi32, #tpu.memory_space<vmem>>) semaphore(%run_scoped3A_98 : memref<!tpu.dma_semaphore, #tpu.memory_space<semaphore_mem>>) {add = true}
        %dma_wait3A_105 = arith.constant 0 : i32
        %dma_wait3A_106 = tpu.memref_slice %arg6[%add3A_73, %dma_wait3A_105] : memref<40x128xi32, #tpu.memory_space<vmem>> -> memref<1x128xi32, #tpu.memory_space<vmem>>
        %dma_wait3A_107 = tpu.memref_squeeze %dma_wait3A_106 : memref<1x128xi32, #tpu.memory_space<vmem>> -> memref<128xi32, #tpu.memory_space<vmem>>
        %dma_wait3A_108 = arith.constant 0 : i32
        %dma_wait3A_109 = arith.constant 0 : i32
        %dma_wait3A_110 = tpu.memref_slice %arg9[%dma_wait3A_108, %dma_wait3A_109] : memref<10112x128xf32, #tpu.memory_space<vmem_shared>> -> memref<10112x128xf32, #tpu.memory_space<vmem_shared>>
        tpu.wait_indirect_dma semaphore(%run_scoped3A_98 : memref<!tpu.dma_semaphore, #tpu.memory_space<semaphore_mem>>) src(%arg7 : memref<128x128xf32, #tpu.memory_space<vmem>>) dst(%dma_wait3A_110 : memref<10112x128xf32, #tpu.memory_space<vmem_shared>>)
        tpu.yield
      }) : () -> ()
      %add3A_79 = arith.constant 2 : i32
      %add3A_80 = arith.addi %add3A_73, %add3A_79 : i32
      %lt3A = arith.constant 40 : i32
      %lt3A_81 = arith.cmpi slt, %add3A_80, %lt3A : i32
      %convert_element_type3A = arith.extui %lt3A_81 : i1 to i32
      %cond3A = arith.constant 0 : i32
      %cond3A_82 = arith.cmpi ne, %convert_element_type3A, %cond3A : i32
      scf.if %cond3A_82 {
        %add3A_98 = arith.constant 2 : i32
        %add3A_99 = arith.addi %add3A_73, %add3A_98 : i32
        %dma_start3A_100 = arith.constant 0 : i32
        %dma_start3A_101 = tpu.memref_slice %arg5[%add3A_99, %dma_start3A_100] : memref<40x128xi32, #tpu.memory_space<vmem>> -> memref<1x128xi32, #tpu.memory_space<vmem>>
        %dma_start3A_102 = tpu.memref_squeeze %dma_start3A_101 : memref<1x128xi32, #tpu.memory_space<vmem>> -> memref<128xi32, #tpu.memory_space<vmem>>
        %dma_start3A_103 = arith.constant 0 : i32
        %dma_start3A_104 = arith.constant 0 : i32
        %dma_start3A_105 = tpu.memref_slice %arg2[%dma_start3A_103, %dma_start3A_104] : memref<10000x128xf32, #tpu.memory_space<hbm>> -> memref<10000x128xf32, #tpu.memory_space<hbm>>
        tpu.enqueue_indirect_dma source(%dma_start3A_105 : memref<10000x128xf32, #tpu.memory_space<hbm>>) target(%arg7 : memref<128x128xf32, #tpu.memory_space<vmem>>) offsets(%dma_start3A_102 : memref<128xi32, #tpu.memory_space<vmem>>) semaphore(%arg10 : memref<!tpu.dma_semaphore, #tpu.memory_space<semaphore_mem>>)
      } else {
      }
      %add3A_83 = arith.constant 1 : i32
      %add3A_84 = arith.addi %mul3A_71, %add3A_83 : i32
      %dma_wait3A_85 = arith.constant 0 : i32
      %dma_wait3A_86 = tpu.memref_slice %arg5[%add3A_84, %dma_wait3A_85] : memref<40x128xi32, #tpu.memory_space<vmem>> -> memref<1x128xi32, #tpu.memory_space<vmem>>
      %dma_wait3A_87 = tpu.memref_squeeze %dma_wait3A_86 : memref<1x128xi32, #tpu.memory_space<vmem>> -> memref<128xi32, #tpu.memory_space<vmem>>
      %dma_wait3A_88 = arith.constant 0 : i32
      %dma_wait3A_89 = arith.constant 0 : i32
      %dma_wait3A_90 = tpu.memref_slice %arg2[%dma_wait3A_88, %dma_wait3A_89] : memref<10000x128xf32, #tpu.memory_space<hbm>> -> memref<10000x128xf32, #tpu.memory_space<hbm>>
      tpu.wait_indirect_dma semaphore(%arg11 : memref<!tpu.dma_semaphore, #tpu.memory_space<semaphore_mem>>) src(%dma_wait3A_90 : memref<10000x128xf32, #tpu.memory_space<hbm>>) dst(%arg8 : memref<128x128xf32, #tpu.memory_space<vmem>>)
      "tpu.region"() ({
        %run_scoped3A_98 = tpu.sem_alloc : memref<!tpu.dma_semaphore, #tpu.memory_space<semaphore_mem>>
        %dma_start3A_99 = arith.constant 0 : i32
        %dma_start3A_100 = tpu.memref_slice %arg6[%add3A_84, %dma_start3A_99] : memref<40x128xi32, #tpu.memory_space<vmem>> -> memref<1x128xi32, #tpu.memory_space<vmem>>
        %dma_start3A_101 = tpu.memref_squeeze %dma_start3A_100 : memref<1x128xi32, #tpu.memory_space<vmem>> -> memref<128xi32, #tpu.memory_space<vmem>>
        %dma_start3A_102 = arith.constant 0 : i32
        %dma_start3A_103 = arith.constant 0 : i32
        %dma_start3A_104 = tpu.memref_slice %arg9[%dma_start3A_102, %dma_start3A_103] : memref<10112x128xf32, #tpu.memory_space<vmem_shared>> -> memref<10112x128xf32, #tpu.memory_space<vmem_shared>>
        tpu.enqueue_indirect_dma source(%arg8 : memref<128x128xf32, #tpu.memory_space<vmem>>) target(%dma_start3A_104 : memref<10112x128xf32, #tpu.memory_space<vmem_shared>>) offsets(%dma_start3A_101 : memref<128xi32, #tpu.memory_space<vmem>>) semaphore(%run_scoped3A_98 : memref<!tpu.dma_semaphore, #tpu.memory_space<semaphore_mem>>) {add = true}
        %dma_wait3A_105 = arith.constant 0 : i32
        %dma_wait3A_106 = tpu.memref_slice %arg6[%add3A_84, %dma_wait3A_105] : memref<40x128xi32, #tpu.memory_space<vmem>> -> memref<1x128xi32, #tpu.memory_space<vmem>>
        %dma_wait3A_107 = tpu.memref_squeeze %dma_wait3A_106 : memref<1x128xi32, #tpu.memory_space<vmem>> -> memref<128xi32, #tpu.memory_space<vmem>>
        %dma_wait3A_108 = arith.constant 0 : i32
        %dma_wait3A_109 = arith.constant 0 : i32
        %dma_wait3A_110 = tpu.memref_slice %arg9[%dma_wait3A_108, %dma_wait3A_109] : memref<10112x128xf32, #tpu.memory_space<vmem_shared>> -> memref<10112x128xf32, #tpu.memory_space<vmem_shared>>
        tpu.wait_indirect_dma semaphore(%run_scoped3A_98 : memref<!tpu.dma_semaphore, #tpu.memory_space<semaphore_mem>>) src(%arg8 : memref<128x128xf32, #tpu.memory_space<vmem>>) dst(%dma_wait3A_110 : memref<10112x128xf32, #tpu.memory_space<vmem_shared>>)
        tpu.yield
      }) : () -> ()
      %add3A_91 = arith.constant 2 : i32
      %add3A_92 = arith.addi %add3A_84, %add3A_91 : i32
      %lt3A_93 = arith.constant 40 : i32
      %lt3A_94 = arith.cmpi slt, %add3A_92, %lt3A_93 : i32
      %convert_element_type3A_95 = arith.extui %lt3A_94 : i1 to i32
      %cond3A_96 = arith.constant 0 : i32
      %cond3A_97 = arith.cmpi ne, %convert_element_type3A_95, %cond3A_96 : i32
      scf.if %cond3A_97 {
        %add3A_98 = arith.constant 2 : i32
        %add3A_99 = arith.addi %add3A_84, %add3A_98 : i32
        %dma_start3A_100 = arith.constant 0 : i32
        %dma_start3A_101 = tpu.memref_slice %arg5[%add3A_99, %dma_start3A_100] : memref<40x128xi32, #tpu.memory_space<vmem>> -> memref<1x128xi32, #tpu.memory_space<vmem>>
        %dma_start3A_102 = tpu.memref_squeeze %dma_start3A_101 : memref<1x128xi32, #tpu.memory_space<vmem>> -> memref<128xi32, #tpu.memory_space<vmem>>
        %dma_start3A_103 = arith.constant 0 : i32
        %dma_start3A_104 = arith.constant 0 : i32
        %dma_start3A_105 = tpu.memref_slice %arg2[%dma_start3A_103, %dma_start3A_104] : memref<10000x128xf32, #tpu.memory_space<hbm>> -> memref<10000x128xf32, #tpu.memory_space<hbm>>
        tpu.enqueue_indirect_dma source(%dma_start3A_105 : memref<10000x128xf32, #tpu.memory_space<hbm>>) target(%arg8 : memref<128x128xf32, #tpu.memory_space<vmem>>) offsets(%dma_start3A_102 : memref<128xi32, #tpu.memory_space<vmem>>) semaphore(%arg11 : memref<!tpu.dma_semaphore, #tpu.memory_space<semaphore_mem>>)
      } else {
      }
    }
    %scan3A_41 = arith.constant 20 : i32
    %mul3A_42 = arith.constant 80 : i32
    %mul3A_43 = arith.muli %add3A, %mul3A_42 : i32
    %add3A_44 = arith.constant 40 : i32
    %add3A_45 = arith.addi %mul3A_43, %add3A_44 : i32
    %run_scoped3A_46 = arith.constant 0 : i32
    "tpu.region"() ({
      %run_scoped3A_69 = tpu.sem_alloc : memref<!tpu.dma_semaphore, #tpu.memory_space<semaphore_mem>>
      %dma_start3A_70 = arith.constant 0 : i32
      %dma_start3A_71 = tpu.memref_slice %arg3[%run_scoped3A_46, %add3A_45, %dma_start3A_70] : memref<2x2560x128xi32, #tpu.memory_space<hbm>> -> memref<1x40x128xi32, #tpu.memory_space<hbm>>
      %dma_start3A_72 = tpu.memref_squeeze %dma_start3A_71 : memref<1x40x128xi32, #tpu.memory_space<hbm>> -> memref<40x128xi32, #tpu.memory_space<hbm>>
      %dma_start3A_73 = arith.constant 0 : i32
      %dma_start3A_74 = tpu.memref_slice %arg3[%run_scoped3A_46, %add3A_45, %dma_start3A_73] : memref<2x2560x128xi32, #tpu.memory_space<hbm>> -> memref<1x40x128xi32, #tpu.memory_space<hbm>>
      %dma_start3A_75 = tpu.memref_squeeze %dma_start3A_74 : memref<1x40x128xi32, #tpu.memory_space<hbm>> -> memref<40x128xi32, #tpu.memory_space<hbm>>
      tpu.enqueue_dma source(%dma_start3A_75 : memref<40x128xi32, #tpu.memory_space<hbm>>) target(%arg5 : memref<40x128xi32, #tpu.memory_space<vmem>>) target_semaphore(%run_scoped3A_69 : memref<!tpu.dma_semaphore, #tpu.memory_space<semaphore_mem>>)
      %dma_wait3A = arith.constant 0 : i32
      %dma_wait3A_76 = tpu.memref_slice %arg3[%run_scoped3A_46, %add3A_45, %dma_wait3A] : memref<2x2560x128xi32, #tpu.memory_space<hbm>> -> memref<1x40x128xi32, #tpu.memory_space<hbm>>
      %dma_wait3A_77 = tpu.memref_squeeze %dma_wait3A_76 : memref<1x40x128xi32, #tpu.memory_space<hbm>> -> memref<40x128xi32, #tpu.memory_space<hbm>>
      %dma_wait3A_78 = arith.constant 0 : i32
      %dma_wait3A_79 = tpu.memref_slice %arg3[%run_scoped3A_46, %add3A_45, %dma_wait3A_78] : memref<2x2560x128xi32, #tpu.memory_space<hbm>> -> memref<1x40x128xi32, #tpu.memory_space<hbm>>
      %dma_wait3A_80 = tpu.memref_squeeze %dma_wait3A_79 : memref<1x40x128xi32, #tpu.memory_space<hbm>> -> memref<40x128xi32, #tpu.memory_space<hbm>>
      tpu.wait_dma2 semaphore(%run_scoped3A_69 : memref<!tpu.dma_semaphore, #tpu.memory_space<semaphore_mem>>) src(%dma_wait3A_80 : memref<40x128xi32, #tpu.memory_space<hbm>>) dst(%arg5 : memref<40x128xi32, #tpu.memory_space<vmem>>)
      tpu.yield
    }) : () -> ()
    %run_scoped3A_47 = arith.constant 1 : i32
    "tpu.region"() ({
      %run_scoped3A_69 = tpu.sem_alloc : memref<!tpu.dma_semaphore, #tpu.memory_space<semaphore_mem>>
      %dma_start3A_70 = arith.constant 0 : i32
      %dma_start3A_71 = tpu.memref_slice %arg3[%run_scoped3A_47, %add3A_45, %dma_start3A_70] : memref<2x2560x128xi32, #tpu.memory_space<hbm>> -> memref<1x40x128xi32, #tpu.memory_space<hbm>>
      %dma_start3A_72 = tpu.memref_squeeze %dma_start3A_71 : memref<1x40x128xi32, #tpu.memory_space<hbm>> -> memref<40x128xi32, #tpu.memory_space<hbm>>
      %dma_start3A_73 = arith.constant 0 : i32
      %dma_start3A_74 = tpu.memref_slice %arg3[%run_scoped3A_47, %add3A_45, %dma_start3A_73] : memref<2x2560x128xi32, #tpu.memory_space<hbm>> -> memref<1x40x128xi32, #tpu.memory_space<hbm>>
      %dma_start3A_75 = tpu.memref_squeeze %dma_start3A_74 : memref<1x40x128xi32, #tpu.memory_space<hbm>> -> memref<40x128xi32, #tpu.memory_space<hbm>>
      tpu.enqueue_dma source(%dma_start3A_75 : memref<40x128xi32, #tpu.memory_space<hbm>>) target(%arg6 : memref<40x128xi32, #tpu.memory_space<vmem>>) target_semaphore(%run_scoped3A_69 : memref<!tpu.dma_semaphore, #tpu.memory_space<semaphore_mem>>)
      %dma_wait3A = arith.constant 0 : i32
      %dma_wait3A_76 = tpu.memref_slice %arg3[%run_scoped3A_47, %add3A_45, %dma_wait3A] : memref<2x2560x128xi32, #tpu.memory_space<hbm>> -> memref<1x40x128xi32, #tpu.memory_space<hbm>>
      %dma_wait3A_77 = tpu.memref_squeeze %dma_wait3A_76 : memref<1x40x128xi32, #tpu.memory_space<hbm>> -> memref<40x128xi32, #tpu.memory_space<hbm>>
      %dma_wait3A_78 = arith.constant 0 : i32
      %dma_wait3A_79 = tpu.memref_slice %arg3[%run_scoped3A_47, %add3A_45, %dma_wait3A_78] : memref<2x2560x128xi32, #tpu.memory_space<hbm>> -> memref<1x40x128xi32, #tpu.memory_space<hbm>>
      %dma_wait3A_80 = tpu.memref_squeeze %dma_wait3A_79 : memref<1x40x128xi32, #tpu.memory_space<hbm>> -> memref<40x128xi32, #tpu.memory_space<hbm>>
      tpu.wait_dma2 semaphore(%run_scoped3A_69 : memref<!tpu.dma_semaphore, #tpu.memory_space<semaphore_mem>>) src(%dma_wait3A_80 : memref<40x128xi32, #tpu.memory_space<hbm>>) dst(%arg6 : memref<40x128xi32, #tpu.memory_space<vmem>>)
      tpu.yield
    }) : () -> ()
    %dma_start3A_48 = arith.constant 0 : i32
    %dma_start3A_49 = arith.constant 0 : i32
    %dma_start3A_50 = tpu.memref_slice %arg5[%dma_start3A_48, %dma_start3A_49] : memref<40x128xi32, #tpu.memory_space<vmem>> -> memref<1x128xi32, #tpu.memory_space<vmem>>
    %dma_start3A_51 = tpu.memref_squeeze %dma_start3A_50 : memref<1x128xi32, #tpu.memory_space<vmem>> -> memref<128xi32, #tpu.memory_space<vmem>>
    %dma_start3A_52 = arith.constant 0 : i32
    %dma_start3A_53 = arith.constant 0 : i32
    %dma_start3A_54 = tpu.memref_slice %arg2[%dma_start3A_52, %dma_start3A_53] : memref<10000x128xf32, #tpu.memory_space<hbm>> -> memref<10000x128xf32, #tpu.memory_space<hbm>>
    tpu.enqueue_indirect_dma source(%dma_start3A_54 : memref<10000x128xf32, #tpu.memory_space<hbm>>) target(%arg7 : memref<128x128xf32, #tpu.memory_space<vmem>>) offsets(%dma_start3A_51 : memref<128xi32, #tpu.memory_space<vmem>>) semaphore(%arg10 : memref<!tpu.dma_semaphore, #tpu.memory_space<semaphore_mem>>)
    %dma_start3A_55 = arith.constant 1 : i32
    %dma_start3A_56 = arith.constant 0 : i32
    %dma_start3A_57 = tpu.memref_slice %arg5[%dma_start3A_55, %dma_start3A_56] : memref<40x128xi32, #tpu.memory_space<vmem>> -> memref<1x128xi32, #tpu.memory_space<vmem>>
    %dma_start3A_58 = tpu.memref_squeeze %dma_start3A_57 : memref<1x128xi32, #tpu.memory_space<vmem>> -> memref<128xi32, #tpu.memory_space<vmem>>
    %dma_start3A_59 = arith.constant 0 : i32
    %dma_start3A_60 = arith.constant 0 : i32
    %dma_start3A_61 = tpu.memref_slice %arg2[%dma_start3A_59, %dma_start3A_60] : memref<10000x128xf32, #tpu.memory_space<hbm>> -> memref<10000x128xf32, #tpu.memory_space<hbm>>
    tpu.enqueue_indirect_dma source(%dma_start3A_61 : memref<10000x128xf32, #tpu.memory_space<hbm>>) target(%arg8 : memref<128x128xf32, #tpu.memory_space<vmem>>) offsets(%dma_start3A_58 : memref<128xi32, #tpu.memory_space<vmem>>) semaphore(%arg11 : memref<!tpu.dma_semaphore, #tpu.memory_space<semaphore_mem>>)
    %scan3A_62 = arith.constant 0 : i32
    %scan3A_63 = arith.constant 0 : i32
    %scan3A_64 = arith.constant 20 : i32
    %scan3A_65 = arith.addi %scan3A_63, %scan3A_64 : i32
    %scan3A_66 = arith.constant 1 : i32
    scf.for %scan3A_69 = %scan3A_63 to %scan3A_65 step %scan3A_66  : i32 {
      %mul3A_70 = arith.constant 2 : i32
      %mul3A_71 = arith.muli %scan3A_69, %mul3A_70 : i32
      %add3A_72 = arith.constant 0 : i32
      %add3A_73 = arith.addi %mul3A_71, %add3A_72 : i32
      %dma_wait3A = arith.constant 0 : i32
      %dma_wait3A_74 = tpu.memref_slice %arg5[%add3A_73, %dma_wait3A] : memref<40x128xi32, #tpu.memory_space<vmem>> -> memref<1x128xi32, #tpu.memory_space<vmem>>
      %dma_wait3A_75 = tpu.memref_squeeze %dma_wait3A_74 : memref<1x128xi32, #tpu.memory_space<vmem>> -> memref<128xi32, #tpu.memory_space<vmem>>
      %dma_wait3A_76 = arith.constant 0 : i32
      %dma_wait3A_77 = arith.constant 0 : i32
      %dma_wait3A_78 = tpu.memref_slice %arg2[%dma_wait3A_76, %dma_wait3A_77] : memref<10000x128xf32, #tpu.memory_space<hbm>> -> memref<10000x128xf32, #tpu.memory_space<hbm>>
      tpu.wait_indirect_dma semaphore(%arg10 : memref<!tpu.dma_semaphore, #tpu.memory_space<semaphore_mem>>) src(%dma_wait3A_78 : memref<10000x128xf32, #tpu.memory_space<hbm>>) dst(%arg7 : memref<128x128xf32, #tpu.memory_space<vmem>>)
      "tpu.region"() ({
        %run_scoped3A_98 = tpu.sem_alloc : memref<!tpu.dma_semaphore, #tpu.memory_space<semaphore_mem>>
        %dma_start3A_99 = arith.constant 0 : i32
        %dma_start3A_100 = tpu.memref_slice %arg6[%add3A_73, %dma_start3A_99] : memref<40x128xi32, #tpu.memory_space<vmem>> -> memref<1x128xi32, #tpu.memory_space<vmem>>
        %dma_start3A_101 = tpu.memref_squeeze %dma_start3A_100 : memref<1x128xi32, #tpu.memory_space<vmem>> -> memref<128xi32, #tpu.memory_space<vmem>>
        %dma_start3A_102 = arith.constant 0 : i32
        %dma_start3A_103 = arith.constant 0 : i32
        %dma_start3A_104 = tpu.memref_slice %arg9[%dma_start3A_102, %dma_start3A_103] : memref<10112x128xf32, #tpu.memory_space<vmem_shared>> -> memref<10112x128xf32, #tpu.memory_space<vmem_shared>>
        tpu.enqueue_indirect_dma source(%arg7 : memref<128x128xf32, #tpu.memory_space<vmem>>) target(%dma_start3A_104 : memref<10112x128xf32, #tpu.memory_space<vmem_shared>>) offsets(%dma_start3A_101 : memref<128xi32, #tpu.memory_space<vmem>>) semaphore(%run_scoped3A_98 : memref<!tpu.dma_semaphore, #tpu.memory_space<semaphore_mem>>) {add = true}
        %dma_wait3A_105 = arith.constant 0 : i32
        %dma_wait3A_106 = tpu.memref_slice %arg6[%add3A_73, %dma_wait3A_105] : memref<40x128xi32, #tpu.memory_space<vmem>> -> memref<1x128xi32, #tpu.memory_space<vmem>>
        %dma_wait3A_107 = tpu.memref_squeeze %dma_wait3A_106 : memref<1x128xi32, #tpu.memory_space<vmem>> -> memref<128xi32, #tpu.memory_space<vmem>>
        %dma_wait3A_108 = arith.constant 0 : i32
        %dma_wait3A_109 = arith.constant 0 : i32
        %dma_wait3A_110 = tpu.memref_slice %arg9[%dma_wait3A_108, %dma_wait3A_109] : memref<10112x128xf32, #tpu.memory_space<vmem_shared>> -> memref<10112x128xf32, #tpu.memory_space<vmem_shared>>
        tpu.wait_indirect_dma semaphore(%run_scoped3A_98 : memref<!tpu.dma_semaphore, #tpu.memory_space<semaphore_mem>>) src(%arg7 : memref<128x128xf32, #tpu.memory_space<vmem>>) dst(%dma_wait3A_110 : memref<10112x128xf32, #tpu.memory_space<vmem_shared>>)
        tpu.yield
      }) : () -> ()
      %add3A_79 = arith.constant 2 : i32
      %add3A_80 = arith.addi %add3A_73, %add3A_79 : i32
      %lt3A = arith.constant 40 : i32
      %lt3A_81 = arith.cmpi slt, %add3A_80, %lt3A : i32
      %convert_element_type3A = arith.extui %lt3A_81 : i1 to i32
      %cond3A = arith.constant 0 : i32
      %cond3A_82 = arith.cmpi ne, %convert_element_type3A, %cond3A : i32
      scf.if %cond3A_82 {
        %add3A_98 = arith.constant 2 : i32
        %add3A_99 = arith.addi %add3A_73, %add3A_98 : i32
        %dma_start3A_100 = arith.constant 0 : i32
        %dma_start3A_101 = tpu.memref_slice %arg5[%add3A_99, %dma_start3A_100] : memref<40x128xi32, #tpu.memory_space<vmem>> -> memref<1x128xi32, #tpu.memory_space<vmem>>
        %dma_start3A_102 = tpu.memref_squeeze %dma_start3A_101 : memref<1x128xi32, #tpu.memory_space<vmem>> -> memref<128xi32, #tpu.memory_space<vmem>>
        %dma_start3A_103 = arith.constant 0 : i32
        %dma_start3A_104 = arith.constant 0 : i32
        %dma_start3A_105 = tpu.memref_slice %arg2[%dma_start3A_103, %dma_start3A_104] : memref<10000x128xf32, #tpu.memory_space<hbm>> -> memref<10000x128xf32, #tpu.memory_space<hbm>>
        tpu.enqueue_indirect_dma source(%dma_start3A_105 : memref<10000x128xf32, #tpu.memory_space<hbm>>) target(%arg7 : memref<128x128xf32, #tpu.memory_space<vmem>>) offsets(%dma_start3A_102 : memref<128xi32, #tpu.memory_space<vmem>>) semaphore(%arg10 : memref<!tpu.dma_semaphore, #tpu.memory_space<semaphore_mem>>)
      } else {
      }
      %add3A_83 = arith.constant 1 : i32
      %add3A_84 = arith.addi %mul3A_71, %add3A_83 : i32
      %dma_wait3A_85 = arith.constant 0 : i32
      %dma_wait3A_86 = tpu.memref_slice %arg5[%add3A_84, %dma_wait3A_85] : memref<40x128xi32, #tpu.memory_space<vmem>> -> memref<1x128xi32, #tpu.memory_space<vmem>>
      %dma_wait3A_87 = tpu.memref_squeeze %dma_wait3A_86 : memref<1x128xi32, #tpu.memory_space<vmem>> -> memref<128xi32, #tpu.memory_space<vmem>>
      %dma_wait3A_88 = arith.constant 0 : i32
      %dma_wait3A_89 = arith.constant 0 : i32
      %dma_wait3A_90 = tpu.memref_slice %arg2[%dma_wait3A_88, %dma_wait3A_89] : memref<10000x128xf32, #tpu.memory_space<hbm>> -> memref<10000x128xf32, #tpu.memory_space<hbm>>
      tpu.wait_indirect_dma semaphore(%arg11 : memref<!tpu.dma_semaphore, #tpu.memory_space<semaphore_mem>>) src(%dma_wait3A_90 : memref<10000x128xf32, #tpu.memory_space<hbm>>) dst(%arg8 : memref<128x128xf32, #tpu.memory_space<vmem>>)
      "tpu.region"() ({
        %run_scoped3A_98 = tpu.sem_alloc : memref<!tpu.dma_semaphore, #tpu.memory_space<semaphore_mem>>
        %dma_start3A_99 = arith.constant 0 : i32
        %dma_start3A_100 = tpu.memref_slice %arg6[%add3A_84, %dma_start3A_99] : memref<40x128xi32, #tpu.memory_space<vmem>> -> memref<1x128xi32, #tpu.memory_space<vmem>>
        %dma_start3A_101 = tpu.memref_squeeze %dma_start3A_100 : memref<1x128xi32, #tpu.memory_space<vmem>> -> memref<128xi32, #tpu.memory_space<vmem>>
        %dma_start3A_102 = arith.constant 0 : i32
        %dma_start3A_103 = arith.constant 0 : i32
        %dma_start3A_104 = tpu.memref_slice %arg9[%dma_start3A_102, %dma_start3A_103] : memref<10112x128xf32, #tpu.memory_space<vmem_shared>> -> memref<10112x128xf32, #tpu.memory_space<vmem_shared>>
        tpu.enqueue_indirect_dma source(%arg8 : memref<128x128xf32, #tpu.memory_space<vmem>>) target(%dma_start3A_104 : memref<10112x128xf32, #tpu.memory_space<vmem_shared>>) offsets(%dma_start3A_101 : memref<128xi32, #tpu.memory_space<vmem>>) semaphore(%run_scoped3A_98 : memref<!tpu.dma_semaphore, #tpu.memory_space<semaphore_mem>>) {add = true}
        %dma_wait3A_105 = arith.constant 0 : i32
        %dma_wait3A_106 = tpu.memref_slice %arg6[%add3A_84, %dma_wait3A_105] : memref<40x128xi32, #tpu.memory_space<vmem>> -> memref<1x128xi32, #tpu.memory_space<vmem>>
        %dma_wait3A_107 = tpu.memref_squeeze %dma_wait3A_106 : memref<1x128xi32, #tpu.memory_space<vmem>> -> memref<128xi32, #tpu.memory_space<vmem>>
        %dma_wait3A_108 = arith.constant 0 : i32
        %dma_wait3A_109 = arith.constant 0 : i32
        %dma_wait3A_110 = tpu.memref_slice %arg9[%dma_wait3A_108, %dma_wait3A_109] : memref<10112x128xf32, #tpu.memory_space<vmem_shared>> -> memref<10112x128xf32, #tpu.memory_space<vmem_shared>>
        tpu.wait_indirect_dma semaphore(%run_scoped3A_98 : memref<!tpu.dma_semaphore, #tpu.memory_space<semaphore_mem>>) src(%arg8 : memref<128x128xf32, #tpu.memory_space<vmem>>) dst(%dma_wait3A_110 : memref<10112x128xf32, #tpu.memory_space<vmem_shared>>)
        tpu.yield
      }) : () -> ()
      %add3A_91 = arith.constant 2 : i32
      %add3A_92 = arith.addi %add3A_84, %add3A_91 : i32
      %lt3A_93 = arith.constant 40 : i32
      %lt3A_94 = arith.cmpi slt, %add3A_92, %lt3A_93 : i32
      %convert_element_type3A_95 = arith.extui %lt3A_94 : i1 to i32
      %cond3A_96 = arith.constant 0 : i32
      %cond3A_97 = arith.cmpi ne, %convert_element_type3A_95, %cond3A_96 : i32
      scf.if %cond3A_97 {
        %add3A_98 = arith.constant 2 : i32
        %add3A_99 = arith.addi %add3A_84, %add3A_98 : i32
        %dma_start3A_100 = arith.constant 0 : i32
        %dma_start3A_101 = tpu.memref_slice %arg5[%add3A_99, %dma_start3A_100] : memref<40x128xi32, #tpu.memory_space<vmem>> -> memref<1x128xi32, #tpu.memory_space<vmem>>
        %dma_start3A_102 = tpu.memref_squeeze %dma_start3A_101 : memref<1x128xi32, #tpu.memory_space<vmem>> -> memref<128xi32, #tpu.memory_space<vmem>>
        %dma_start3A_103 = arith.constant 0 : i32
        %dma_start3A_104 = arith.constant 0 : i32
        %dma_start3A_105 = tpu.memref_slice %arg2[%dma_start3A_103, %dma_start3A_104] : memref<10000x128xf32, #tpu.memory_space<hbm>> -> memref<10000x128xf32, #tpu.memory_space<hbm>>
        tpu.enqueue_indirect_dma source(%dma_start3A_105 : memref<10000x128xf32, #tpu.memory_space<hbm>>) target(%arg8 : memref<128x128xf32, #tpu.memory_space<vmem>>) offsets(%dma_start3A_102 : memref<128xi32, #tpu.memory_space<vmem>>) semaphore(%arg11 : memref<!tpu.dma_semaphore, #tpu.memory_space<semaphore_mem>>)
      } else {
      }
    }
    %scan3A_67 = arith.constant 20 : i32
    "tpu.trace_stop"() : () -> ()
    "tpu.trace_start"() <{level = 10 : i32, message = "acc_out"}> : () -> ()
    %barrier3A_68 = arith.constant 0 : index
    tpu.barrier barrier_id(%barrier3A_68)
    "tpu.region"() ({
      %run_scoped3A_69 = tpu.sem_alloc : memref<!tpu.dma_semaphore, #tpu.memory_space<semaphore_mem>>
      %dma_start3A_70 = arith.constant 0 : i32
      %dma_start3A_71 = tpu.memref_slice %arg4[%arg0, %mul3A_7, %dma_start3A_70] : memref<2x10112x128xf32, #tpu.memory_space<hbm>> -> memref<1x632x128xf32, #tpu.memory_space<hbm>>
      %dma_start3A_72 = tpu.memref_squeeze %dma_start3A_71 : memref<1x632x128xf32, #tpu.memory_space<hbm>> -> memref<632x128xf32, #tpu.memory_space<hbm>>
      %dma_start3A_73 = arith.constant 0 : i32
      %dma_start3A_74 = tpu.memref_slice %arg9[%mul3A_7, %dma_start3A_73] : memref<10112x128xf32, #tpu.memory_space<vmem_shared>> -> memref<632x128xf32, #tpu.memory_space<vmem_shared>>
      tpu.enqueue_dma source(%dma_start3A_74 : memref<632x128xf32, #tpu.memory_space<vmem_shared>>) target(%dma_start3A_72 : memref<632x128xf32, #tpu.memory_space<hbm>>) target_semaphore(%run_scoped3A_69 : memref<!tpu.dma_semaphore, #tpu.memory_space<semaphore_mem>>)
      %dma_wait3A = arith.constant 0 : i32
      %dma_wait3A_75 = tpu.memref_slice %arg4[%arg0, %mul3A_7, %dma_wait3A] : memref<2x10112x128xf32, #tpu.memory_space<hbm>> -> memref<1x632x128xf32, #tpu.memory_space<hbm>>
      %dma_wait3A_76 = tpu.memref_squeeze %dma_wait3A_75 : memref<1x632x128xf32, #tpu.memory_space<hbm>> -> memref<632x128xf32, #tpu.memory_space<hbm>>
      %dma_wait3A_77 = arith.constant 0 : i32
      %dma_wait3A_78 = tpu.memref_slice %arg9[%mul3A_7, %dma_wait3A_77] : memref<10112x128xf32, #tpu.memory_space<vmem_shared>> -> memref<632x128xf32, #tpu.memory_space<vmem_shared>>
      tpu.wait_dma2 semaphore(%run_scoped3A_69 : memref<!tpu.dma_semaphore, #tpu.memory_space<semaphore_mem>>) src(%dma_wait3A_78 : memref<632x128xf32, #tpu.memory_space<vmem_shared>>) dst(%dma_wait3A_76 : memref<632x128xf32, #tpu.memory_space<hbm>>)
      tpu.yield
    }) : () -> ()
    "tpu.trace_stop"() : () -> ()
    return
  }
}

#map = affine_map<(d0, d1) -> (0, 0, 0)>
#map1 = affine_map<(d0, d1) -> (0, 0)>
module attributes {stable_mosaic.version = 14 : i64} {
  func.func @deg_kernel(%arg0: i32, %arg1: i32, %arg2: memref<2x2560x128xi32, #tpu.memory_space<hbm>>, %arg3: memref<32x10112xf32, #tpu.memory_space<hbm>>, %arg4: memref<80x128xi32, #tpu.memory_space<vmem>>, %arg5: memref<10112xf32, #tpu.memory_space<vmem>>) attributes {dimension_semantics = [#tpu.dimension_semantics<core_parallel>, #tpu.dimension_semantics<subcore_parallel>], iteration_bounds = array<i64: 2, 16>, scalar_prefetch = 0 : i64, scratch_operands = 2 : i64, tpu.core_type = #tpu.core_type<sc_vector_subcore>, window_params = [{transform_indices = #map}, {transform_indices = #map1}]} {
    %mul3A = arith.constant 2 : i32
    %mul3A_0 = arith.muli %arg1, %mul3A : i32
    %add3A = arith.addi %mul3A_0, %arg0 : i32
    %mul3A_1 = arith.constant 80 : i32
    %mul3A_2 = arith.muli %add3A, %mul3A_1 : i32
    %run_scoped3A = arith.constant 1 : i32
    "tpu.region"() ({
      %run_scoped3A_15 = tpu.sem_alloc : memref<!tpu.dma_semaphore, #tpu.memory_space<semaphore_mem>>
      %dma_start3A = arith.constant 0 : i32
      %dma_start3A_16 = tpu.memref_slice %arg2[%run_scoped3A, %mul3A_2, %dma_start3A] : memref<2x2560x128xi32, #tpu.memory_space<hbm>> -> memref<1x80x128xi32, #tpu.memory_space<hbm>>
      %dma_start3A_17 = tpu.memref_squeeze %dma_start3A_16 : memref<1x80x128xi32, #tpu.memory_space<hbm>> -> memref<80x128xi32, #tpu.memory_space<hbm>>
      %dma_start3A_18 = arith.constant 0 : i32
      %dma_start3A_19 = tpu.memref_slice %arg2[%run_scoped3A, %mul3A_2, %dma_start3A_18] : memref<2x2560x128xi32, #tpu.memory_space<hbm>> -> memref<1x80x128xi32, #tpu.memory_space<hbm>>
      %dma_start3A_20 = tpu.memref_squeeze %dma_start3A_19 : memref<1x80x128xi32, #tpu.memory_space<hbm>> -> memref<80x128xi32, #tpu.memory_space<hbm>>
      tpu.enqueue_dma source(%dma_start3A_20 : memref<80x128xi32, #tpu.memory_space<hbm>>) target(%arg4 : memref<80x128xi32, #tpu.memory_space<vmem>>) target_semaphore(%run_scoped3A_15 : memref<!tpu.dma_semaphore, #tpu.memory_space<semaphore_mem>>)
      %dma_wait3A = arith.constant 0 : i32
      %dma_wait3A_21 = tpu.memref_slice %arg2[%run_scoped3A, %mul3A_2, %dma_wait3A] : memref<2x2560x128xi32, #tpu.memory_space<hbm>> -> memref<1x80x128xi32, #tpu.memory_space<hbm>>
      %dma_wait3A_22 = tpu.memref_squeeze %dma_wait3A_21 : memref<1x80x128xi32, #tpu.memory_space<hbm>> -> memref<80x128xi32, #tpu.memory_space<hbm>>
      %dma_wait3A_23 = arith.constant 0 : i32
      %dma_wait3A_24 = tpu.memref_slice %arg2[%run_scoped3A, %mul3A_2, %dma_wait3A_23] : memref<2x2560x128xi32, #tpu.memory_space<hbm>> -> memref<1x80x128xi32, #tpu.memory_space<hbm>>
      %dma_wait3A_25 = tpu.memref_squeeze %dma_wait3A_24 : memref<1x80x128xi32, #tpu.memory_space<hbm>> -> memref<80x128xi32, #tpu.memory_space<hbm>>
      tpu.wait_dma2 semaphore(%run_scoped3A_15 : memref<!tpu.dma_semaphore, #tpu.memory_space<semaphore_mem>>) src(%dma_wait3A_25 : memref<80x128xi32, #tpu.memory_space<hbm>>) dst(%arg4 : memref<80x128xi32, #tpu.memory_space<vmem>>)
      tpu.yield
    }) : () -> ()
    %scan3A = arith.constant 0 : i32
    %scan3A_3 = arith.constant 0 : i32
    %scan3A_4 = arith.constant 158 : i32
    %scan3A_5 = arith.addi %scan3A_3, %scan3A_4 : i32
    %scan3A_6 = arith.constant 1 : i32
    scf.for %scan3A_15 = %scan3A_3 to %scan3A_5 step %scan3A_6  : i32 {
      %broadcast_in_dim3A_16 = arith.constant 0.000000e+00 : f32
      %broadcast_in_dim3A_17 = vector.broadcast %broadcast_in_dim3A_16 : f32 to vector<16xf32>
      %mul3A_18 = arith.constant 4 : i32
      %mul3A_19 = arith.muli %scan3A_15, %mul3A_18 : i32
      %mul3A_20 = arith.constant 16 : i32
      %mul3A_21 = arith.muli %mul3A_19, %mul3A_20 : i32
      %add3A_22 = arith.constant 0 : i32
      %add3A_23 = arith.addi %mul3A_21, %add3A_22 : i32
      %swap3A = arith.index_cast %add3A_23 : i32 to index
      %swap3A_24 = tpu.vector_load %arg5[%swap3A] {strides = array<i32>} : memref<10112xf32, #tpu.memory_space<vmem>>, vector<16xf32>,
      tpu.vector_store %arg5[%swap3A], %broadcast_in_dim3A_17 {strides = array<i32>} : memref<10112xf32, #tpu.memory_space<vmem>>, vector<16xf32>,
      %broadcast_in_dim3A_25 = arith.constant 0.000000e+00 : f32
      %broadcast_in_dim3A_26 = vector.broadcast %broadcast_in_dim3A_25 : f32 to vector<16xf32>
      %mul3A_27 = arith.constant 4 : i32
      %mul3A_28 = arith.muli %scan3A_15, %mul3A_27 : i32
      %mul3A_29 = arith.constant 16 : i32
      %mul3A_30 = arith.muli %mul3A_28, %mul3A_29 : i32
      %add3A_31 = arith.constant 16 : i32
      %add3A_32 = arith.addi %mul3A_30, %add3A_31 : i32
      %swap3A_33 = arith.index_cast %add3A_32 : i32 to index
      %swap3A_34 = tpu.vector_load %arg5[%swap3A_33] {strides = array<i32>} : memref<10112xf32, #tpu.memory_space<vmem>>, vector<16xf32>,
      tpu.vector_store %arg5[%swap3A_33], %broadcast_in_dim3A_26 {strides = array<i32>} : memref<10112xf32, #tpu.memory_space<vmem>>, vector<16xf32>,
      %broadcast_in_dim3A_35 = arith.constant 0.000000e+00 : f32
      %broadcast_in_dim3A_36 = vector.broadcast %broadcast_in_dim3A_35 : f32 to vector<16xf32>
      %mul3A_37 = arith.constant 4 : i32
      %mul3A_38 = arith.muli %scan3A_15, %mul3A_37 : i32
      %mul3A_39 = arith.constant 16 : i32
      %mul3A_40 = arith.muli %mul3A_38, %mul3A_39 : i32
      %add3A_41 = arith.constant 32 : i32
      %add3A_42 = arith.addi %mul3A_40, %add3A_41 : i32
      %swap3A_43 = arith.index_cast %add3A_42 : i32 to index
      %swap3A_44 = tpu.vector_load %arg5[%swap3A_43] {strides = array<i32>} : memref<10112xf32, #tpu.memory_space<vmem>>, vector<16xf32>,
      tpu.vector_store %arg5[%swap3A_43], %broadcast_in_dim3A_36 {strides = array<i32>} : memref<10112xf32, #tpu.memory_space<vmem>>, vector<16xf32>,
      %broadcast_in_dim3A_45 = arith.constant 0.000000e+00 : f32
      %broadcast_in_dim3A_46 = vector.broadcast %broadcast_in_dim3A_45 : f32 to vector<16xf32>
      %mul3A_47 = arith.constant 4 : i32
      %mul3A_48 = arith.muli %scan3A_15, %mul3A_47 : i32
      %mul3A_49 = arith.constant 16 : i32
      %mul3A_50 = arith.muli %mul3A_48, %mul3A_49 : i32
      %add3A_51 = arith.constant 48 : i32
      %add3A_52 = arith.addi %mul3A_50, %add3A_51 : i32
      %swap3A_53 = arith.index_cast %add3A_52 : i32 to index
      %swap3A_54 = tpu.vector_load %arg5[%swap3A_53] {strides = array<i32>} : memref<10112xf32, #tpu.memory_space<vmem>>, vector<16xf32>,
      tpu.vector_store %arg5[%swap3A_53], %broadcast_in_dim3A_46 {strides = array<i32>} : memref<10112xf32, #tpu.memory_space<vmem>>, vector<16xf32>,
    }
    %scan3A_7 = arith.constant 158 : i32
    %broadcast_in_dim3A = arith.constant 1.000000e+00 : f32
    %broadcast_in_dim3A_8 = vector.broadcast %broadcast_in_dim3A : f32 to vector<16xf32>
    %scan3A_9 = arith.constant 0 : i32
    %scan3A_10 = arith.constant 0 : i32
    %scan3A_11 = arith.constant 80 : i32
    %scan3A_12 = arith.addi %scan3A_10, %scan3A_11 : i32
    %scan3A_13 = arith.constant 1 : i32
    scf.for %scan3A_15 = %scan3A_10 to %scan3A_12 step %scan3A_13  : i32 {
      %get3A = arith.index_cast %scan3A_15 : i32 to index
      %get3A_16 = arith.constant 0 : index
      %get3A_17 = tpu.vector_load %arg4[%get3A, %get3A_16] {strides = array<i32>} : memref<80x128xi32, #tpu.memory_space<vmem>>, vector<16xi32>,
      tpu.vector_store_idx %arg5[%get3A_17], %broadcast_in_dim3A_8 {add = true} : memref<10112xf32, #tpu.memory_space<vmem>>[vector<16xi32>], vector<16xf32>,
      %get3A_18 = arith.index_cast %scan3A_15 : i32 to index
      %get3A_19 = arith.constant 16 : index
      %get3A_20 = tpu.vector_load %arg4[%get3A_18, %get3A_19] {strides = array<i32>} : memref<80x128xi32, #tpu.memory_space<vmem>>, vector<16xi32>,
      tpu.vector_store_idx %arg5[%get3A_20], %broadcast_in_dim3A_8 {add = true} : memref<10112xf32, #tpu.memory_space<vmem>>[vector<16xi32>], vector<16xf32>,
      %get3A_21 = arith.index_cast %scan3A_15 : i32 to index
      %get3A_22 = arith.constant 32 : index
      %get3A_23 = tpu.vector_load %arg4[%get3A_21, %get3A_22] {strides = array<i32>} : memref<80x128xi32, #tpu.memory_space<vmem>>, vector<16xi32>,
      tpu.vector_store_idx %arg5[%get3A_23], %broadcast_in_dim3A_8 {add = true} : memref<10112xf32, #tpu.memory_space<vmem>>[vector<16xi32>], vector<16xf32>,
      %get3A_24 = arith.index_cast %scan3A_15 : i32 to index
      %get3A_25 = arith.constant 48 : index
      %get3A_26 = tpu.vector_load %arg4[%get3A_24, %get3A_25] {strides = array<i32>} : memref<80x128xi32, #tpu.memory_space<vmem>>, vector<16xi32>,
      tpu.vector_store_idx %arg5[%get3A_26], %broadcast_in_dim3A_8 {add = true} : memref<10112xf32, #tpu.memory_space<vmem>>[vector<16xi32>], vector<16xf32>,
      %get3A_27 = arith.index_cast %scan3A_15 : i32 to index
      %get3A_28 = arith.constant 64 : index
      %get3A_29 = tpu.vector_load %arg4[%get3A_27, %get3A_28] {strides = array<i32>} : memref<80x128xi32, #tpu.memory_space<vmem>>, vector<16xi32>,
      tpu.vector_store_idx %arg5[%get3A_29], %broadcast_in_dim3A_8 {add = true} : memref<10112xf32, #tpu.memory_space<vmem>>[vector<16xi32>], vector<16xf32>,
      %get3A_30 = arith.index_cast %scan3A_15 : i32 to index
      %get3A_31 = arith.constant 80 : index
      %get3A_32 = tpu.vector_load %arg4[%get3A_30, %get3A_31] {strides = array<i32>} : memref<80x128xi32, #tpu.memory_space<vmem>>, vector<16xi32>,
      tpu.vector_store_idx %arg5[%get3A_32], %broadcast_in_dim3A_8 {add = true} : memref<10112xf32, #tpu.memory_space<vmem>>[vector<16xi32>], vector<16xf32>,
      %get3A_33 = arith.index_cast %scan3A_15 : i32 to index
      %get3A_34 = arith.constant 96 : index
      %get3A_35 = tpu.vector_load %arg4[%get3A_33, %get3A_34] {strides = array<i32>} : memref<80x128xi32, #tpu.memory_space<vmem>>, vector<16xi32>,
      tpu.vector_store_idx %arg5[%get3A_35], %broadcast_in_dim3A_8 {add = true} : memref<10112xf32, #tpu.memory_space<vmem>>[vector<16xi32>], vector<16xf32>,
      %get3A_36 = arith.index_cast %scan3A_15 : i32 to index
      %get3A_37 = arith.constant 112 : index
      %get3A_38 = tpu.vector_load %arg4[%get3A_36, %get3A_37] {strides = array<i32>} : memref<80x128xi32, #tpu.memory_space<vmem>>, vector<16xi32>,
      tpu.vector_store_idx %arg5[%get3A_38], %broadcast_in_dim3A_8 {add = true} : memref<10112xf32, #tpu.memory_space<vmem>>[vector<16xi32>], vector<16xf32>,
    }
    %scan3A_14 = arith.constant 80 : i32
    "tpu.region"() ({
      %run_scoped3A_15 = tpu.sem_alloc : memref<!tpu.dma_semaphore, #tpu.memory_space<semaphore_mem>>
      %dma_start3A = arith.constant 0 : i32
      %dma_start3A_16 = tpu.memref_slice %arg3[%add3A, %dma_start3A] : memref<32x10112xf32, #tpu.memory_space<hbm>> -> memref<1x10112xf32, #tpu.memory_space<hbm>>
      %dma_start3A_17 = tpu.memref_squeeze %dma_start3A_16 : memref<1x10112xf32, #tpu.memory_space<hbm>> -> memref<10112xf32, #tpu.memory_space<hbm>>
      %dma_start3A_18 = arith.constant 0 : i32
      %dma_start3A_19 = tpu.memref_slice %arg3[%add3A, %dma_start3A_18] : memref<32x10112xf32, #tpu.memory_space<hbm>> -> memref<1x10112xf32, #tpu.memory_space<hbm>>
      %dma_start3A_20 = tpu.memref_squeeze %dma_start3A_19 : memref<1x10112xf32, #tpu.memory_space<hbm>> -> memref<10112xf32, #tpu.memory_space<hbm>>
      tpu.enqueue_dma source(%arg5 : memref<10112xf32, #tpu.memory_space<vmem>>) target(%dma_start3A_20 : memref<10112xf32, #tpu.memory_space<hbm>>) target_semaphore(%run_scoped3A_15 : memref<!tpu.dma_semaphore, #tpu.memory_space<semaphore_mem>>)
      %dma_wait3A = arith.constant 0 : i32
      %dma_wait3A_21 = tpu.memref_slice %arg3[%add3A, %dma_wait3A] : memref<32x10112xf32, #tpu.memory_space<hbm>> -> memref<1x10112xf32, #tpu.memory_space<hbm>>
      %dma_wait3A_22 = tpu.memref_squeeze %dma_wait3A_21 : memref<1x10112xf32, #tpu.memory_space<hbm>> -> memref<10112xf32, #tpu.memory_space<hbm>>
      %dma_wait3A_23 = arith.constant 0 : i32
      %dma_wait3A_24 = tpu.memref_slice %arg3[%add3A, %dma_wait3A_23] : memref<32x10112xf32, #tpu.memory_space<hbm>> -> memref<1x10112xf32, #tpu.memory_space<hbm>>
      %dma_wait3A_25 = tpu.memref_squeeze %dma_wait3A_24 : memref<1x10112xf32, #tpu.memory_space<hbm>> -> memref<10112xf32, #tpu.memory_space<hbm>>
      tpu.wait_dma2 semaphore(%run_scoped3A_15 : memref<!tpu.dma_semaphore, #tpu.memory_space<semaphore_mem>>) src(%arg5 : memref<10112xf32, #tpu.memory_space<vmem>>) dst(%dma_wait3A_25 : memref<10112xf32, #tpu.memory_space<hbm>>)
      tpu.yield
    }) : () -> ()
    return
  }
}

#map = affine_map<(d0, d1) -> (0, 0)>
#map1 = affine_map<(d0, d1) -> (0, 0, 0)>
module attributes {stable_mosaic.version = 14 : i64} {
  func.func @edge_kernel(%arg0: i32, %arg1: i32, %arg2: memref<10000x128xf32, #tpu.memory_space<hbm>>, %arg3: memref<2x2560x128xi32, #tpu.memory_space<hbm>>, %arg4: memref<2x10112x128xf32, #tpu.memory_space<hbm>>, %arg5: memref<40x128xi32, #tpu.memory_space<vmem>>, %arg6: memref<40x128xi32, #tpu.memory_space<vmem>>, %arg7: memref<128x128xf32, #tpu.memory_space<vmem>>, %arg8: memref<128x128xf32, #tpu.memory_space<vmem>>, %arg9: memref<10112x128xf32, #tpu.memory_space<vmem_shared>>, %arg10: memref<!tpu.dma_semaphore, #tpu.memory_space<semaphore_mem>>, %arg11: memref<!tpu.dma_semaphore, #tpu.memory_space<semaphore_mem>>) attributes {dimension_semantics = [#tpu.dimension_semantics<core_parallel>, #tpu.dimension_semantics<subcore_parallel>], iteration_bounds = array<i64: 2, 16>, scalar_prefetch = 0 : i64, scratch_operands = 7 : i64, tpu.core_type = #tpu.core_type<sc_vector_subcore>, window_params = [{transform_indices = #map}, {transform_indices = #map1}, {transform_indices = #map1}]} {
    %mul3A = arith.constant 2 : i32
    %mul3A_0 = arith.muli %arg1, %mul3A : i32
    %add3A = arith.addi %mul3A_0, %arg0 : i32
    "tpu.trace_start"() <{level = 10 : i32, message = "acc_zero"}> : () -> ()
    %scan3A = arith.constant 0 : i32
    %scan3A_1 = arith.constant 0 : i32
    %scan3A_2 = arith.constant 128 : i32
    %scan3A_3 = arith.addi %scan3A_1, %scan3A_2 : i32
    %scan3A_4 = arith.constant 1 : i32
    scf.for %scan3A_69 = %scan3A_1 to %scan3A_3 step %scan3A_4  : i32 {
      %broadcast_in_dim3A = arith.constant 0.000000e+00 : f32
      %broadcast_in_dim3A_70 = vector.broadcast %broadcast_in_dim3A : f32 to vector<16xf32>
      %swap3A = arith.index_cast %scan3A_69 : i32 to index
      %swap3A_71 = arith.constant 0 : index
      %swap3A_72 = tpu.vector_load %arg7[%swap3A, %swap3A_71] {strides = array<i32>} : memref<128x128xf32, #tpu.memory_space<vmem>>, vector<16xf32>,
      tpu.vector_store %arg7[%swap3A, %swap3A_71], %broadcast_in_dim3A_70 {strides = array<i32>} : memref<128x128xf32, #tpu.memory_space<vmem>>, vector<16xf32>,
      %broadcast_in_dim3A_73 = arith.constant 0.000000e+00 : f32
      %broadcast_in_dim3A_74 = vector.broadcast %broadcast_in_dim3A_73 : f32 to vector<16xf32>
      %swap3A_75 = arith.index_cast %scan3A_69 : i32 to index
      %swap3A_76 = arith.constant 16 : index
      %swap3A_77 = tpu.vector_load %arg7[%swap3A_75, %swap3A_76] {strides = array<i32>} : memref<128x128xf32, #tpu.memory_space<vmem>>, vector<16xf32>,
      tpu.vector_store %arg7[%swap3A_75, %swap3A_76], %broadcast_in_dim3A_74 {strides = array<i32>} : memref<128x128xf32, #tpu.memory_space<vmem>>, vector<16xf32>,
      %broadcast_in_dim3A_78 = arith.constant 0.000000e+00 : f32
      %broadcast_in_dim3A_79 = vector.broadcast %broadcast_in_dim3A_78 : f32 to vector<16xf32>
      %swap3A_80 = arith.index_cast %scan3A_69 : i32 to index
      %swap3A_81 = arith.constant 32 : index
      %swap3A_82 = tpu.vector_load %arg7[%swap3A_80, %swap3A_81] {strides = array<i32>} : memref<128x128xf32, #tpu.memory_space<vmem>>, vector<16xf32>,
      tpu.vector_store %arg7[%swap3A_80, %swap3A_81], %broadcast_in_dim3A_79 {strides = array<i32>} : memref<128x128xf32, #tpu.memory_space<vmem>>, vector<16xf32>,
      %broadcast_in_dim3A_83 = arith.constant 0.000000e+00 : f32
      %broadcast_in_dim3A_84 = vector.broadcast %broadcast_in_dim3A_83 : f32 to vector<16xf32>
      %swap3A_85 = arith.index_cast %scan3A_69 : i32 to index
      %swap3A_86 = arith.constant 48 : index
      %swap3A_87 = tpu.vector_load %arg7[%swap3A_85, %swap3A_86] {strides = array<i32>} : memref<128x128xf32, #tpu.memory_space<vmem>>, vector<16xf32>,
      tpu.vector_store %arg7[%swap3A_85, %swap3A_86], %broadcast_in_dim3A_84 {strides = array<i32>} : memref<128x128xf32, #tpu.memory_space<vmem>>, vector<16xf32>,
      %broadcast_in_dim3A_88 = arith.constant 0.000000e+00 : f32
      %broadcast_in_dim3A_89 = vector.broadcast %broadcast_in_dim3A_88 : f32 to vector<16xf32>
      %swap3A_90 = arith.index_cast %scan3A_69 : i32 to index
      %swap3A_91 = arith.constant 64 : index
      %swap3A_92 = tpu.vector_load %arg7[%swap3A_90, %swap3A_91] {strides = array<i32>} : memref<128x128xf32, #tpu.memory_space<vmem>>, vector<16xf32>,
      tpu.vector_store %arg7[%swap3A_90, %swap3A_91], %broadcast_in_dim3A_89 {strides = array<i32>} : memref<128x128xf32, #tpu.memory_space<vmem>>, vector<16xf32>,
      %broadcast_in_dim3A_93 = arith.constant 0.000000e+00 : f32
      %broadcast_in_dim3A_94 = vector.broadcast %broadcast_in_dim3A_93 : f32 to vector<16xf32>
      %swap3A_95 = arith.index_cast %scan3A_69 : i32 to index
      %swap3A_96 = arith.constant 80 : index
      %swap3A_97 = tpu.vector_load %arg7[%swap3A_95, %swap3A_96] {strides = array<i32>} : memref<128x128xf32, #tpu.memory_space<vmem>>, vector<16xf32>,
      tpu.vector_store %arg7[%swap3A_95, %swap3A_96], %broadcast_in_dim3A_94 {strides = array<i32>} : memref<128x128xf32, #tpu.memory_space<vmem>>, vector<16xf32>,
      %broadcast_in_dim3A_98 = arith.constant 0.000000e+00 : f32
      %broadcast_in_dim3A_99 = vector.broadcast %broadcast_in_dim3A_98 : f32 to vector<16xf32>
      %swap3A_100 = arith.index_cast %scan3A_69 : i32 to index
      %swap3A_101 = arith.constant 96 : index
      %swap3A_102 = tpu.vector_load %arg7[%swap3A_100, %swap3A_101] {strides = array<i32>} : memref<128x128xf32, #tpu.memory_space<vmem>>, vector<16xf32>,
      tpu.vector_store %arg7[%swap3A_100, %swap3A_101], %broadcast_in_dim3A_99 {strides = array<i32>} : memref<128x128xf32, #tpu.memory_space<vmem>>, vector<16xf32>,
      %broadcast_in_dim3A_103 = arith.constant 0.000000e+00 : f32
      %broadcast_in_dim3A_104 = vector.broadcast %broadcast_in_dim3A_103 : f32 to vector<16xf32>
      %swap3A_105 = arith.index_cast %scan3A_69 : i32 to index
      %swap3A_106 = arith.constant 112 : index
      %swap3A_107 = tpu.vector_load %arg7[%swap3A_105, %swap3A_106] {strides = array<i32>} : memref<128x128xf32, #tpu.memory_space<vmem>>, vector<16xf32>,
      tpu.vector_store %arg7[%swap3A_105, %swap3A_106], %broadcast_in_dim3A_104 {strides = array<i32>} : memref<128x128xf32, #tpu.memory_space<vmem>>, vector<16xf32>,
    }
    %scan3A_5 = arith.constant 128 : i32
    %mul3A_6 = arith.constant 632 : i32
    %mul3A_7 = arith.muli %arg1, %mul3A_6 : i32
    %add3A_8 = arith.constant 0 : i32
    %add3A_9 = arith.addi %mul3A_7, %add3A_8 : i32
    "tpu.region"() ({
      %run_scoped3A_69 = tpu.sem_alloc : memref<!tpu.dma_semaphore, #tpu.memory_space<semaphore_mem>>
      %dma_start3A_70 = arith.constant 0 : i32
      %dma_start3A_71 = arith.constant 0 : i32
      %dma_start3A_72 = tpu.memref_slice %arg7[%dma_start3A_70, %dma_start3A_71] : memref<128x128xf32, #tpu.memory_space<vmem>> -> memref<128x128xf32, #tpu.memory_space<vmem>>
      %dma_start3A_73 = arith.constant 0 : i32
      %dma_start3A_74 = tpu.memref_slice %arg9[%add3A_9, %dma_start3A_73] : memref<10112x128xf32, #tpu.memory_space<vmem_shared>> -> memref<128x128xf32, #tpu.memory_space<vmem_shared>>
      %dma_start3A_75 = arith.constant 0 : i32
      %dma_start3A_76 = tpu.memref_slice %arg9[%add3A_9, %dma_start3A_75] : memref<10112x128xf32, #tpu.memory_space<vmem_shared>> -> memref<128x128xf32, #tpu.memory_space<vmem_shared>>
      %dma_start3A_77 = arith.constant 0 : i32
      %dma_start3A_78 = arith.constant 0 : i32
      %dma_start3A_79 = tpu.memref_slice %arg7[%dma_start3A_77, %dma_start3A_78] : memref<128x128xf32, #tpu.memory_space<vmem>> -> memref<128x128xf32, #tpu.memory_space<vmem>>
      tpu.enqueue_dma source(%dma_start3A_79 : memref<128x128xf32, #tpu.memory_space<vmem>>) target(%dma_start3A_76 : memref<128x128xf32, #tpu.memory_space<vmem_shared>>) target_semaphore(%run_scoped3A_69 : memref<!tpu.dma_semaphore, #tpu.memory_space<semaphore_mem>>)
      %dma_wait3A = arith.constant 0 : i32
      %dma_wait3A_80 = arith.constant 0 : i32
      %dma_wait3A_81 = tpu.memref_slice %arg7[%dma_wait3A, %dma_wait3A_80] : memref<128x128xf32, #tpu.memory_space<vmem>> -> memref<128x128xf32, #tpu.memory_space<vmem>>
      %dma_wait3A_82 = arith.constant 0 : i32
      %dma_wait3A_83 = tpu.memref_slice %arg9[%add3A_9, %dma_wait3A_82] : memref<10112x128xf32, #tpu.memory_space<vmem_shared>> -> memref<128x128xf32, #tpu.memory_space<vmem_shared>>
      %dma_wait3A_84 = arith.constant 0 : i32
      %dma_wait3A_85 = tpu.memref_slice %arg9[%add3A_9, %dma_wait3A_84] : memref<10112x128xf32, #tpu.memory_space<vmem_shared>> -> memref<128x128xf32, #tpu.memory_space<vmem_shared>>
      %dma_wait3A_86 = arith.constant 0 : i32
      %dma_wait3A_87 = arith.constant 0 : i32
      %dma_wait3A_88 = tpu.memref_slice %arg7[%dma_wait3A_86, %dma_wait3A_87] : memref<128x128xf32, #tpu.memory_space<vmem>> -> memref<128x128xf32, #tpu.memory_space<vmem>>
      tpu.wait_dma2 semaphore(%run_scoped3A_69 : memref<!tpu.dma_semaphore, #tpu.memory_space<semaphore_mem>>) src(%dma_wait3A_88 : memref<128x128xf32, #tpu.memory_space<vmem>>) dst(%dma_wait3A_85 : memref<128x128xf32, #tpu.memory_space<vmem_shared>>)
      tpu.yield
    }) : () -> ()
    %add3A_10 = arith.constant 128 : i32
    %add3A_11 = arith.addi %mul3A_7, %add3A_10 : i32
    "tpu.region"() ({
      %run_scoped3A_69 = tpu.sem_alloc : memref<!tpu.dma_semaphore, #tpu.memory_space<semaphore_mem>>
      %dma_start3A_70 = arith.constant 0 : i32
      %dma_start3A_71 = arith.constant 0 : i32
      %dma_start3A_72 = tpu.memref_slice %arg7[%dma_start3A_70, %dma_start3A_71] : memref<128x128xf32, #tpu.memory_space<vmem>> -> memref<128x128xf32, #tpu.memory_space<vmem>>
      %dma_start3A_73 = arith.constant 0 : i32
      %dma_start3A_74 = tpu.memref_slice %arg9[%add3A_11, %dma_start3A_73] : memref<10112x128xf32, #tpu.memory_space<vmem_shared>> -> memref<128x128xf32, #tpu.memory_space<vmem_shared>>
      %dma_start3A_75 = arith.constant 0 : i32
      %dma_start3A_76 = tpu.memref_slice %arg9[%add3A_11, %dma_start3A_75] : memref<10112x128xf32, #tpu.memory_space<vmem_shared>> -> memref<128x128xf32, #tpu.memory_space<vmem_shared>>
      %dma_start3A_77 = arith.constant 0 : i32
      %dma_start3A_78 = arith.constant 0 : i32
      %dma_start3A_79 = tpu.memref_slice %arg7[%dma_start3A_77, %dma_start3A_78] : memref<128x128xf32, #tpu.memory_space<vmem>> -> memref<128x128xf32, #tpu.memory_space<vmem>>
      tpu.enqueue_dma source(%dma_start3A_79 : memref<128x128xf32, #tpu.memory_space<vmem>>) target(%dma_start3A_76 : memref<128x128xf32, #tpu.memory_space<vmem_shared>>) target_semaphore(%run_scoped3A_69 : memref<!tpu.dma_semaphore, #tpu.memory_space<semaphore_mem>>)
      %dma_wait3A = arith.constant 0 : i32
      %dma_wait3A_80 = arith.constant 0 : i32
      %dma_wait3A_81 = tpu.memref_slice %arg7[%dma_wait3A, %dma_wait3A_80] : memref<128x128xf32, #tpu.memory_space<vmem>> -> memref<128x128xf32, #tpu.memory_space<vmem>>
      %dma_wait3A_82 = arith.constant 0 : i32
      %dma_wait3A_83 = tpu.memref_slice %arg9[%add3A_11, %dma_wait3A_82] : memref<10112x128xf32, #tpu.memory_space<vmem_shared>> -> memref<128x128xf32, #tpu.memory_space<vmem_shared>>
      %dma_wait3A_84 = arith.constant 0 : i32
      %dma_wait3A_85 = tpu.memref_slice %arg9[%add3A_11, %dma_wait3A_84] : memref<10112x128xf32, #tpu.memory_space<vmem_shared>> -> memref<128x128xf32, #tpu.memory_space<vmem_shared>>
      %dma_wait3A_86 = arith.constant 0 : i32
      %dma_wait3A_87 = arith.constant 0 : i32
      %dma_wait3A_88 = tpu.memref_slice %arg7[%dma_wait3A_86, %dma_wait3A_87] : memref<128x128xf32, #tpu.memory_space<vmem>> -> memref<128x128xf32, #tpu.memory_space<vmem>>
      tpu.wait_dma2 semaphore(%run_scoped3A_69 : memref<!tpu.dma_semaphore, #tpu.memory_space<semaphore_mem>>) src(%dma_wait3A_88 : memref<128x128xf32, #tpu.memory_space<vmem>>) dst(%dma_wait3A_85 : memref<128x128xf32, #tpu.memory_space<vmem_shared>>)
      tpu.yield
    }) : () -> ()
    %add3A_12 = arith.constant 256 : i32
    %add3A_13 = arith.addi %mul3A_7, %add3A_12 : i32
    "tpu.region"() ({
      %run_scoped3A_69 = tpu.sem_alloc : memref<!tpu.dma_semaphore, #tpu.memory_space<semaphore_mem>>
      %dma_start3A_70 = arith.constant 0 : i32
      %dma_start3A_71 = arith.constant 0 : i32
      %dma_start3A_72 = tpu.memref_slice %arg7[%dma_start3A_70, %dma_start3A_71] : memref<128x128xf32, #tpu.memory_space<vmem>> -> memref<128x128xf32, #tpu.memory_space<vmem>>
      %dma_start3A_73 = arith.constant 0 : i32
      %dma_start3A_74 = tpu.memref_slice %arg9[%add3A_13, %dma_start3A_73] : memref<10112x128xf32, #tpu.memory_space<vmem_shared>> -> memref<128x128xf32, #tpu.memory_space<vmem_shared>>
      %dma_start3A_75 = arith.constant 0 : i32
      %dma_start3A_76 = tpu.memref_slice %arg9[%add3A_13, %dma_start3A_75] : memref<10112x128xf32, #tpu.memory_space<vmem_shared>> -> memref<128x128xf32, #tpu.memory_space<vmem_shared>>
      %dma_start3A_77 = arith.constant 0 : i32
      %dma_start3A_78 = arith.constant 0 : i32
      %dma_start3A_79 = tpu.memref_slice %arg7[%dma_start3A_77, %dma_start3A_78] : memref<128x128xf32, #tpu.memory_space<vmem>> -> memref<128x128xf32, #tpu.memory_space<vmem>>
      tpu.enqueue_dma source(%dma_start3A_79 : memref<128x128xf32, #tpu.memory_space<vmem>>) target(%dma_start3A_76 : memref<128x128xf32, #tpu.memory_space<vmem_shared>>) target_semaphore(%run_scoped3A_69 : memref<!tpu.dma_semaphore, #tpu.memory_space<semaphore_mem>>)
      %dma_wait3A = arith.constant 0 : i32
      %dma_wait3A_80 = arith.constant 0 : i32
      %dma_wait3A_81 = tpu.memref_slice %arg7[%dma_wait3A, %dma_wait3A_80] : memref<128x128xf32, #tpu.memory_space<vmem>> -> memref<128x128xf32, #tpu.memory_space<vmem>>
      %dma_wait3A_82 = arith.constant 0 : i32
      %dma_wait3A_83 = tpu.memref_slice %arg9[%add3A_13, %dma_wait3A_82] : memref<10112x128xf32, #tpu.memory_space<vmem_shared>> -> memref<128x128xf32, #tpu.memory_space<vmem_shared>>
      %dma_wait3A_84 = arith.constant 0 : i32
      %dma_wait3A_85 = tpu.memref_slice %arg9[%add3A_13, %dma_wait3A_84] : memref<10112x128xf32, #tpu.memory_space<vmem_shared>> -> memref<128x128xf32, #tpu.memory_space<vmem_shared>>
      %dma_wait3A_86 = arith.constant 0 : i32
      %dma_wait3A_87 = arith.constant 0 : i32
      %dma_wait3A_88 = tpu.memref_slice %arg7[%dma_wait3A_86, %dma_wait3A_87] : memref<128x128xf32, #tpu.memory_space<vmem>> -> memref<128x128xf32, #tpu.memory_space<vmem>>
      tpu.wait_dma2 semaphore(%run_scoped3A_69 : memref<!tpu.dma_semaphore, #tpu.memory_space<semaphore_mem>>) src(%dma_wait3A_88 : memref<128x128xf32, #tpu.memory_space<vmem>>) dst(%dma_wait3A_85 : memref<128x128xf32, #tpu.memory_space<vmem_shared>>)
      tpu.yield
    }) : () -> ()
    %add3A_14 = arith.constant 384 : i32
    %add3A_15 = arith.addi %mul3A_7, %add3A_14 : i32
    "tpu.region"() ({
      %run_scoped3A_69 = tpu.sem_alloc : memref<!tpu.dma_semaphore, #tpu.memory_space<semaphore_mem>>
      %dma_start3A_70 = arith.constant 0 : i32
      %dma_start3A_71 = arith.constant 0 : i32
      %dma_start3A_72 = tpu.memref_slice %arg7[%dma_start3A_70, %dma_start3A_71] : memref<128x128xf32, #tpu.memory_space<vmem>> -> memref<128x128xf32, #tpu.memory_space<vmem>>
      %dma_start3A_73 = arith.constant 0 : i32
      %dma_start3A_74 = tpu.memref_slice %arg9[%add3A_15, %dma_start3A_73] : memref<10112x128xf32, #tpu.memory_space<vmem_shared>> -> memref<128x128xf32, #tpu.memory_space<vmem_shared>>
      %dma_start3A_75 = arith.constant 0 : i32
      %dma_start3A_76 = tpu.memref_slice %arg9[%add3A_15, %dma_start3A_75] : memref<10112x128xf32, #tpu.memory_space<vmem_shared>> -> memref<128x128xf32, #tpu.memory_space<vmem_shared>>
      %dma_start3A_77 = arith.constant 0 : i32
      %dma_start3A_78 = arith.constant 0 : i32
      %dma_start3A_79 = tpu.memref_slice %arg7[%dma_start3A_77, %dma_start3A_78] : memref<128x128xf32, #tpu.memory_space<vmem>> -> memref<128x128xf32, #tpu.memory_space<vmem>>
      tpu.enqueue_dma source(%dma_start3A_79 : memref<128x128xf32, #tpu.memory_space<vmem>>) target(%dma_start3A_76 : memref<128x128xf32, #tpu.memory_space<vmem_shared>>) target_semaphore(%run_scoped3A_69 : memref<!tpu.dma_semaphore, #tpu.memory_space<semaphore_mem>>)
      %dma_wait3A = arith.constant 0 : i32
      %dma_wait3A_80 = arith.constant 0 : i32
      %dma_wait3A_81 = tpu.memref_slice %arg7[%dma_wait3A, %dma_wait3A_80] : memref<128x128xf32, #tpu.memory_space<vmem>> -> memref<128x128xf32, #tpu.memory_space<vmem>>
      %dma_wait3A_82 = arith.constant 0 : i32
      %dma_wait3A_83 = tpu.memref_slice %arg9[%add3A_15, %dma_wait3A_82] : memref<10112x128xf32, #tpu.memory_space<vmem_shared>> -> memref<128x128xf32, #tpu.memory_space<vmem_shared>>
      %dma_wait3A_84 = arith.constant 0 : i32
      %dma_wait3A_85 = tpu.memref_slice %arg9[%add3A_15, %dma_wait3A_84] : memref<10112x128xf32, #tpu.memory_space<vmem_shared>> -> memref<128x128xf32, #tpu.memory_space<vmem_shared>>
      %dma_wait3A_86 = arith.constant 0 : i32
      %dma_wait3A_87 = arith.constant 0 : i32
      %dma_wait3A_88 = tpu.memref_slice %arg7[%dma_wait3A_86, %dma_wait3A_87] : memref<128x128xf32, #tpu.memory_space<vmem>> -> memref<128x128xf32, #tpu.memory_space<vmem>>
      tpu.wait_dma2 semaphore(%run_scoped3A_69 : memref<!tpu.dma_semaphore, #tpu.memory_space<semaphore_mem>>) src(%dma_wait3A_88 : memref<128x128xf32, #tpu.memory_space<vmem>>) dst(%dma_wait3A_85 : memref<128x128xf32, #tpu.memory_space<vmem_shared>>)
      tpu.yield
    }) : () -> ()
    %add3A_16 = arith.constant 512 : i32
    %add3A_17 = arith.addi %mul3A_7, %add3A_16 : i32
    "tpu.region"() ({
      %run_scoped3A_69 = tpu.sem_alloc : memref<!tpu.dma_semaphore, #tpu.memory_space<semaphore_mem>>
      %dma_start3A_70 = arith.constant 0 : i32
      %dma_start3A_71 = arith.constant 0 : i32
      %dma_start3A_72 = tpu.memref_slice %arg7[%dma_start3A_70, %dma_start3A_71] : memref<128x128xf32, #tpu.memory_space<vmem>> -> memref<120x128xf32, #tpu.memory_space<vmem>>
      %dma_start3A_73 = arith.constant 0 : i32
      %dma_start3A_74 = tpu.memref_slice %arg9[%add3A_17, %dma_start3A_73] : memref<10112x128xf32, #tpu.memory_space<vmem_shared>> -> memref<120x128xf32, #tpu.memory_space<vmem_shared>>
      %dma_start3A_75 = arith.constant 0 : i32
      %dma_start3A_76 = tpu.memref_slice %arg9[%add3A_17, %dma_start3A_75] : memref<10112x128xf32, #tpu.memory_space<vmem_shared>> -> memref<120x128xf32, #tpu.memory_space<vmem_shared>>
      %dma_start3A_77 = arith.constant 0 : i32
      %dma_start3A_78 = arith.constant 0 : i32
      %dma_start3A_79 = tpu.memref_slice %arg7[%dma_start3A_77, %dma_start3A_78] : memref<128x128xf32, #tpu.memory_space<vmem>> -> memref<120x128xf32, #tpu.memory_space<vmem>>
      tpu.enqueue_dma source(%dma_start3A_79 : memref<120x128xf32, #tpu.memory_space<vmem>>) target(%dma_start3A_76 : memref<120x128xf32, #tpu.memory_space<vmem_shared>>) target_semaphore(%run_scoped3A_69 : memref<!tpu.dma_semaphore, #tpu.memory_space<semaphore_mem>>)
      %dma_wait3A = arith.constant 0 : i32
      %dma_wait3A_80 = arith.constant 0 : i32
      %dma_wait3A_81 = tpu.memref_slice %arg7[%dma_wait3A, %dma_wait3A_80] : memref<128x128xf32, #tpu.memory_space<vmem>> -> memref<120x128xf32, #tpu.memory_space<vmem>>
      %dma_wait3A_82 = arith.constant 0 : i32
      %dma_wait3A_83 = tpu.memref_slice %arg9[%add3A_17, %dma_wait3A_82] : memref<10112x128xf32, #tpu.memory_space<vmem_shared>> -> memref<120x128xf32, #tpu.memory_space<vmem_shared>>
      %dma_wait3A_84 = arith.constant 0 : i32
      %dma_wait3A_85 = tpu.memref_slice %arg9[%add3A_17, %dma_wait3A_84] : memref<10112x128xf32, #tpu.memory_space<vmem_shared>> -> memref<120x128xf32, #tpu.memory_space<vmem_shared>>
      %dma_wait3A_86 = arith.constant 0 : i32
      %dma_wait3A_87 = arith.constant 0 : i32
      %dma_wait3A_88 = tpu.memref_slice %arg7[%dma_wait3A_86, %dma_wait3A_87] : memref<128x128xf32, #tpu.memory_space<vmem>> -> memref<120x128xf32, #tpu.memory_space<vmem>>
      tpu.wait_dma2 semaphore(%run_scoped3A_69 : memref<!tpu.dma_semaphore, #tpu.memory_space<semaphore_mem>>) src(%dma_wait3A_88 : memref<120x128xf32, #tpu.memory_space<vmem>>) dst(%dma_wait3A_85 : memref<120x128xf32, #tpu.memory_space<vmem_shared>>)
      tpu.yield
    }) : () -> ()
    %barrier3A = arith.constant 0 : index
    tpu.barrier barrier_id(%barrier3A)
    "tpu.trace_stop"() : () -> ()
    "tpu.trace_start"() <{level = 10 : i32, message = "edge_loop"}> : () -> ()
    %mul3A_18 = arith.constant 80 : i32
    %mul3A_19 = arith.muli %add3A, %mul3A_18 : i32
    %add3A_20 = arith.constant 0 : i32
    %add3A_21 = arith.addi %mul3A_19, %add3A_20 : i32
    %run_scoped3A = arith.constant 0 : i32
    "tpu.region"() ({
      %run_scoped3A_69 = tpu.sem_alloc : memref<!tpu.dma_semaphore, #tpu.memory_space<semaphore_mem>>
      %dma_start3A_70 = arith.constant 0 : i32
      %dma_start3A_71 = tpu.memref_slice %arg3[%run_scoped3A, %add3A_21, %dma_start3A_70] : memref<2x2560x128xi32, #tpu.memory_space<hbm>> -> memref<1x40x128xi32, #tpu.memory_space<hbm>>
      %dma_start3A_72 = tpu.memref_squeeze %dma_start3A_71 : memref<1x40x128xi32, #tpu.memory_space<hbm>> -> memref<40x128xi32, #tpu.memory_space<hbm>>
      %dma_start3A_73 = arith.constant 0 : i32
      %dma_start3A_74 = tpu.memref_slice %arg3[%run_scoped3A, %add3A_21, %dma_start3A_73] : memref<2x2560x128xi32, #tpu.memory_space<hbm>> -> memref<1x40x128xi32, #tpu.memory_space<hbm>>
      %dma_start3A_75 = tpu.memref_squeeze %dma_start3A_74 : memref<1x40x128xi32, #tpu.memory_space<hbm>> -> memref<40x128xi32, #tpu.memory_space<hbm>>
      tpu.enqueue_dma source(%dma_start3A_75 : memref<40x128xi32, #tpu.memory_space<hbm>>) target(%arg5 : memref<40x128xi32, #tpu.memory_space<vmem>>) target_semaphore(%run_scoped3A_69 : memref<!tpu.dma_semaphore, #tpu.memory_space<semaphore_mem>>)
      %dma_wait3A = arith.constant 0 : i32
      %dma_wait3A_76 = tpu.memref_slice %arg3[%run_scoped3A, %add3A_21, %dma_wait3A] : memref<2x2560x128xi32, #tpu.memory_space<hbm>> -> memref<1x40x128xi32, #tpu.memory_space<hbm>>
      %dma_wait3A_77 = tpu.memref_squeeze %dma_wait3A_76 : memref<1x40x128xi32, #tpu.memory_space<hbm>> -> memref<40x128xi32, #tpu.memory_space<hbm>>
      %dma_wait3A_78 = arith.constant 0 : i32
      %dma_wait3A_79 = tpu.memref_slice %arg3[%run_scoped3A, %add3A_21, %dma_wait3A_78] : memref<2x2560x128xi32, #tpu.memory_space<hbm>> -> memref<1x40x128xi32, #tpu.memory_space<hbm>>
      %dma_wait3A_80 = tpu.memref_squeeze %dma_wait3A_79 : memref<1x40x128xi32, #tpu.memory_space<hbm>> -> memref<40x128xi32, #tpu.memory_space<hbm>>
      tpu.wait_dma2 semaphore(%run_scoped3A_69 : memref<!tpu.dma_semaphore, #tpu.memory_space<semaphore_mem>>) src(%dma_wait3A_80 : memref<40x128xi32, #tpu.memory_space<hbm>>) dst(%arg5 : memref<40x128xi32, #tpu.memory_space<vmem>>)
      tpu.yield
    }) : () -> ()
    %run_scoped3A_22 = arith.constant 1 : i32
    "tpu.region"() ({
      %run_scoped3A_69 = tpu.sem_alloc : memref<!tpu.dma_semaphore, #tpu.memory_space<semaphore_mem>>
      %dma_start3A_70 = arith.constant 0 : i32
      %dma_start3A_71 = tpu.memref_slice %arg3[%run_scoped3A_22, %add3A_21, %dma_start3A_70] : memref<2x2560x128xi32, #tpu.memory_space<hbm>> -> memref<1x40x128xi32, #tpu.memory_space<hbm>>
      %dma_start3A_72 = tpu.memref_squeeze %dma_start3A_71 : memref<1x40x128xi32, #tpu.memory_space<hbm>> -> memref<40x128xi32, #tpu.memory_space<hbm>>
      %dma_start3A_73 = arith.constant 0 : i32
      %dma_start3A_74 = tpu.memref_slice %arg3[%run_scoped3A_22, %add3A_21, %dma_start3A_73] : memref<2x2560x128xi32, #tpu.memory_space<hbm>> -> memref<1x40x128xi32, #tpu.memory_space<hbm>>
      %dma_start3A_75 = tpu.memref_squeeze %dma_start3A_74 : memref<1x40x128xi32, #tpu.memory_space<hbm>> -> memref<40x128xi32, #tpu.memory_space<hbm>>
      tpu.enqueue_dma source(%dma_start3A_75 : memref<40x128xi32, #tpu.memory_space<hbm>>) target(%arg6 : memref<40x128xi32, #tpu.memory_space<vmem>>) target_semaphore(%run_scoped3A_69 : memref<!tpu.dma_semaphore, #tpu.memory_space<semaphore_mem>>)
      %dma_wait3A = arith.constant 0 : i32
      %dma_wait3A_76 = tpu.memref_slice %arg3[%run_scoped3A_22, %add3A_21, %dma_wait3A] : memref<2x2560x128xi32, #tpu.memory_space<hbm>> -> memref<1x40x128xi32, #tpu.memory_space<hbm>>
      %dma_wait3A_77 = tpu.memref_squeeze %dma_wait3A_76 : memref<1x40x128xi32, #tpu.memory_space<hbm>> -> memref<40x128xi32, #tpu.memory_space<hbm>>
      %dma_wait3A_78 = arith.constant 0 : i32
      %dma_wait3A_79 = tpu.memref_slice %arg3[%run_scoped3A_22, %add3A_21, %dma_wait3A_78] : memref<2x2560x128xi32, #tpu.memory_space<hbm>> -> memref<1x40x128xi32, #tpu.memory_space<hbm>>
      %dma_wait3A_80 = tpu.memref_squeeze %dma_wait3A_79 : memref<1x40x128xi32, #tpu.memory_space<hbm>> -> memref<40x128xi32, #tpu.memory_space<hbm>>
      tpu.wait_dma2 semaphore(%run_scoped3A_69 : memref<!tpu.dma_semaphore, #tpu.memory_space<semaphore_mem>>) src(%dma_wait3A_80 : memref<40x128xi32, #tpu.memory_space<hbm>>) dst(%arg6 : memref<40x128xi32, #tpu.memory_space<vmem>>)
      tpu.yield
    }) : () -> ()
    %dma_start3A = arith.constant 0 : i32
    %dma_start3A_23 = arith.constant 0 : i32
    %dma_start3A_24 = tpu.memref_slice %arg5[%dma_start3A, %dma_start3A_23] : memref<40x128xi32, #tpu.memory_space<vmem>> -> memref<1x128xi32, #tpu.memory_space<vmem>>
    %dma_start3A_25 = tpu.memref_squeeze %dma_start3A_24 : memref<1x128xi32, #tpu.memory_space<vmem>> -> memref<128xi32, #tpu.memory_space<vmem>>
    %dma_start3A_26 = arith.constant 0 : i32
    %dma_start3A_27 = arith.constant 0 : i32
    %dma_start3A_28 = tpu.memref_slice %arg2[%dma_start3A_26, %dma_start3A_27] : memref<10000x128xf32, #tpu.memory_space<hbm>> -> memref<10000x128xf32, #tpu.memory_space<hbm>>
    tpu.enqueue_indirect_dma source(%dma_start3A_28 : memref<10000x128xf32, #tpu.memory_space<hbm>>) target(%arg7 : memref<128x128xf32, #tpu.memory_space<vmem>>) offsets(%dma_start3A_25 : memref<128xi32, #tpu.memory_space<vmem>>) semaphore(%arg10 : memref<!tpu.dma_semaphore, #tpu.memory_space<semaphore_mem>>)
    %dma_start3A_29 = arith.constant 1 : i32
    %dma_start3A_30 = arith.constant 0 : i32
    %dma_start3A_31 = tpu.memref_slice %arg5[%dma_start3A_29, %dma_start3A_30] : memref<40x128xi32, #tpu.memory_space<vmem>> -> memref<1x128xi32, #tpu.memory_space<vmem>>
    %dma_start3A_32 = tpu.memref_squeeze %dma_start3A_31 : memref<1x128xi32, #tpu.memory_space<vmem>> -> memref<128xi32, #tpu.memory_space<vmem>>
    %dma_start3A_33 = arith.constant 0 : i32
    %dma_start3A_34 = arith.constant 0 : i32
    %dma_start3A_35 = tpu.memref_slice %arg2[%dma_start3A_33, %dma_start3A_34] : memref<10000x128xf32, #tpu.memory_space<hbm>> -> memref<10000x128xf32, #tpu.memory_space<hbm>>
    tpu.enqueue_indirect_dma source(%dma_start3A_35 : memref<10000x128xf32, #tpu.memory_space<hbm>>) target(%arg8 : memref<128x128xf32, #tpu.memory_space<vmem>>) offsets(%dma_start3A_32 : memref<128xi32, #tpu.memory_space<vmem>>) semaphore(%arg11 : memref<!tpu.dma_semaphore, #tpu.memory_space<semaphore_mem>>)
    %scan3A_36 = arith.constant 0 : i32
    %scan3A_37 = arith.constant 0 : i32
    %scan3A_38 = arith.constant 20 : i32
    %scan3A_39 = arith.addi %scan3A_37, %scan3A_38 : i32
    %scan3A_40 = arith.constant 1 : i32
    scf.for %scan3A_69 = %scan3A_37 to %scan3A_39 step %scan3A_40  : i32 {
      %mul3A_70 = arith.constant 2 : i32
      %mul3A_71 = arith.muli %scan3A_69, %mul3A_70 : i32
      %add3A_72 = arith.constant 0 : i32
      %add3A_73 = arith.addi %mul3A_71, %add3A_72 : i32
      %dma_wait3A = arith.constant 0 : i32
      %dma_wait3A_74 = tpu.memref_slice %arg5[%add3A_73, %dma_wait3A] : memref<40x128xi32, #tpu.memory_space<vmem>> -> memref<1x128xi32, #tpu.memory_space<vmem>>
      %dma_wait3A_75 = tpu.memref_squeeze %dma_wait3A_74 : memref<1x128xi32, #tpu.memory_space<vmem>> -> memref<128xi32, #tpu.memory_space<vmem>>
      %dma_wait3A_76 = arith.constant 0 : i32
      %dma_wait3A_77 = arith.constant 0 : i32
      %dma_wait3A_78 = tpu.memref_slice %arg2[%dma_wait3A_76, %dma_wait3A_77] : memref<10000x128xf32, #tpu.memory_space<hbm>> -> memref<10000x128xf32, #tpu.memory_space<hbm>>
      tpu.wait_indirect_dma semaphore(%arg10 : memref<!tpu.dma_semaphore, #tpu.memory_space<semaphore_mem>>) src(%dma_wait3A_78 : memref<10000x128xf32, #tpu.memory_space<hbm>>) dst(%arg7 : memref<128x128xf32, #tpu.memory_space<vmem>>)
      "tpu.region"() ({
        %run_scoped3A_98 = tpu.sem_alloc : memref<!tpu.dma_semaphore, #tpu.memory_space<semaphore_mem>>
        %dma_start3A_99 = arith.constant 0 : i32
        %dma_start3A_100 = tpu.memref_slice %arg6[%add3A_73, %dma_start3A_99] : memref<40x128xi32, #tpu.memory_space<vmem>> -> memref<1x128xi32, #tpu.memory_space<vmem>>
        %dma_start3A_101 = tpu.memref_squeeze %dma_start3A_100 : memref<1x128xi32, #tpu.memory_space<vmem>> -> memref<128xi32, #tpu.memory_space<vmem>>
        %dma_start3A_102 = arith.constant 0 : i32
        %dma_start3A_103 = arith.constant 0 : i32
        %dma_start3A_104 = tpu.memref_slice %arg9[%dma_start3A_102, %dma_start3A_103] : memref<10112x128xf32, #tpu.memory_space<vmem_shared>> -> memref<10112x128xf32, #tpu.memory_space<vmem_shared>>
        tpu.enqueue_indirect_dma source(%arg7 : memref<128x128xf32, #tpu.memory_space<vmem>>) target(%dma_start3A_104 : memref<10112x128xf32, #tpu.memory_space<vmem_shared>>) offsets(%dma_start3A_101 : memref<128xi32, #tpu.memory_space<vmem>>) semaphore(%run_scoped3A_98 : memref<!tpu.dma_semaphore, #tpu.memory_space<semaphore_mem>>) {add = true}
        %dma_wait3A_105 = arith.constant 0 : i32
        %dma_wait3A_106 = tpu.memref_slice %arg6[%add3A_73, %dma_wait3A_105] : memref<40x128xi32, #tpu.memory_space<vmem>> -> memref<1x128xi32, #tpu.memory_space<vmem>>
        %dma_wait3A_107 = tpu.memref_squeeze %dma_wait3A_106 : memref<1x128xi32, #tpu.memory_space<vmem>> -> memref<128xi32, #tpu.memory_space<vmem>>
        %dma_wait3A_108 = arith.constant 0 : i32
        %dma_wait3A_109 = arith.constant 0 : i32
        %dma_wait3A_110 = tpu.memref_slice %arg9[%dma_wait3A_108, %dma_wait3A_109] : memref<10112x128xf32, #tpu.memory_space<vmem_shared>> -> memref<10112x128xf32, #tpu.memory_space<vmem_shared>>
        tpu.wait_indirect_dma semaphore(%run_scoped3A_98 : memref<!tpu.dma_semaphore, #tpu.memory_space<semaphore_mem>>) src(%arg7 : memref<128x128xf32, #tpu.memory_space<vmem>>) dst(%dma_wait3A_110 : memref<10112x128xf32, #tpu.memory_space<vmem_shared>>)
        tpu.yield
      }) : () -> ()
      %add3A_79 = arith.constant 2 : i32
      %add3A_80 = arith.addi %add3A_73, %add3A_79 : i32
      %lt3A = arith.constant 40 : i32
      %lt3A_81 = arith.cmpi slt, %add3A_80, %lt3A : i32
      %convert_element_type3A = arith.extui %lt3A_81 : i1 to i32
      %cond3A = arith.constant 0 : i32
      %cond3A_82 = arith.cmpi ne, %convert_element_type3A, %cond3A : i32
      scf.if %cond3A_82 {
        %add3A_98 = arith.constant 2 : i32
        %add3A_99 = arith.addi %add3A_73, %add3A_98 : i32
        %dma_start3A_100 = arith.constant 0 : i32
        %dma_start3A_101 = tpu.memref_slice %arg5[%add3A_99, %dma_start3A_100] : memref<40x128xi32, #tpu.memory_space<vmem>> -> memref<1x128xi32, #tpu.memory_space<vmem>>
        %dma_start3A_102 = tpu.memref_squeeze %dma_start3A_101 : memref<1x128xi32, #tpu.memory_space<vmem>> -> memref<128xi32, #tpu.memory_space<vmem>>
        %dma_start3A_103 = arith.constant 0 : i32
        %dma_start3A_104 = arith.constant 0 : i32
        %dma_start3A_105 = tpu.memref_slice %arg2[%dma_start3A_103, %dma_start3A_104] : memref<10000x128xf32, #tpu.memory_space<hbm>> -> memref<10000x128xf32, #tpu.memory_space<hbm>>
        tpu.enqueue_indirect_dma source(%dma_start3A_105 : memref<10000x128xf32, #tpu.memory_space<hbm>>) target(%arg7 : memref<128x128xf32, #tpu.memory_space<vmem>>) offsets(%dma_start3A_102 : memref<128xi32, #tpu.memory_space<vmem>>) semaphore(%arg10 : memref<!tpu.dma_semaphore, #tpu.memory_space<semaphore_mem>>)
      } else {
      }
      %add3A_83 = arith.constant 1 : i32
      %add3A_84 = arith.addi %mul3A_71, %add3A_83 : i32
      %dma_wait3A_85 = arith.constant 0 : i32
      %dma_wait3A_86 = tpu.memref_slice %arg5[%add3A_84, %dma_wait3A_85] : memref<40x128xi32, #tpu.memory_space<vmem>> -> memref<1x128xi32, #tpu.memory_space<vmem>>
      %dma_wait3A_87 = tpu.memref_squeeze %dma_wait3A_86 : memref<1x128xi32, #tpu.memory_space<vmem>> -> memref<128xi32, #tpu.memory_space<vmem>>
      %dma_wait3A_88 = arith.constant 0 : i32
      %dma_wait3A_89 = arith.constant 0 : i32
      %dma_wait3A_90 = tpu.memref_slice %arg2[%dma_wait3A_88, %dma_wait3A_89] : memref<10000x128xf32, #tpu.memory_space<hbm>> -> memref<10000x128xf32, #tpu.memory_space<hbm>>
      tpu.wait_indirect_dma semaphore(%arg11 : memref<!tpu.dma_semaphore, #tpu.memory_space<semaphore_mem>>) src(%dma_wait3A_90 : memref<10000x128xf32, #tpu.memory_space<hbm>>) dst(%arg8 : memref<128x128xf32, #tpu.memory_space<vmem>>)
      "tpu.region"() ({
        %run_scoped3A_98 = tpu.sem_alloc : memref<!tpu.dma_semaphore, #tpu.memory_space<semaphore_mem>>
        %dma_start3A_99 = arith.constant 0 : i32
        %dma_start3A_100 = tpu.memref_slice %arg6[%add3A_84, %dma_start3A_99] : memref<40x128xi32, #tpu.memory_space<vmem>> -> memref<1x128xi32, #tpu.memory_space<vmem>>
        %dma_start3A_101 = tpu.memref_squeeze %dma_start3A_100 : memref<1x128xi32, #tpu.memory_space<vmem>> -> memref<128xi32, #tpu.memory_space<vmem>>
        %dma_start3A_102 = arith.constant 0 : i32
        %dma_start3A_103 = arith.constant 0 : i32
        %dma_start3A_104 = tpu.memref_slice %arg9[%dma_start3A_102, %dma_start3A_103] : memref<10112x128xf32, #tpu.memory_space<vmem_shared>> -> memref<10112x128xf32, #tpu.memory_space<vmem_shared>>
        tpu.enqueue_indirect_dma source(%arg8 : memref<128x128xf32, #tpu.memory_space<vmem>>) target(%dma_start3A_104 : memref<10112x128xf32, #tpu.memory_space<vmem_shared>>) offsets(%dma_start3A_101 : memref<128xi32, #tpu.memory_space<vmem>>) semaphore(%run_scoped3A_98 : memref<!tpu.dma_semaphore, #tpu.memory_space<semaphore_mem>>) {add = true}
        %dma_wait3A_105 = arith.constant 0 : i32
        %dma_wait3A_106 = tpu.memref_slice %arg6[%add3A_84, %dma_wait3A_105] : memref<40x128xi32, #tpu.memory_space<vmem>> -> memref<1x128xi32, #tpu.memory_space<vmem>>
        %dma_wait3A_107 = tpu.memref_squeeze %dma_wait3A_106 : memref<1x128xi32, #tpu.memory_space<vmem>> -> memref<128xi32, #tpu.memory_space<vmem>>
        %dma_wait3A_108 = arith.constant 0 : i32
        %dma_wait3A_109 = arith.constant 0 : i32
        %dma_wait3A_110 = tpu.memref_slice %arg9[%dma_wait3A_108, %dma_wait3A_109] : memref<10112x128xf32, #tpu.memory_space<vmem_shared>> -> memref<10112x128xf32, #tpu.memory_space<vmem_shared>>
        tpu.wait_indirect_dma semaphore(%run_scoped3A_98 : memref<!tpu.dma_semaphore, #tpu.memory_space<semaphore_mem>>) src(%arg8 : memref<128x128xf32, #tpu.memory_space<vmem>>) dst(%dma_wait3A_110 : memref<10112x128xf32, #tpu.memory_space<vmem_shared>>)
        tpu.yield
      }) : () -> ()
      %add3A_91 = arith.constant 2 : i32
      %add3A_92 = arith.addi %add3A_84, %add3A_91 : i32
      %lt3A_93 = arith.constant 40 : i32
      %lt3A_94 = arith.cmpi slt, %add3A_92, %lt3A_93 : i32
      %convert_element_type3A_95 = arith.extui %lt3A_94 : i1 to i32
      %cond3A_96 = arith.constant 0 : i32
      %cond3A_97 = arith.cmpi ne, %convert_element_type3A_95, %cond3A_96 : i32
      scf.if %cond3A_97 {
        %add3A_98 = arith.constant 2 : i32
        %add3A_99 = arith.addi %add3A_84, %add3A_98 : i32
        %dma_start3A_100 = arith.constant 0 : i32
        %dma_start3A_101 = tpu.memref_slice %arg5[%add3A_99, %dma_start3A_100] : memref<40x128xi32, #tpu.memory_space<vmem>> -> memref<1x128xi32, #tpu.memory_space<vmem>>
        %dma_start3A_102 = tpu.memref_squeeze %dma_start3A_101 : memref<1x128xi32, #tpu.memory_space<vmem>> -> memref<128xi32, #tpu.memory_space<vmem>>
        %dma_start3A_103 = arith.constant 0 : i32
        %dma_start3A_104 = arith.constant 0 : i32
        %dma_start3A_105 = tpu.memref_slice %arg2[%dma_start3A_103, %dma_start3A_104] : memref<10000x128xf32, #tpu.memory_space<hbm>> -> memref<10000x128xf32, #tpu.memory_space<hbm>>
        tpu.enqueue_indirect_dma source(%dma_start3A_105 : memref<10000x128xf32, #tpu.memory_space<hbm>>) target(%arg8 : memref<128x128xf32, #tpu.memory_space<vmem>>) offsets(%dma_start3A_102 : memref<128xi32, #tpu.memory_space<vmem>>) semaphore(%arg11 : memref<!tpu.dma_semaphore, #tpu.memory_space<semaphore_mem>>)
      } else {
      }
    }
    %scan3A_41 = arith.constant 20 : i32
    %mul3A_42 = arith.constant 80 : i32
    %mul3A_43 = arith.muli %add3A, %mul3A_42 : i32
    %add3A_44 = arith.constant 40 : i32
    %add3A_45 = arith.addi %mul3A_43, %add3A_44 : i32
    %run_scoped3A_46 = arith.constant 0 : i32
    "tpu.region"() ({
      %run_scoped3A_69 = tpu.sem_alloc : memref<!tpu.dma_semaphore, #tpu.memory_space<semaphore_mem>>
      %dma_start3A_70 = arith.constant 0 : i32
      %dma_start3A_71 = tpu.memref_slice %arg3[%run_scoped3A_46, %add3A_45, %dma_start3A_70] : memref<2x2560x128xi32, #tpu.memory_space<hbm>> -> memref<1x40x128xi32, #tpu.memory_space<hbm>>
      %dma_start3A_72 = tpu.memref_squeeze %dma_start3A_71 : memref<1x40x128xi32, #tpu.memory_space<hbm>> -> memref<40x128xi32, #tpu.memory_space<hbm>>
      %dma_start3A_73 = arith.constant 0 : i32
      %dma_start3A_74 = tpu.memref_slice %arg3[%run_scoped3A_46, %add3A_45, %dma_start3A_73] : memref<2x2560x128xi32, #tpu.memory_space<hbm>> -> memref<1x40x128xi32, #tpu.memory_space<hbm>>
      %dma_start3A_75 = tpu.memref_squeeze %dma_start3A_74 : memref<1x40x128xi32, #tpu.memory_space<hbm>> -> memref<40x128xi32, #tpu.memory_space<hbm>>
      tpu.enqueue_dma source(%dma_start3A_75 : memref<40x128xi32, #tpu.memory_space<hbm>>) target(%arg5 : memref<40x128xi32, #tpu.memory_space<vmem>>) target_semaphore(%run_scoped3A_69 : memref<!tpu.dma_semaphore, #tpu.memory_space<semaphore_mem>>)
      %dma_wait3A = arith.constant 0 : i32
      %dma_wait3A_76 = tpu.memref_slice %arg3[%run_scoped3A_46, %add3A_45, %dma_wait3A] : memref<2x2560x128xi32, #tpu.memory_space<hbm>> -> memref<1x40x128xi32, #tpu.memory_space<hbm>>
      %dma_wait3A_77 = tpu.memref_squeeze %dma_wait3A_76 : memref<1x40x128xi32, #tpu.memory_space<hbm>> -> memref<40x128xi32, #tpu.memory_space<hbm>>
      %dma_wait3A_78 = arith.constant 0 : i32
      %dma_wait3A_79 = tpu.memref_slice %arg3[%run_scoped3A_46, %add3A_45, %dma_wait3A_78] : memref<2x2560x128xi32, #tpu.memory_space<hbm>> -> memref<1x40x128xi32, #tpu.memory_space<hbm>>
      %dma_wait3A_80 = tpu.memref_squeeze %dma_wait3A_79 : memref<1x40x128xi32, #tpu.memory_space<hbm>> -> memref<40x128xi32, #tpu.memory_space<hbm>>
      tpu.wait_dma2 semaphore(%run_scoped3A_69 : memref<!tpu.dma_semaphore, #tpu.memory_space<semaphore_mem>>) src(%dma_wait3A_80 : memref<40x128xi32, #tpu.memory_space<hbm>>) dst(%arg5 : memref<40x128xi32, #tpu.memory_space<vmem>>)
      tpu.yield
    }) : () -> ()
    %run_scoped3A_47 = arith.constant 1 : i32
    "tpu.region"() ({
      %run_scoped3A_69 = tpu.sem_alloc : memref<!tpu.dma_semaphore, #tpu.memory_space<semaphore_mem>>
      %dma_start3A_70 = arith.constant 0 : i32
      %dma_start3A_71 = tpu.memref_slice %arg3[%run_scoped3A_47, %add3A_45, %dma_start3A_70] : memref<2x2560x128xi32, #tpu.memory_space<hbm>> -> memref<1x40x128xi32, #tpu.memory_space<hbm>>
      %dma_start3A_72 = tpu.memref_squeeze %dma_start3A_71 : memref<1x40x128xi32, #tpu.memory_space<hbm>> -> memref<40x128xi32, #tpu.memory_space<hbm>>
      %dma_start3A_73 = arith.constant 0 : i32
      %dma_start3A_74 = tpu.memref_slice %arg3[%run_scoped3A_47, %add3A_45, %dma_start3A_73] : memref<2x2560x128xi32, #tpu.memory_space<hbm>> -> memref<1x40x128xi32, #tpu.memory_space<hbm>>
      %dma_start3A_75 = tpu.memref_squeeze %dma_start3A_74 : memref<1x40x128xi32, #tpu.memory_space<hbm>> -> memref<40x128xi32, #tpu.memory_space<hbm>>
      tpu.enqueue_dma source(%dma_start3A_75 : memref<40x128xi32, #tpu.memory_space<hbm>>) target(%arg6 : memref<40x128xi32, #tpu.memory_space<vmem>>) target_semaphore(%run_scoped3A_69 : memref<!tpu.dma_semaphore, #tpu.memory_space<semaphore_mem>>)
      %dma_wait3A = arith.constant 0 : i32
      %dma_wait3A_76 = tpu.memref_slice %arg3[%run_scoped3A_47, %add3A_45, %dma_wait3A] : memref<2x2560x128xi32, #tpu.memory_space<hbm>> -> memref<1x40x128xi32, #tpu.memory_space<hbm>>
      %dma_wait3A_77 = tpu.memref_squeeze %dma_wait3A_76 : memref<1x40x128xi32, #tpu.memory_space<hbm>> -> memref<40x128xi32, #tpu.memory_space<hbm>>
      %dma_wait3A_78 = arith.constant 0 : i32
      %dma_wait3A_79 = tpu.memref_slice %arg3[%run_scoped3A_47, %add3A_45, %dma_wait3A_78] : memref<2x2560x128xi32, #tpu.memory_space<hbm>> -> memref<1x40x128xi32, #tpu.memory_space<hbm>>
      %dma_wait3A_80 = tpu.memref_squeeze %dma_wait3A_79 : memref<1x40x128xi32, #tpu.memory_space<hbm>> -> memref<40x128xi32, #tpu.memory_space<hbm>>
      tpu.wait_dma2 semaphore(%run_scoped3A_69 : memref<!tpu.dma_semaphore, #tpu.memory_space<semaphore_mem>>) src(%dma_wait3A_80 : memref<40x128xi32, #tpu.memory_space<hbm>>) dst(%arg6 : memref<40x128xi32, #tpu.memory_space<vmem>>)
      tpu.yield
    }) : () -> ()
    %dma_start3A_48 = arith.constant 0 : i32
    %dma_start3A_49 = arith.constant 0 : i32
    %dma_start3A_50 = tpu.memref_slice %arg5[%dma_start3A_48, %dma_start3A_49] : memref<40x128xi32, #tpu.memory_space<vmem>> -> memref<1x128xi32, #tpu.memory_space<vmem>>
    %dma_start3A_51 = tpu.memref_squeeze %dma_start3A_50 : memref<1x128xi32, #tpu.memory_space<vmem>> -> memref<128xi32, #tpu.memory_space<vmem>>
    %dma_start3A_52 = arith.constant 0 : i32
    %dma_start3A_53 = arith.constant 0 : i32
    %dma_start3A_54 = tpu.memref_slice %arg2[%dma_start3A_52, %dma_start3A_53] : memref<10000x128xf32, #tpu.memory_space<hbm>> -> memref<10000x128xf32, #tpu.memory_space<hbm>>
    tpu.enqueue_indirect_dma source(%dma_start3A_54 : memref<10000x128xf32, #tpu.memory_space<hbm>>) target(%arg7 : memref<128x128xf32, #tpu.memory_space<vmem>>) offsets(%dma_start3A_51 : memref<128xi32, #tpu.memory_space<vmem>>) semaphore(%arg10 : memref<!tpu.dma_semaphore, #tpu.memory_space<semaphore_mem>>)
    %dma_start3A_55 = arith.constant 1 : i32
    %dma_start3A_56 = arith.constant 0 : i32
    %dma_start3A_57 = tpu.memref_slice %arg5[%dma_start3A_55, %dma_start3A_56] : memref<40x128xi32, #tpu.memory_space<vmem>> -> memref<1x128xi32, #tpu.memory_space<vmem>>
    %dma_start3A_58 = tpu.memref_squeeze %dma_start3A_57 : memref<1x128xi32, #tpu.memory_space<vmem>> -> memref<128xi32, #tpu.memory_space<vmem>>
    %dma_start3A_59 = arith.constant 0 : i32
    %dma_start3A_60 = arith.constant 0 : i32
    %dma_start3A_61 = tpu.memref_slice %arg2[%dma_start3A_59, %dma_start3A_60] : memref<10000x128xf32, #tpu.memory_space<hbm>> -> memref<10000x128xf32, #tpu.memory_space<hbm>>
    tpu.enqueue_indirect_dma source(%dma_start3A_61 : memref<10000x128xf32, #tpu.memory_space<hbm>>) target(%arg8 : memref<128x128xf32, #tpu.memory_space<vmem>>) offsets(%dma_start3A_58 : memref<128xi32, #tpu.memory_space<vmem>>) semaphore(%arg11 : memref<!tpu.dma_semaphore, #tpu.memory_space<semaphore_mem>>)
    %scan3A_62 = arith.constant 0 : i32
    %scan3A_63 = arith.constant 0 : i32
    %scan3A_64 = arith.constant 20 : i32
    %scan3A_65 = arith.addi %scan3A_63, %scan3A_64 : i32
    %scan3A_66 = arith.constant 1 : i32
    scf.for %scan3A_69 = %scan3A_63 to %scan3A_65 step %scan3A_66  : i32 {
      %mul3A_70 = arith.constant 2 : i32
      %mul3A_71 = arith.muli %scan3A_69, %mul3A_70 : i32
      %add3A_72 = arith.constant 0 : i32
      %add3A_73 = arith.addi %mul3A_71, %add3A_72 : i32
      %dma_wait3A = arith.constant 0 : i32
      %dma_wait3A_74 = tpu.memref_slice %arg5[%add3A_73, %dma_wait3A] : memref<40x128xi32, #tpu.memory_space<vmem>> -> memref<1x128xi32, #tpu.memory_space<vmem>>
      %dma_wait3A_75 = tpu.memref_squeeze %dma_wait3A_74 : memref<1x128xi32, #tpu.memory_space<vmem>> -> memref<128xi32, #tpu.memory_space<vmem>>
      %dma_wait3A_76 = arith.constant 0 : i32
      %dma_wait3A_77 = arith.constant 0 : i32
      %dma_wait3A_78 = tpu.memref_slice %arg2[%dma_wait3A_76, %dma_wait3A_77] : memref<10000x128xf32, #tpu.memory_space<hbm>> -> memref<10000x128xf32, #tpu.memory_space<hbm>>
      tpu.wait_indirect_dma semaphore(%arg10 : memref<!tpu.dma_semaphore, #tpu.memory_space<semaphore_mem>>) src(%dma_wait3A_78 : memref<10000x128xf32, #tpu.memory_space<hbm>>) dst(%arg7 : memref<128x128xf32, #tpu.memory_space<vmem>>)
      "tpu.region"() ({
        %run_scoped3A_98 = tpu.sem_alloc : memref<!tpu.dma_semaphore, #tpu.memory_space<semaphore_mem>>
        %dma_start3A_99 = arith.constant 0 : i32
        %dma_start3A_100 = tpu.memref_slice %arg6[%add3A_73, %dma_start3A_99] : memref<40x128xi32, #tpu.memory_space<vmem>> -> memref<1x128xi32, #tpu.memory_space<vmem>>
        %dma_start3A_101 = tpu.memref_squeeze %dma_start3A_100 : memref<1x128xi32, #tpu.memory_space<vmem>> -> memref<128xi32, #tpu.memory_space<vmem>>
        %dma_start3A_102 = arith.constant 0 : i32
        %dma_start3A_103 = arith.constant 0 : i32
        %dma_start3A_104 = tpu.memref_slice %arg9[%dma_start3A_102, %dma_start3A_103] : memref<10112x128xf32, #tpu.memory_space<vmem_shared>> -> memref<10112x128xf32, #tpu.memory_space<vmem_shared>>
        tpu.enqueue_indirect_dma source(%arg7 : memref<128x128xf32, #tpu.memory_space<vmem>>) target(%dma_start3A_104 : memref<10112x128xf32, #tpu.memory_space<vmem_shared>>) offsets(%dma_start3A_101 : memref<128xi32, #tpu.memory_space<vmem>>) semaphore(%run_scoped3A_98 : memref<!tpu.dma_semaphore, #tpu.memory_space<semaphore_mem>>) {add = true}
        %dma_wait3A_105 = arith.constant 0 : i32
        %dma_wait3A_106 = tpu.memref_slice %arg6[%add3A_73, %dma_wait3A_105] : memref<40x128xi32, #tpu.memory_space<vmem>> -> memref<1x128xi32, #tpu.memory_space<vmem>>
        %dma_wait3A_107 = tpu.memref_squeeze %dma_wait3A_106 : memref<1x128xi32, #tpu.memory_space<vmem>> -> memref<128xi32, #tpu.memory_space<vmem>>
        %dma_wait3A_108 = arith.constant 0 : i32
        %dma_wait3A_109 = arith.constant 0 : i32
        %dma_wait3A_110 = tpu.memref_slice %arg9[%dma_wait3A_108, %dma_wait3A_109] : memref<10112x128xf32, #tpu.memory_space<vmem_shared>> -> memref<10112x128xf32, #tpu.memory_space<vmem_shared>>
        tpu.wait_indirect_dma semaphore(%run_scoped3A_98 : memref<!tpu.dma_semaphore, #tpu.memory_space<semaphore_mem>>) src(%arg7 : memref<128x128xf32, #tpu.memory_space<vmem>>) dst(%dma_wait3A_110 : memref<10112x128xf32, #tpu.memory_space<vmem_shared>>)
        tpu.yield
      }) : () -> ()
      %add3A_79 = arith.constant 2 : i32
      %add3A_80 = arith.addi %add3A_73, %add3A_79 : i32
      %lt3A = arith.constant 40 : i32
      %lt3A_81 = arith.cmpi slt, %add3A_80, %lt3A : i32
      %convert_element_type3A = arith.extui %lt3A_81 : i1 to i32
      %cond3A = arith.constant 0 : i32
      %cond3A_82 = arith.cmpi ne, %convert_element_type3A, %cond3A : i32
      scf.if %cond3A_82 {
        %add3A_98 = arith.constant 2 : i32
        %add3A_99 = arith.addi %add3A_73, %add3A_98 : i32
        %dma_start3A_100 = arith.constant 0 : i32
        %dma_start3A_101 = tpu.memref_slice %arg5[%add3A_99, %dma_start3A_100] : memref<40x128xi32, #tpu.memory_space<vmem>> -> memref<1x128xi32, #tpu.memory_space<vmem>>
        %dma_start3A_102 = tpu.memref_squeeze %dma_start3A_101 : memref<1x128xi32, #tpu.memory_space<vmem>> -> memref<128xi32, #tpu.memory_space<vmem>>
        %dma_start3A_103 = arith.constant 0 : i32
        %dma_start3A_104 = arith.constant 0 : i32
        %dma_start3A_105 = tpu.memref_slice %arg2[%dma_start3A_103, %dma_start3A_104] : memref<10000x128xf32, #tpu.memory_space<hbm>> -> memref<10000x128xf32, #tpu.memory_space<hbm>>
        tpu.enqueue_indirect_dma source(%dma_start3A_105 : memref<10000x128xf32, #tpu.memory_space<hbm>>) target(%arg7 : memref<128x128xf32, #tpu.memory_space<vmem>>) offsets(%dma_start3A_102 : memref<128xi32, #tpu.memory_space<vmem>>) semaphore(%arg10 : memref<!tpu.dma_semaphore, #tpu.memory_space<semaphore_mem>>)
      } else {
      }
      %add3A_83 = arith.constant 1 : i32
      %add3A_84 = arith.addi %mul3A_71, %add3A_83 : i32
      %dma_wait3A_85 = arith.constant 0 : i32
      %dma_wait3A_86 = tpu.memref_slice %arg5[%add3A_84, %dma_wait3A_85] : memref<40x128xi32, #tpu.memory_space<vmem>> -> memref<1x128xi32, #tpu.memory_space<vmem>>
      %dma_wait3A_87 = tpu.memref_squeeze %dma_wait3A_86 : memref<1x128xi32, #tpu.memory_space<vmem>> -> memref<128xi32, #tpu.memory_space<vmem>>
      %dma_wait3A_88 = arith.constant 0 : i32
      %dma_wait3A_89 = arith.constant 0 : i32
      %dma_wait3A_90 = tpu.memref_slice %arg2[%dma_wait3A_88, %dma_wait3A_89] : memref<10000x128xf32, #tpu.memory_space<hbm>> -> memref<10000x128xf32, #tpu.memory_space<hbm>>
      tpu.wait_indirect_dma semaphore(%arg11 : memref<!tpu.dma_semaphore, #tpu.memory_space<semaphore_mem>>) src(%dma_wait3A_90 : memref<10000x128xf32, #tpu.memory_space<hbm>>) dst(%arg8 : memref<128x128xf32, #tpu.memory_space<vmem>>)
      "tpu.region"() ({
        %run_scoped3A_98 = tpu.sem_alloc : memref<!tpu.dma_semaphore, #tpu.memory_space<semaphore_mem>>
        %dma_start3A_99 = arith.constant 0 : i32
        %dma_start3A_100 = tpu.memref_slice %arg6[%add3A_84, %dma_start3A_99] : memref<40x128xi32, #tpu.memory_space<vmem>> -> memref<1x128xi32, #tpu.memory_space<vmem>>
        %dma_start3A_101 = tpu.memref_squeeze %dma_start3A_100 : memref<1x128xi32, #tpu.memory_space<vmem>> -> memref<128xi32, #tpu.memory_space<vmem>>
        %dma_start3A_102 = arith.constant 0 : i32
        %dma_start3A_103 = arith.constant 0 : i32
        %dma_start3A_104 = tpu.memref_slice %arg9[%dma_start3A_102, %dma_start3A_103] : memref<10112x128xf32, #tpu.memory_space<vmem_shared>> -> memref<10112x128xf32, #tpu.memory_space<vmem_shared>>
        tpu.enqueue_indirect_dma source(%arg8 : memref<128x128xf32, #tpu.memory_space<vmem>>) target(%dma_start3A_104 : memref<10112x128xf32, #tpu.memory_space<vmem_shared>>) offsets(%dma_start3A_101 : memref<128xi32, #tpu.memory_space<vmem>>) semaphore(%run_scoped3A_98 : memref<!tpu.dma_semaphore, #tpu.memory_space<semaphore_mem>>) {add = true}
        %dma_wait3A_105 = arith.constant 0 : i32
        %dma_wait3A_106 = tpu.memref_slice %arg6[%add3A_84, %dma_wait3A_105] : memref<40x128xi32, #tpu.memory_space<vmem>> -> memref<1x128xi32, #tpu.memory_space<vmem>>
        %dma_wait3A_107 = tpu.memref_squeeze %dma_wait3A_106 : memref<1x128xi32, #tpu.memory_space<vmem>> -> memref<128xi32, #tpu.memory_space<vmem>>
        %dma_wait3A_108 = arith.constant 0 : i32
        %dma_wait3A_109 = arith.constant 0 : i32
        %dma_wait3A_110 = tpu.memref_slice %arg9[%dma_wait3A_108, %dma_wait3A_109] : memref<10112x128xf32, #tpu.memory_space<vmem_shared>> -> memref<10112x128xf32, #tpu.memory_space<vmem_shared>>
        tpu.wait_indirect_dma semaphore(%run_scoped3A_98 : memref<!tpu.dma_semaphore, #tpu.memory_space<semaphore_mem>>) src(%arg8 : memref<128x128xf32, #tpu.memory_space<vmem>>) dst(%dma_wait3A_110 : memref<10112x128xf32, #tpu.memory_space<vmem_shared>>)
        tpu.yield
      }) : () -> ()
      %add3A_91 = arith.constant 2 : i32
      %add3A_92 = arith.addi %add3A_84, %add3A_91 : i32
      %lt3A_93 = arith.constant 40 : i32
      %lt3A_94 = arith.cmpi slt, %add3A_92, %lt3A_93 : i32
      %convert_element_type3A_95 = arith.extui %lt3A_94 : i1 to i32
      %cond3A_96 = arith.constant 0 : i32
      %cond3A_97 = arith.cmpi ne, %convert_element_type3A_95, %cond3A_96 : i32
      scf.if %cond3A_97 {
        %add3A_98 = arith.constant 2 : i32
        %add3A_99 = arith.addi %add3A_84, %add3A_98 : i32
        %dma_start3A_100 = arith.constant 0 : i32
        %dma_start3A_101 = tpu.memref_slice %arg5[%add3A_99, %dma_start3A_100] : memref<40x128xi32, #tpu.memory_space<vmem>> -> memref<1x128xi32, #tpu.memory_space<vmem>>
        %dma_start3A_102 = tpu.memref_squeeze %dma_start3A_101 : memref<1x128xi32, #tpu.memory_space<vmem>> -> memref<128xi32, #tpu.memory_space<vmem>>
        %dma_start3A_103 = arith.constant 0 : i32
        %dma_start3A_104 = arith.constant 0 : i32
        %dma_start3A_105 = tpu.memref_slice %arg2[%dma_start3A_103, %dma_start3A_104] : memref<10000x128xf32, #tpu.memory_space<hbm>> -> memref<10000x128xf32, #tpu.memory_space<hbm>>
        tpu.enqueue_indirect_dma source(%dma_start3A_105 : memref<10000x128xf32, #tpu.memory_space<hbm>>) target(%arg8 : memref<128x128xf32, #tpu.memory_space<vmem>>) offsets(%dma_start3A_102 : memref<128xi32, #tpu.memory_space<vmem>>) semaphore(%arg11 : memref<!tpu.dma_semaphore, #tpu.memory_space<semaphore_mem>>)
      } else {
      }
    }
    %scan3A_67 = arith.constant 20 : i32
    "tpu.trace_stop"() : () -> ()
    "tpu.trace_start"() <{level = 10 : i32, message = "acc_out"}> : () -> ()
    %barrier3A_68 = arith.constant 0 : index
    tpu.barrier barrier_id(%barrier3A_68)
    "tpu.region"() ({
      %run_scoped3A_69 = tpu.sem_alloc : memref<!tpu.dma_semaphore, #tpu.memory_space<semaphore_mem>>
      %dma_start3A_70 = arith.constant 0 : i32
      %dma_start3A_71 = tpu.memref_slice %arg4[%arg0, %mul3A_7, %dma_start3A_70] : memref<2x10112x128xf32, #tpu.memory_space<hbm>> -> memref<1x632x128xf32, #tpu.memory_space<hbm>>
      %dma_start3A_72 = tpu.memref_squeeze %dma_start3A_71 : memref<1x632x128xf32, #tpu.memory_space<hbm>> -> memref<632x128xf32, #tpu.memory_space<hbm>>
      %dma_start3A_73 = arith.constant 0 : i32
      %dma_start3A_74 = tpu.memref_slice %arg9[%mul3A_7, %dma_start3A_73] : memref<10112x128xf32, #tpu.memory_space<vmem_shared>> -> memref<632x128xf32, #tpu.memory_space<vmem_shared>>
      tpu.enqueue_dma source(%dma_start3A_74 : memref<632x128xf32, #tpu.memory_space<vmem_shared>>) target(%dma_start3A_72 : memref<632x128xf32, #tpu.memory_space<hbm>>) target_semaphore(%run_scoped3A_69 : memref<!tpu.dma_semaphore, #tpu.memory_space<semaphore_mem>>)
      %dma_wait3A = arith.constant 0 : i32
      %dma_wait3A_75 = tpu.memref_slice %arg4[%arg0, %mul3A_7, %dma_wait3A] : memref<2x10112x128xf32, #tpu.memory_space<hbm>> -> memref<1x632x128xf32, #tpu.memory_space<hbm>>
      %dma_wait3A_76 = tpu.memref_squeeze %dma_wait3A_75 : memref<1x632x128xf32, #tpu.memory_space<hbm>> -> memref<632x128xf32, #tpu.memory_space<hbm>>
      %dma_wait3A_77 = arith.constant 0 : i32
      %dma_wait3A_78 = tpu.memref_slice %arg9[%mul3A_7, %dma_wait3A_77] : memref<10112x128xf32, #tpu.memory_space<vmem_shared>> -> memref<632x128xf32, #tpu.memory_space<vmem_shared>>
      tpu.wait_dma2 semaphore(%run_scoped3A_69 : memref<!tpu.dma_semaphore, #tpu.memory_space<semaphore_mem>>) src(%dma_wait3A_78 : memref<632x128xf32, #tpu.memory_space<vmem_shared>>) dst(%dma_wait3A_76 : memref<632x128xf32, #tpu.memory_space<hbm>>)
      tpu.yield
    }) : () -> ()
    "tpu.trace_stop"() : () -> ()
    return
  }
}

module attributes {stable_mosaic.version = 14 : i64} {
  func.func @body(%arg0: i32, %arg1: memref<2000x128xf32, #tpu.memory_space<vmem>>, %arg2: memref<128x128xf32, #tpu.memory_space<vmem>>, %arg3: memref<2000x32xf32, #tpu.memory_space<vmem>>, %arg4: memref<2000x128xf32, #tpu.memory_space<vmem>>) attributes {dimension_semantics = [#tpu.dimension_semantics<arbitrary>], iteration_bounds = array<i64: 5>, scalar_prefetch = 0 : i64, scratch_operands = 0 : i64, tpu.core_type = #tpu.core_type<tc>, window_params = [{transform_indices = @transform_0, window_bounds = array<i64: 2000, 128>}, {pipeline_mode = #tpu.pipeline_mode<synchronous>, transform_indices = @transform_1, window_bounds = array<i64: 128, 128>}, {transform_indices = @transform_2, window_bounds = array<i64: 2000, 32>}, {transform_indices = @transform_3, window_bounds = array<i64: 2000, 128>}]} {
    %get3A = arith.constant 0 : index
    %get3A_0 = arith.constant 0 : index
    %get3A_1 = vector.load %arg3[%get3A, %get3A_0] : memref<2000x32xf32, #tpu.memory_space<vmem>>, vector<2000x32xf32>
    %reduce_sum3A = arith.constant dense<0.000000e+00> : vector<2000xf32>
    %reduce_sum3A_2 = vector.multi_reduction <add>, %get3A_1, %reduce_sum3A [1] : vector<2000x32xf32> to vector<2000xf32>
    %max3A = arith.constant 1.000000e+00 : f32
    %max3A_3 = vector.broadcast %max3A : f32 to vector<2000xf32>
    %max3A_4 = arith.maximumf %reduce_sum3A_2, %max3A_3 : vector<2000xf32>
    %rsqrt3A = math.rsqrt %max3A_4 : vector<2000xf32>
    %get3A_5 = arith.constant 0 : index
    %get3A_6 = arith.constant 0 : index
    %get3A_7 = vector.load %arg1[%get3A_5, %get3A_6] : memref<2000x128xf32, #tpu.memory_space<vmem>>, vector<2000x128xf32>
    %get3A_8 = arith.constant 0 : index
    %get3A_9 = arith.constant 0 : index
    %get3A_10 = vector.load %arg2[%get3A_8, %get3A_9] : memref<128x128xf32, #tpu.memory_space<vmem>>, vector<128x128xf32>
    %dot_general3A = arith.constant dense<0.000000e+00> : vector<2000x128xf32>
    %dot_general3A_11 = tpu.matmul %get3A_7, %get3A_10, %dot_general3A {dimension_numbers = #tpu.dot_dimension_numbers<[1], [0], [0], [1], [0, 0, 1, 1], [], []>, transpose_lhs_hint = false} : vector<2000x128xf32>, vector<128x128xf32>, vector<2000x128xf32> -> vector<2000x128xf32>
    %broadcast_in_dim3A = vector.shape_cast %rsqrt3A : vector<2000xf32> to vector<2000x1xf32>
    %mul3A = vector.broadcast %broadcast_in_dim3A : vector<2000x1xf32> to vector<2000x128xf32>
    %mul3A_12 = arith.mulf %dot_general3A_11, %mul3A : vector<2000x128xf32>
    %swap3A = arith.constant 0 : index
    %swap3A_13 = arith.constant 0 : index
    %swap3A_14 = vector.load %arg4[%swap3A, %swap3A_13] : memref<2000x128xf32, #tpu.memory_space<vmem>>, vector<2000x128xf32>
    tpu.vector_store %arg4[%swap3A, %swap3A_13], %mul3A_12 {strides = array<i32>} : memref<2000x128xf32, #tpu.memory_space<vmem>>, vector<2000x128xf32>,
    return
  }
  func.func @transform_0(%arg0: i32) -> (i32, i32) {
    %c0_i32 = arith.constant 0 : i32
    %c0_i32_0 = arith.constant 0 : i32
    return %arg0, %c0_i32 : i32, i32
  }
  func.func @transform_1(%arg0: i32) -> (i32, i32) {
    %c0_i32 = arith.constant 0 : i32
    %c0_i32_0 = arith.constant 0 : i32
    %c0_i32_1 = arith.constant 0 : i32
    return %c0_i32, %c0_i32_0 : i32, i32
  }
  func.func @transform_2(%arg0: i32) -> (i32, i32) {
    %c0_i32 = arith.constant 0 : i32
    %c0_i32_0 = arith.constant 0 : i32
    return %arg0, %c0_i32 : i32, i32
  }
  func.func @transform_3(%arg0: i32) -> (i32, i32) {
    %c0_i32 = arith.constant 0 : i32
    %c0_i32_0 = arith.constant 0 : i32
    return %arg0, %c0_i32 : i32, i32
  }
}

module attributes {stable_mosaic.version = 14 : i64} {
  func.func @body(%arg0: i32, %arg1: memref<2x2000x128xf32, #tpu.memory_space<vmem>>, %arg2: memref<2000x32xf32, #tpu.memory_space<vmem>>, %arg3: memref<1x128xf32, #tpu.memory_space<vmem>>, %arg4: memref<128x128xf32, #tpu.memory_space<vmem>>, %arg5: memref<2000x128xf32, #tpu.memory_space<vmem>>) attributes {dimension_semantics = [#tpu.dimension_semantics<arbitrary>], iteration_bounds = array<i64: 5>, scalar_prefetch = 0 : i64, scratch_operands = 0 : i64, tpu.core_type = #tpu.core_type<tc>, window_params = [{transform_indices = @transform_0, window_bounds = array<i64: 2, 2000, 128>}, {transform_indices = @transform_1, window_bounds = array<i64: 2000, 32>}, {pipeline_mode = #tpu.pipeline_mode<synchronous>, transform_indices = @transform_2, window_bounds = array<i64: 1, 128>}, {pipeline_mode = #tpu.pipeline_mode<synchronous>, transform_indices = @transform_3, window_bounds = array<i64: 128, 128>}, {transform_indices = @transform_4, window_bounds = array<i64: 2000, 128>}]} {
    %get3A = arith.constant 0 : index
    %get3A_0 = arith.constant 0 : index
    %get3A_1 = vector.load %arg2[%get3A, %get3A_0] : memref<2000x32xf32, #tpu.memory_space<vmem>>, vector<2000x32xf32>
    %reduce_sum3A = arith.constant dense<0.000000e+00> : vector<2000xf32>
    %reduce_sum3A_2 = vector.multi_reduction <add>, %get3A_1, %reduce_sum3A [1] : vector<2000x32xf32> to vector<2000xf32>
    %max3A = arith.constant 1.000000e+00 : f32
    %max3A_3 = vector.broadcast %max3A : f32 to vector<2000xf32>
    %max3A_4 = arith.maximumf %reduce_sum3A_2, %max3A_3 : vector<2000xf32>
    %rsqrt3A = math.rsqrt %max3A_4 : vector<2000xf32>
    %get3A_5 = arith.constant 0 : index
    %get3A_6 = arith.constant 0 : index
    %get3A_7 = arith.constant 0 : index
    %get3A_8 = vector.load %arg1[%get3A_5, %get3A_6, %get3A_7] : memref<2x2000x128xf32, #tpu.memory_space<vmem>>, vector<1x2000x128xf32>
    %get3A_9 = vector.shape_cast %get3A_8 : vector<1x2000x128xf32> to vector<2000x128xf32>
    %get3A_10 = arith.constant 1 : index
    %get3A_11 = arith.constant 0 : index
    %get3A_12 = arith.constant 0 : index
    %get3A_13 = vector.load %arg1[%get3A_10, %get3A_11, %get3A_12] : memref<2x2000x128xf32, #tpu.memory_space<vmem>>, vector<1x2000x128xf32>
    %get3A_14 = vector.shape_cast %get3A_13 : vector<1x2000x128xf32> to vector<2000x128xf32>
    %add3A = arith.addf %get3A_9, %get3A_14 : vector<2000x128xf32>
    %broadcast_in_dim3A = vector.shape_cast %rsqrt3A : vector<2000xf32> to vector<2000x1xf32>
    %mul3A = vector.broadcast %broadcast_in_dim3A : vector<2000x1xf32> to vector<2000x128xf32>
    %mul3A_15 = arith.mulf %add3A, %mul3A : vector<2000x128xf32>
    %get3A_16 = arith.constant 0 : index
    %get3A_17 = arith.constant 0 : index
    %get3A_18 = vector.load %arg3[%get3A_16, %get3A_17] : memref<1x128xf32, #tpu.memory_space<vmem>>, vector<1x128xf32>
    %add3A_19 = vector.broadcast %get3A_18 : vector<1x128xf32> to vector<2000x128xf32>
    %add3A_20 = arith.addf %mul3A_15, %add3A_19 : vector<2000x128xf32>
    %max3A_21 = arith.constant 0.000000e+00 : f32
    %max3A_22 = vector.broadcast %max3A_21 : f32 to vector<2000x128xf32>
    %max3A_23 = arith.maximumf %add3A_20, %max3A_22 : vector<2000x128xf32>
    %get3A_24 = arith.constant 0 : index
    %get3A_25 = arith.constant 0 : index
    %get3A_26 = vector.load %arg4[%get3A_24, %get3A_25] : memref<128x128xf32, #tpu.memory_space<vmem>>, vector<128x128xf32>
    %dot_general3A = arith.constant dense<0.000000e+00> : vector<2000x128xf32>
    %dot_general3A_27 = tpu.matmul %max3A_23, %get3A_26, %dot_general3A {dimension_numbers = #tpu.dot_dimension_numbers<[1], [0], [0], [1], [0, 0, 1, 1], [], []>, transpose_lhs_hint = false} : vector<2000x128xf32>, vector<128x128xf32>, vector<2000x128xf32> -> vector<2000x128xf32>
    %broadcast_in_dim3A_28 = vector.shape_cast %rsqrt3A : vector<2000xf32> to vector<2000x1xf32>
    %mul3A_29 = vector.broadcast %broadcast_in_dim3A_28 : vector<2000x1xf32> to vector<2000x128xf32>
    %mul3A_30 = arith.mulf %dot_general3A_27, %mul3A_29 : vector<2000x128xf32>
    %swap3A = arith.constant 0 : index
    %swap3A_31 = arith.constant 0 : index
    %swap3A_32 = vector.load %arg5[%swap3A, %swap3A_31] : memref<2000x128xf32, #tpu.memory_space<vmem>>, vector<2000x128xf32>
    tpu.vector_store %arg5[%swap3A, %swap3A_31], %mul3A_30 {strides = array<i32>} : memref<2000x128xf32, #tpu.memory_space<vmem>>, vector<2000x128xf32>,
    return
  }
  func.func @transform_0(%arg0: i32) -> (i32, i32, i32) {
    %c0_i32 = arith.constant 0 : i32
    %c0_i32_0 = arith.constant 0 : i32
    %c0_i32_1 = arith.constant 0 : i32
    return %c0_i32, %arg0, %c0_i32_0 : i32, i32, i32
  }
  func.func @transform_1(%arg0: i32) -> (i32, i32) {
    %c0_i32 = arith.constant 0 : i32
    %c0_i32_0 = arith.constant 0 : i32
    return %arg0, %c0_i32 : i32, i32
  }
  func.func @transform_2(%arg0: i32) -> (i32, i32) {
    %c0_i32 = arith.constant 0 : i32
    %c0_i32_0 = arith.constant 0 : i32
    %c0_i32_1 = arith.constant 0 : i32
    return %c0_i32, %c0_i32_0 : i32, i32
  }
  func.func @transform_3(%arg0: i32) -> (i32, i32) {
    %c0_i32 = arith.constant 0 : i32
    %c0_i32_0 = arith.constant 0 : i32
    %c0_i32_1 = arith.constant 0 : i32
    return %c0_i32, %c0_i32_0 : i32, i32
  }
  func.func @transform_4(%arg0: i32) -> (i32, i32) {
    %c0_i32 = arith.constant 0 : i32
    %c0_i32_0 = arith.constant 0 : i32
    return %arg0, %c0_i32 : i32, i32
  }
}

module attributes {stable_mosaic.version = 14 : i64} {
  func.func @body(%arg0: i32, %arg1: memref<2x2000x128xf32, #tpu.memory_space<vmem>>, %arg2: memref<2000x32xf32, #tpu.memory_space<vmem>>, %arg3: memref<1x128xf32, #tpu.memory_space<vmem>>, %arg4: memref<2000x128xf32, #tpu.memory_space<vmem>>) attributes {dimension_semantics = [#tpu.dimension_semantics<arbitrary>], iteration_bounds = array<i64: 5>, scalar_prefetch = 0 : i64, scratch_operands = 0 : i64, tpu.core_type = #tpu.core_type<tc>, window_params = [{transform_indices = @transform_0, window_bounds = array<i64: 2, 2000, 128>}, {transform_indices = @transform_1, window_bounds = array<i64: 2000, 32>}, {pipeline_mode = #tpu.pipeline_mode<synchronous>, transform_indices = @transform_2, window_bounds = array<i64: 1, 128>}, {transform_indices = @transform_3, window_bounds = array<i64: 2000, 128>}]} {
    %get3A = arith.constant 0 : index
    %get3A_0 = arith.constant 0 : index
    %get3A_1 = vector.load %arg2[%get3A, %get3A_0] : memref<2000x32xf32, #tpu.memory_space<vmem>>, vector<2000x32xf32>
    %reduce_sum3A = arith.constant dense<0.000000e+00> : vector<2000xf32>
    %reduce_sum3A_2 = vector.multi_reduction <add>, %get3A_1, %reduce_sum3A [1] : vector<2000x32xf32> to vector<2000xf32>
    %max3A = arith.constant 1.000000e+00 : f32
    %max3A_3 = vector.broadcast %max3A : f32 to vector<2000xf32>
    %max3A_4 = arith.maximumf %reduce_sum3A_2, %max3A_3 : vector<2000xf32>
    %rsqrt3A = math.rsqrt %max3A_4 : vector<2000xf32>
    %get3A_5 = arith.constant 0 : index
    %get3A_6 = arith.constant 0 : index
    %get3A_7 = arith.constant 0 : index
    %get3A_8 = vector.load %arg1[%get3A_5, %get3A_6, %get3A_7] : memref<2x2000x128xf32, #tpu.memory_space<vmem>>, vector<1x2000x128xf32>
    %get3A_9 = vector.shape_cast %get3A_8 : vector<1x2000x128xf32> to vector<2000x128xf32>
    %get3A_10 = arith.constant 1 : index
    %get3A_11 = arith.constant 0 : index
    %get3A_12 = arith.constant 0 : index
    %get3A_13 = vector.load %arg1[%get3A_10, %get3A_11, %get3A_12] : memref<2x2000x128xf32, #tpu.memory_space<vmem>>, vector<1x2000x128xf32>
    %get3A_14 = vector.shape_cast %get3A_13 : vector<1x2000x128xf32> to vector<2000x128xf32>
    %add3A = arith.addf %get3A_9, %get3A_14 : vector<2000x128xf32>
    %broadcast_in_dim3A = vector.shape_cast %rsqrt3A : vector<2000xf32> to vector<2000x1xf32>
    %mul3A = vector.broadcast %broadcast_in_dim3A : vector<2000x1xf32> to vector<2000x128xf32>
    %mul3A_15 = arith.mulf %add3A, %mul3A : vector<2000x128xf32>
    %get3A_16 = arith.constant 0 : index
    %get3A_17 = arith.constant 0 : index
    %get3A_18 = vector.load %arg3[%get3A_16, %get3A_17] : memref<1x128xf32, #tpu.memory_space<vmem>>, vector<1x128xf32>
    %add3A_19 = vector.broadcast %get3A_18 : vector<1x128xf32> to vector<2000x128xf32>
    %add3A_20 = arith.addf %mul3A_15, %add3A_19 : vector<2000x128xf32>
    %swap3A = arith.constant 0 : index
    %swap3A_21 = arith.constant 0 : index
    %swap3A_22 = vector.load %arg4[%swap3A, %swap3A_21] : memref<2000x128xf32, #tpu.memory_space<vmem>>, vector<2000x128xf32>
    tpu.vector_store %arg4[%swap3A, %swap3A_21], %add3A_20 {strides = array<i32>} : memref<2000x128xf32, #tpu.memory_space<vmem>>, vector<2000x128xf32>,
    return
  }
  func.func @transform_0(%arg0: i32) -> (i32, i32, i32) {
    %c0_i32 = arith.constant 0 : i32
    %c0_i32_0 = arith.constant 0 : i32
    %c0_i32_1 = arith.constant 0 : i32
    return %c0_i32, %arg0, %c0_i32_0 : i32, i32, i32
  }
  func.func @transform_1(%arg0: i32) -> (i32, i32) {
    %c0_i32 = arith.constant 0 : i32
    %c0_i32_0 = arith.constant 0 : i32
    return %arg0, %c0_i32 : i32, i32
  }
  func.func @transform_2(%arg0: i32) -> (i32, i32) {
    %c0_i32 = arith.constant 0 : i32
    %c0_i32_0 = arith.constant 0 : i32
    %c0_i32_1 = arith.constant 0 : i32
    return %c0_i32, %c0_i32_0 : i32, i32
  }
  func.func @transform_3(%arg0: i32) -> (i32, i32) {
    %c0_i32 = arith.constant 0 : i32
    %c0_i32_0 = arith.constant 0 : i32
    return %arg0, %c0_i32 : i32, i32
  }
}

</mosaic_0001>

<sc_bundles>
// kernel: kernel.11.cloned.1.call-start
scs
__scs_entry_jumppad:
0x0: {  	(pc) =	sbr.rel $0x88, $3  }
0x1: {  	(tag) =	ssettag $0x0;
	lr =	simm.s32 $0x1  }
0x2: {  	[smem:$0x3F9B] =	sst lr;
	_ =	strace $0xD0000000  }
0x3: {  	_ = 	snop  }
0x4: {  	_ = 	snop  }
0x5: {  	_ = 	snop  }
0x6: {  	_ = 	snop  }
0x7: {  	_ = 	snop  }
__scs_overlays_trampoline_lowered:
0x8: {  	[smem:$0x3FAA] =	sst s0  }
0x9: {  	[smem:$0x3FAB] =	sst s1  }
0xa: {  	[smem:$0x3FAC] =	sst s2  }
0xb: {  	[smem:$0x3FAD] =	sst s3  }
0xc: {  	[smem:$0x3FAE] =	sst s4  }
0xd: {  	[smem:$0x3FAF] =	sst s5  }
0xe: {  	[smem:$0x3FB0] =	sst s6  }
0xf: {  	[smem:$0x3FB1] =	sst s7  }
0x10: {  	[smem:$0x3FB2] =	sst s8  }
0x11: {  	[smem:$0x3FB3] =	sst s9;
	s0 =	simm.s32 @!p0 $0x0  }
0x12: {  	s1 =	sld [smem:$0x3F99];
	s0 =	simm.s32 @p0 $0x1  }
0x13: {  	[smem:$0x3FB4] =	sst s0;
	s0 =	simm.s32 @!p1 $0x0  }
0x14: {  	s2 =	sld [smem:$0x3F98];
	s0 =	simm.s32 @p1 $0x1  }
0x15: {  	[smem:$0x3FB5] =	sst s0;
	s0 =	simm.s32 @!p2 $0x0  }
0x16: {  	s3 =	sld [smem:$0x3FDB];
	s0 =	simm.s32 @p2 $0x1  }
0x17: {  	s4 =	simm.s32 $0x1BF5;
	[smem:$0x3FB7] =	sst s0  }
0x18: {  	s0 =	sld [smem:$0x3F9A];
	_ =	swait.ge [sflag:s4], $0x0  }
0x19: {  	s7 =	sld [smem:$0x3F9B]  }
0x1a: {  	s8 =	sadd.s32 $0xFFFFE003, lr  }
0x1b: {  	s9 =	sadd.s32 $0xFFFFFEF7, lr;
	s5 =	simm.s32 $0xFFFFFFFF;
	p2 =	slt.u32 s8, $0xFFFFF086  }
0x1c: {  	p1 =	slt.u32 s9, $0xF7A;
	s5 =	simm.s32 @!p2 $0x0  }
0x1d: {  	s5 =	simm.s32 @p1 $0x1;
	p0 =	seq.s32 s7, s2  }
0x1e: {  	s7 =	smul.u32 @!p0 $0xF7A, s2;
	p2 =	seq.s32 @!p0 s5, $0x0  }
0x1f: {  	s9 =	smul.u32 $0xF7A, s1;
	s8 =	simm.s32 @!p0 $0x1BF5;
	p2 =	por !p2, p0  }
0x20: {  	[sflag:s8] =	ssyncset.s32 @!p0 $0xFFFFF086;
	s6 =	sadd.s32 @!p0 s3, s7;
	s7 =	simm.s32 @!p0 $0x108  }
0x21: {  	s3 =	sadd.s32 s3, s9;
	s6 =	sadd.s32 @!p0 $0x88, s6;
	s7 =	simm.s32 @p2 $0x1082  }
0x22: {  	[simem:s7], [sflag:s8] =	dma.local @!p0 [hbm:s6], $0xF7A  }
0x23: {  	s9 =	sor.u32 $0xD0000000, s2;
	s6 =	simm.s32 $0x108;
	_ =	swait.ge @!p0 [sflag:s8], $0x0  }
0x24: {  	s3 =	sadd.s32 $0x88, s3;
	s6 =	simm.s32 @!p1 $0x1082;
	[sflag:s4] =	ssyncset.s32 $0xFFFFF086  }
0x25: {  	[simem:s6], [sflag:s4] =	dma.local [hbm:s3], $0xF7A  }
0x26: {  	[smem:$0x3F9B] =	sst s1;
	(tag) =	ssettag s2;
	_ =	strace s9  }
0x27: {  	s1 =	sld [smem:$0x3FAB]  }
0x28: {  	s2 =	sld [smem:$0x3FAC]  }
0x29: {  	s4 =	sld [smem:$0x3FAE]  }
0x2a: {  	p0 =	seq.s32 s5, $0x0;
	s5 =	sld [smem:$0x3FAF]  }
0x2b: {  	s6 =	sld [smem:$0x3FB0]  }
0x2c: {  	s7 =	sld [smem:$0x3FB1]  }
0x2d: {  	s3 =	simm.s32 $0x108;
	s8 =	sld [smem:$0x3FB2]  }
0x2e: {  	s3 =	simm.s32 @!p0 $0x1082;
	s9 =	sld [smem:$0x3FB3]  }
0x2f: {  	lr =	sadd.s32 s0, s3;
	s0 =	sld [smem:$0x3FAA]  }
0x30: {  	s3 =	sld [smem:$0x3FAD]  }
0x31: {  	[smem:$0x3FB6] =	sst s10  }
0x32: {  	s10 =	sld [smem:$0x3FB4];
	_ =	sdelay $0x3  }
0x33: {  	p0 =	seq.s32 s10, $0x1;
	s10 =	sld [smem:$0x3FB6];
	_ =	sdelay $0x3  }
0x34: {  	[smem:$0x3FB6] =	sst s10  }
0x35: {  	s10 =	sld [smem:$0x3FB5];
	_ =	sdelay $0x3  }
0x36: {  	p1 =	seq.s32 s10, $0x1;
	s10 =	sld [smem:$0x3FB6];
	_ =	sdelay $0x3  }
0x37: {  	[smem:$0x3FB6] =	sst s10  }
0x38: {  	s10 =	sld [smem:$0x3FB7]  }
0x39: {  	_ = 	snop;
	(pc) =	sbr.ind lr, $3  }
0x3a: {  	_ = 	snop  }
0x3b: {  	_ = 	snop  }
0x3c: {  	p2 =	seq.s32 s10, $0x1;
	s10 =	sld [smem:$0x3FB6]  }
0x3d: {  	_ =	shalt  }
0x3e: {  	_ =	shalt  }
0x3f: {  	_ =	shalt  }
0x40: {  	_ =	shalt  }
0x41: {  	_ =	shalt  }
0x42: {  	_ =	shalt  }
0x43: {  	_ =	shalt  }
0x44: {  	_ =	shalt  }
0x45: {  	_ =	shalt  }
0x46: {  	_ =	shalt  }
0x47: {  	_ =	shalt  }
0x48: {  	_ =	shalt  }
0x49: {  	_ =	shalt  }
0x4a: {  	_ =	shalt  }
0x4b: {  	_ =	shalt  }
0x4c: {  	_ =	shalt  }
0x4d: {  	_ =	shalt  }
0x4e: {  	_ =	shalt  }
0x4f: {  	_ =	shalt  }
0x50: {  	_ =	shalt  }
0x51: {  	_ =	shalt  }
0x52: {  	_ =	shalt  }
0x53: {  	_ =	shalt  }
0x54: {  	_ =	shalt  }
0x55: {  	_ =	shalt  }
0x56: {  	_ =	shalt  }
0x57: {  	_ =	shalt  }
0x58: {  	_ =	shalt  }
0x59: {  	_ =	shalt  }
0x5a: {  	_ =	shalt  }
0x5b: {  	_ =	shalt  }
0x5c: {  	_ =	shalt  }
0x5d: {  	_ =	shalt  }
0x5e: {  	_ =	shalt  }
0x5f: {  	_ =	shalt  }
0x60: {  	_ =	shalt  }
0x61: {  	_ =	shalt  }
0x62: {  	_ =	shalt  }
0x63: {  	_ =	shalt  }
0x64: {  	_ =	shalt  }
0x65: {  	_ =	shalt  }
0x66: {  	_ =	shalt  }
0x67: {  	_ =	shalt  }
0x68: {  	_ =	shalt  }
0x69: {  	_ =	shalt  }
0x6a: {  	_ =	shalt  }
0x6b: {  	_ =	shalt  }
0x6c: {  	_ =	shalt  }
0x6d: {  	_ =	shalt  }
0x6e: {  	_ =	shalt  }
0x6f: {  	_ =	shalt  }
0x70: {  	_ =	shalt  }
0x71: {  	_ =	shalt  }
0x72: {  	_ =	shalt  }
0x73: {  	_ =	shalt  }
0x74: {  	_ =	shalt  }
0x75: {  	_ =	shalt  }
0x76: {  	_ =	shalt  }
0x77: {  	_ =	shalt  }
0x78: {  	_ =	shalt  }
0x79: {  	_ =	shalt  }
0x7a: {  	_ =	shalt  }
0x7b: {  	_ =	shalt  }
0x7c: {  	_ =	shalt  }
0x7d: {  	_ =	shalt  }
0x7e: {  	_ =	shalt  }
0x7f: {  	_ =	shalt  }
0x80: {  	_ =	shalt  }
0x81: {  	_ =	shalt  }
0x82: {  	_ =	shalt  }
0x83: {  	_ =	shalt  }
0x84: {  	_ =	shalt  }
0x85: {  	_ =	shalt  }
0x86: {  	_ =	shalt  }
0x87: {  	_ =	shalt  }
.Lfunc_end0:
.L_simem_size_0:
called_computation.1_lowered:
.L_overlay_start_0:
0x88: {  	s2 =	sld [smem:$0x3FD9]  }
0x89: {  	s3 =	sld [smem:$0x3FFE];
	_ =	sdelay $0x1  }
0x8a: {  	s1 =	srdreg.scid  }
0x8b: {  	s0 =	sand.u32 $0x1, s1  }
0x8c: {  	s17 =	sshll.u32 s0, $0xA;
	s2 =	sadd.s32 s3, s2  }
0x8d: {  	s2 =	sadd.s32 s2, s17  }
0x8e: {  	[smem:$0x3FC2] =	sst s2  }
0x8f: {  	_ = 	snop  }
0x90: {  	s2 =	sld [smem:$0x3FD0];
	(tm) =	ssettm $0x1  }
0x91: {  	s18 =	sld [smem:$0x3FFB];
	_ =	sdelay $0x3  }
0x92: {  	_ =	strace s18  }
0x93: {  	s3 =	sld [smem:$0x3FFC];
	_ =	sdelay $0x3  }
0x94: {  	_ =	strace s3  }
0x95: {  	s3 =	sld [smem:$0x3FFD];
	_ =	sdelay $0x3  }
0x96: {  	_ =	strace s3  }
0x97: {  	_ =	strace $0x8FFFFFFF  }
0x98: {  	s19 =	sld [smem:$0x3FDB];
	_ =	sdelay $0x1  }
0x99: {  	s4 =	simm.s32 $_scs_section_size  }
0x9a: {  	s5 =	simm.s32 $_size__tile_overlayer_lowered;
	s6 =	simm.s32 $_tile_overlayer_lowered  }
0x9b: {  	s22 =	simm.s32 $0x1BFF;
	s21 =	sshll.u32 s6, $0x1;
	s3 =	sadd.s32 s4, s19  }
0x9c: {  	s7 =	simm.s32 $0x0;
	s20 =	sshll.u32 s5, $0x1;
	s5 =	sadd.s32 s21, s3  }
0x9d: {  	[timem:s7], [sflag:s22] =	dma.local [hbm:s5], s20  }
0x9e: {  	_ =	swait.ge [sflag:s22], s20  }
0x9f: {  	s4 =	ssub.s32 $0x0, s20;
	[sflag:s22] =	ssyncset.done $0x0  }
0xa0: {  	[sflag:s22] =	ssyncadd.s32 s4;
	_ =	sdelay $0x1  }
0xa1: {  	s23 =	simm.s32 $0x1B8B  }
0xa2: {  	_ =	swait.ge [sflag:s23], $0x1  }
0xa3: {  	[sflag:s23] =	ssyncset.done $0x0  }
0xa4: {  	s25 =	simm.s32 $0x1B8E;
	s24 =	sld [smem:$0x3FFE];
	[sflag:s23] =	ssyncadd.s32 $0xFFFFFFFF  }
0xa5: {  	s26 =	simm.s32 $execute0_lowered;
	[smem:$0x3FD2] =	sst s25  }
0xa6: {  	s5 =	sshll.u32 s26, $0x1;
	_ =	strace $0x80000049;
	[dreg:$0x1] =	wrdreg $0xFFFFFFFF  }
0xa7: {  	s28 =	simm.s32 $_size_execute0_lowered;
	s3 =	sadd.s32 s3, s5;
	[dreg:$0x0] =	wrdreg $0x0  }
0xa8: {  	s5 =	sshll.u32 s28, $0x1;
	[dreg:$0x2] =	wrdreg s3  }
0xa9: {  	[dreg:$0x3] =	wrdreg s5  }
0xaa: {  	[dreg:$0x4] =	wrdreg $0xC0  }
0xab: {  	_ =	task [dreg:s7], $0x5FFFF  }
0xac: {  	[dreg:$0x1] =	wrdreg $0xFFFFFFFF  }
0xad: {  	[dreg:$0x0] =	wrdreg $0x60  }
0xae: {  	[dreg:$0x2] =	wrdreg s2  }
0xaf: {  	[dreg:$0x3] =	wrdreg s24  }
0xb0: {  	[dreg:$0x4] =	wrdreg $0xA8000  }
0xb1: {  	[dreg:$0x5] =	wrdreg $0x9  }
0xb2: {  	_ =	task.clear_ibuf [dreg:s7], $0x6FFFF;
	_ =	strace $0x90000049  }
0xb3: {  	s29 =	simm.s32 $0x9;
	_ =	strace $0x8000004E  }
0xb4: {  	_ =	swait.ge [sflag:s29], $0x1  }
0xb5: {  	[sflag:s29] =	ssyncadd.s32 $0xFFFFFFFF  }
0xb6: {  	_ =	strace $0x9000004E  }
0xb7: {  	_ =	sfence  }
0xb8: {  	s30 =	sld [smem:$0x0];
	_ =	sdelay $0x2  }
0xb9: {  	s31 =	sshll.u32 s1, $0xD;
	s1 =	sshrl.u32 s1, $0x2  }
0xba: {  	s3 =	sand.u32 $0x4000, s31;
	s1 =	sadd.s32 s1, s30  }
0xbb: {  	s0 =	sor.u32 s3, s0;
	s1 =	sshll.u32 s1, $0x11  }
0xbc: {  	s0 =	sor.u32 s1, s0  }
0xbd: {  	s0 =	sadd.s32 $0x8F2B, s0  }
0xbe: {  	[sflag:s0] =	ssyncadd.remote.s32 $0x1  }
0xbf: {  	_ =	sfence.sel $0xFFFF  }
0xc0: {  	[dreg:$0x0] =	wrdreg $0xFFFFFFFF;
	(pc) =	sbr.abs _section_cstart, $3  }
0xc1: {  	[dreg:$0x1] =	wrdreg $0xFFFFFFFF  }
0xc2: {  	_ =	task.clear_ibuf [dreg:s7], $0x2FFFF;
	_ =	strace $0x9FFFFFFF  }
0xc3: {  	(tm) =	ssettm $0x7FFFFFFF  }
tec
execute0_lowered:
.L_overlay_start_1:
0x0: {  	(tag) =	ssettag $0x1  }
0x1: {  	s2 =	rddreg [dreg:$0x0]  }
0x2: {  	s1 =	srdreg.scid;
	s6 =	rddreg [dreg:$0x1]  }
0x3: {  	s0 =	stileid.u32;
	s3 =	rddreg [dreg:$0x2];
	s4 =	simm.s32 $0x0  }
0x4: {  	s16 =	simm.s32 $0x2800;
	s17 =	simm.s32 $0x3;
	s18 =	simm.s32 $0x1400  }
0x5: {  	s19 =	simm.s32 $0x80;
	s20 =	simm.s32 $0x6800;
	s21 =	simm.s32 $0x1  }
0x6: {  	s22 =	simm.s32 $0x2;
	s23 =	simm.s32 $0x2700;
	s9 =	smul.u32 $0x13C00, s0  }
0x7: {  	s5 =	sand.u32 $0x1, s1;
	s26 =	sshll.u32 s0, $0x1;
	s10 =	smul.u32 $0x4F000, s0  }
0x8: {  	s24 =	simm.s32 $0x2780;
	s1 =	sor.u32 s5, s26;
	s8 =	smul.u32 $0x13C000, s5  }
0x9: {  	[smem:$0x7FF] =	sst s4;
	s29 =	ssub.s32 $0x2, s5;
	s7 =	smul.u32 $0x2800, s1  }
0xa: {  	s1 =	rddreg [dreg:$0x3];
	_ =	strace $0x8000004A;
	s30 =	sshrl.u32 s10, $0x2  }
0xb: {  	s31 =	sshrl.u32 s29, $0x1;
	s28 =	sadd.s32 s9, s8;
	s5 =	sadd.s32 s30, s3  }
0xc: {  	s15 =	ssub.s32 s29, s31;
	s7 =	sshrl.u32 s7, $0x3;
	s8 =	sadd.s32 $0xC000, s5  }
0xd: {  	s9 =	sadd.s32 $0x10000, s5;
	s13 =	sadd.s32 s7, s6;
	s7 =	sshrl.u32 s28, $0x3  }
0xe: {  	s15 =	smax.u32 s15, $0x1;
	s14 =	sadd.s32 s7, s6;
	s6 =	sadd.s32 $0x4000, s5  }
0xf: {  	s7 =	sadd.s32 $0x8000, s5;
	s10 =	sadd.s32 $0x2600, s13;
	s11 =	sadd.s32 $0xC600, s13  }
0x10: {  	v0 =	vimm.f32 $0.0e+00;
	s12 =	sadd.s32 $0x2880, s13;
	s13 =	sadd.s32 $0xC880, s13;
	s14 =	sadd.s32 $0x16600, s14  }
.LBB2_1:
0x11: {  	_ =	strace $0x8000004B;
	s25 =	simm.s32 $0x0;
	s26 =	simm.s32 $0x200  }
.LBB2_2:
0x12: {  	p0 =	sne.s32 s26, $0xFE00;
	[tilespmem:s25+$0x2870] =	vst v0  }
0x13: {  	[tilespmem:s25+$0x2800] =	vst v0  }
0x14: {  	[tilespmem:s25+$0x2810] =	vst v0  }
.Ltmp0:
0x15: {  	[tilespmem:s25+$0x2820] =	vst v0;
	(pc) =	sbr.rel @p0 .LBB2_2-.Ltmp0, $4  }
0x16: {  	[tilespmem:s25+$0x2830] =	vst v0  }
0x17: {  	[tilespmem:s25+$0x2840] =	vst v0  }
0x18: {  	[tilespmem:s25+$0x2850] =	vst v0  }
0x19: {  	[tilespmem:s25+$0x2860] =	vst v0;
	s25 =	sshra.s32 s26, $0x2;
	s26 =	sadd.s32 $0x200, s26  }
0x1a: {  	[tilespmem:s25+$0x2870] =	vst v0  }
0x1b: {  	[tilespmem:s25+$0x2800] =	vst v0  }
0x1c: {  	[tilespmem:s25+$0x2810] =	vst v0  }
0x1d: {  	[tilespmem:s25+$0x2820] =	vst v0  }
0x1e: {  	[tilespmem:s25+$0x2830] =	vst v0  }
0x1f: {  	[tilespmem:s25+$0x2840] =	vst v0  }
0x20: {  	[tilespmem:s25+$0x2850] =	vst v0  }
0x21: {  	[tilespmem:s25+$0x2860] =	vst v0  }
0x22: {  	[spmem:s5] =	stream.linear.scatter [tilespmem:s16], [sflag:$0x3], $0x4000, $0x200038;
	[tilespmem:$0x1E400] =	vst v63  }
0x23: {  	_ =	swait.ge [sflag:s17], $0x4000  }
0x24: {  	[sflag:s17] =	ssyncset.done $0x0  }
0x25: {  	[sflag:s17] =	ssyncadd.s32 $0xFFFFC000  }
0x26: {  	[spmem:s6] =	stream.linear.scatter [tilespmem:s16], [sflag:$0x3], $0x4000, $0x200038;
	[tilespmem:$0x1E400] =	vst v63  }
0x27: {  	_ =	swait.ge [sflag:s17], $0x4000  }
0x28: {  	[sflag:s17] =	ssyncset.done $0x0  }
0x29: {  	[sflag:s17] =	ssyncadd.s32 $0xFFFFC000  }
0x2a: {  	[spmem:s7] =	stream.linear.scatter [tilespmem:s16], [sflag:$0x3], $0x4000, $0x200038;
	[tilespmem:$0x1E400] =	vst v63  }
0x2b: {  	_ =	swait.ge [sflag:s17], $0x4000  }
0x2c: {  	[sflag:s17] =	ssyncset.done $0x0  }
0x2d: {  	[sflag:s17] =	ssyncadd.s32 $0xFFFFC000  }
0x2e: {  	[spmem:s8] =	stream.linear.scatter [tilespmem:s16], [sflag:$0x3], $0x4000, $0x200038;
	[tilespmem:$0x1E400] =	vst v63  }
0x2f: {  	_ =	swait.ge [sflag:s17], $0x4000  }
0x30: {  	[sflag:s17] =	ssyncset.done $0x0  }
0x31: {  	[sflag:s17] =	ssyncadd.s32 $0xFFFFC000  }
0x32: {  	[spmem:s9] =	stream.linear.scatter [tilespmem:s16], [sflag:$0x3], $0x3C00, $0x200038;
	[tilespmem:$0x1E400] =	vst v63  }
0x33: {  	_ =	swait.ge [sflag:s17], $0x3C00  }
0x34: {  	[sflag:s17] =	ssyncset.done $0x0  }
0x35: {  	[sflag:s17] =	ssyncadd.s32 $0xFFFFC400  }
0x36: {  	[bflag:$0x0] =	sbarrier.arrive $0xFFFF  }
0x37: {  	_ =	strace $0x9000004B  }
0x38: {  	s28 =	simm.s32 $0x0;
	_ =	strace $0x8000004C  }
0x39: {  	[tilespmem:s28], [sflag:$0x3] =	stream.linear.gather [hbm4b:s10+s28], $0x1400, $0x200038;
	[tilespmem:$0x1E400] =	vst v63  }
0x3a: {  	_ =	swait.ge [sflag:s17], $0x1400  }
0x3b: {  	[sflag:s17] =	ssyncset.done $0x0  }
0x3c: {  	[sflag:s17] =	ssyncadd.s32 $0xFFFFEC00  }
0x3d: {  	[tilespmem:s18], [sflag:$0x3] =	stream.linear.gather [hbm4b:s11+s28], $0x1400, $0x200038;
	[tilespmem:$0x1E400] =	vst v63  }
0x3e: {  	_ =	swait.ge [sflag:s17], $0x1400  }
0x3f: {  	[sflag:s17] =	ssyncset.done $0x0  }
0x40: {  	[sflag:s17] =	ssyncadd.s32 $0xFFFFEC00  }
0x41: {  	[tilespmem:s16], [sflag:$0x1] =	stream.indirect.gather [hbm4b:s2+s19], $0x80, s28, s19, $0x2000b8;
	[tilespmem:$0x1E400] =	vst v63  }
0x42: {  	_ = 	snop  }
0x43: {  	[tilespmem:s20], [sflag:$0x2] =	stream.indirect.gather [hbm4b:s2+s19], $0x80, s19, s19, $0x2000b8;
	[tilespmem:$0x1E400] =	vst v63  }
0x44: {  	_ =	swait.ge [sflag:s21], $0x4000  }
0x45: {  	[sflag:s21] =	ssyncset.done $0x0  }
0x46: {  	s29 =	simm.s32 $0x1400;
	[sflag:s21] =	ssyncadd.s32 $0xFFFFC000  }
0x47: {  	[spmem:s3] =	stream.indirect.scatter.add.f32 [tilespmem:s16], [sflag:$0x3], $0x80, s29, s19, $0x2000b8;
	[tilespmem:$0x1E400] =	vst v63  }
0x48: {  	_ =	swait.ge [sflag:s17], $0x4000  }
0x49: {  	[sflag:s17] =	ssyncset.done $0x0  }
0x4a: {  	s30 =	simm.s32 $0x100;
	[sflag:s17] =	ssyncadd.s32 $0xFFFFC000  }
0x4b: {  	[tilespmem:s16], [sflag:$0x1] =	stream.indirect.gather [hbm4b:s2+s19], $0x80, s30, s19, $0x2000b8;
	[tilespmem:$0x1E400] =	vst v63  }
0x4c: {  	_ =	swait.ge [sflag:s22], $0x4000  }
0x4d: {  	[sflag:s22] =	ssyncset.done $0x0  }
0x4e: {  	s31 =	simm.s32 $0x1480;
	[sflag:s22] =	ssyncadd.s32 $0xFFFFC000  }
0x4f: {  	[spmem:s3] =	stream.indirect.scatter.add.f32 [tilespmem:s20], [sflag:$0x3], $0x80, s31, s19, $0x2000b8;
	[tilespmem:$0x1E400] =	vst v63  }
0x50: {  	_ =	swait.ge [sflag:s17], $0x4000  }
0x51: {  	[sflag:s17] =	ssyncset.done $0x0  }
0x52: {  	s25 =	simm.s32 $0x400;
	s26 =	simm.s32 $0x180;
	[sflag:s17] =	ssyncadd.s32 $0xFFFFC000  }
.LBB2_4:
0x53: {  	[tilespmem:s20], [sflag:$0x2] =	stream.indirect.gather [hbm4b:s2+s19], $0x80, s26, s19, $0x2000b8;
	[tilespmem:$0x1E400] =	vst v63  }
0x54: {  	s26 =	smov.u32 s25  }
0x55: {  	p0 =	sne.s32 s25, $0x4800;
	s25 =	sadd.s32 $0x400, s25;
	_ =	swait.ge [sflag:s21], $0x4000  }
0x56: {  	s26 =	sshra.s32 s26, $0x2;
	[sflag:s21] =	ssyncset.done $0x0  }
0x57: {  	s28 =	sadd.s32 $0x1400, s26;
	[sflag:s21] =	ssyncadd.s32 $0xFFFFC000  }
0x58: {  	[spmem:s3] =	stream.indirect.scatter.add.f32 [tilespmem:s16], [sflag:$0x3], $0x80, s28, s19, $0x2000b8;
	[tilespmem:$0x1E400] =	vst v63  }
0x59: {  	_ =	swait.ge [sflag:s17], $0x4000  }
0x5a: {  	[sflag:s17] =	ssyncset.done $0x0  }
0x5b: {  	s28 =	sadd.s32 $0x100, s26;
	[sflag:s17] =	ssyncadd.s32 $0xFFFFC000  }
0x5c: {  	[tilespmem:s16], [sflag:$0x1] =	stream.indirect.gather [hbm4b:s2+s19], $0x80, s28, s19, $0x2000b8;
	[tilespmem:$0x1E400] =	vst v63  }
0x5d: {  	_ =	swait.ge [sflag:s22], $0x4000  }
0x5e: {  	[sflag:s22] =	ssyncset.done $0x0  }
.Ltmp1:
0x5f: {  	s28 =	sadd.s32 $0x1480, s26;
	[sflag:s22] =	ssyncadd.s32 $0xFFFFC000;
	(pc) =	sbr.rel @p0 .LBB2_4-.Ltmp1, $4  }
0x60: {  	[spmem:s3] =	stream.indirect.scatter.add.f32 [tilespmem:s20], [sflag:$0x3], $0x80, s28, s19, $0x2000b8;
	[tilespmem:$0x1E400] =	vst v63  }
0x61: {  	_ =	swait.ge [sflag:s17], $0x4000  }
0x62: {  	[sflag:s17] =	ssyncset.done $0x0  }
0x63: {  	s26 =	sadd.s32 $0x180, s26;
	[sflag:s17] =	ssyncadd.s32 $0xFFFFC000  }
0x64: {  	[tilespmem:s20], [sflag:$0x2] =	stream.indirect.gather [hbm4b:s2+s19], $0x80, s26, s19, $0x2000b8;
	[tilespmem:$0x1E400] =	vst v63  }
0x65: {  	_ =	swait.ge [sflag:s21], $0x4000  }
0x66: {  	[sflag:s21] =	ssyncset.done $0x0  }
0x67: {  	[sflag:s21] =	ssyncadd.s32 $0xFFFFC000  }
0x68: {  	[spmem:s3] =	stream.indirect.scatter.add.f32 [tilespmem:s16], [sflag:$0x3], $0x80, s23, s19, $0x2000b8;
	[tilespmem:$0x1E400] =	vst v63  }
0x69: {  	_ =	swait.ge [sflag:s17], $0x4000  }
0x6a: {  	[sflag:s17] =	ssyncset.done $0x0  }
0x6b: {  	[sflag:s17] =	ssyncadd.s32 $0xFFFFC000  }
0x6c: {  	_ =	swait.ge [sflag:s22], $0x4000  }
0x6d: {  	[sflag:s22] =	ssyncset.done $0x0  }
0x6e: {  	[sflag:s22] =	ssyncadd.s32 $0xFFFFC000  }
0x6f: {  	[spmem:s3] =	stream.indirect.scatter.add.f32 [tilespmem:s20], [sflag:$0x3], $0x80, s24, s19, $0x2000b8;
	[tilespmem:$0x1E400] =	vst v63  }
0x70: {  	_ =	swait.ge [sflag:s17], $0x4000  }
0x71: {  	[sflag:s17] =	ssyncset.done $0x0  }
0x72: {  	s25 =	simm.s32 $0x0;
	[sflag:s17] =	ssyncadd.s32 $0xFFFFC000  }
0x73: {  	[tilespmem:s25], [sflag:$0x3] =	stream.linear.gather [hbm4b:s12+s25], $0x1400, $0x200038;
	[tilespmem:$0x1E400] =	vst v63  }
0x74: {  	_ =	swait.ge [sflag:s17], $0x1400  }
0x75: {  	[sflag:s17] =	ssyncset.done $0x0  }
0x76: {  	[sflag:s17] =	ssyncadd.s32 $0xFFFFEC00  }
0x77: {  	[tilespmem:s18], [sflag:$0x3] =	stream.linear.gather [hbm4b:s13+s25], $0x1400, $0x200038;
	[tilespmem:$0x1E400] =	vst v63  }
0x78: {  	_ =	swait.ge [sflag:s17], $0x1400  }
0x79: {  	[sflag:s17] =	ssyncset.done $0x0  }
0x7a: {  	[sflag:s17] =	ssyncadd.s32 $0xFFFFEC00  }
0x7b: {  	[tilespmem:s16], [sflag:$0x1] =	stream.indirect.gather [hbm4b:s2+s19], $0x80, s25, s19, $0x2000b8;
	[tilespmem:$0x1E400] =	vst v63  }
0x7c: {  	_ = 	snop  }
0x7d: {  	[tilespmem:s20], [sflag:$0x2] =	stream.indirect.gather [hbm4b:s2+s19], $0x80, s19, s19, $0x2000b8;
	[tilespmem:$0x1E400] =	vst v63  }
0x7e: {  	_ =	swait.ge [sflag:s21], $0x4000  }
0x7f: {  	[sflag:s21] =	ssyncset.done $0x0  }
0x80: {  	s29 =	simm.s32 $0x1400;
	[sflag:s21] =	ssyncadd.s32 $0xFFFFC000  }
0x81: {  	[spmem:s3] =	stream.indirect.scatter.add.f32 [tilespmem:s16], [sflag:$0x3], $0x80, s29, s19, $0x2000b8;
	[tilespmem:$0x1E400] =	vst v63  }
0x82: {  	_ =	swait.ge [sflag:s17], $0x4000  }
0x83: {  	[sflag:s17] =	ssyncset.done $0x0  }
0x84: {  	s30 =	simm.s32 $0x100;
	[sflag:s17] =	ssyncadd.s32 $0xFFFFC000  }
0x85: {  	[tilespmem:s16], [sflag:$0x1] =	stream.indirect.gather [hbm4b:s2+s19], $0x80, s30, s19, $0x2000b8;
	[tilespmem:$0x1E400] =	vst v63  }
0x86: {  	_ =	swait.ge [sflag:s22], $0x4000  }
0x87: {  	[sflag:s22] =	ssyncset.done $0x0  }
0x88: {  	s31 =	simm.s32 $0x1480;
	[sflag:s22] =	ssyncadd.s32 $0xFFFFC000  }
0x89: {  	[spmem:s3] =	stream.indirect.scatter.add.f32 [tilespmem:s20], [sflag:$0x3], $0x80, s31, s19, $0x2000b8;
	[tilespmem:$0x1E400] =	vst v63  }
0x8a: {  	_ =	swait.ge [sflag:s17], $0x4000  }
0x8b: {  	[sflag:s17] =	ssyncset.done $0x0  }
0x8c: {  	s26 =	simm.s32 $0x180;
	s25 =	simm.s32 $0x400;
	[sflag:s17] =	ssyncadd.s32 $0xFFFFC000  }
.LBB2_6:
0x8d: {  	[tilespmem:s20], [sflag:$0x2] =	stream.indirect.gather [hbm4b:s2+s19], $0x80, s26, s19, $0x2000b8;
	[tilespmem:$0x1E400] =	vst v63  }
0x8e: {  	s26 =	smov.u32 s25  }
0x8f: {  	p0 =	sne.s32 s25, $0x4800;
	s25 =	sadd.s32 $0x400, s25;
	_ =	swait.ge [sflag:s21], $0x4000  }
0x90: {  	s26 =	sshra.s32 s26, $0x2;
	[sflag:s21] =	ssyncset.done $0x0  }
0x91: {  	s28 =	sadd.s32 $0x1400, s26;
	[sflag:s21] =	ssyncadd.s32 $0xFFFFC000  }
0x92: {  	[spmem:s3] =	stream.indirect.scatter.add.f32 [tilespmem:s16], [sflag:$0x3], $0x80, s28, s19, $0x2000b8;
	[tilespmem:$0x1E400] =	vst v63  }
0x93: {  	_ =	swait.ge [sflag:s17], $0x4000  }
0x94: {  	[sflag:s17] =	ssyncset.done $0x0  }
0x95: {  	s28 =	sadd.s32 $0x100, s26;
	[sflag:s17] =	ssyncadd.s32 $0xFFFFC000  }
0x96: {  	[tilespmem:s16], [sflag:$0x1] =	stream.indirect.gather [hbm4b:s2+s19], $0x80, s28, s19, $0x2000b8;
	[tilespmem:$0x1E400] =	vst v63  }
0x97: {  	_ =	swait.ge [sflag:s22], $0x4000  }
0x98: {  	[sflag:s22] =	ssyncset.done $0x0  }
.Ltmp2:
0x99: {  	s28 =	sadd.s32 $0x1480, s26;
	[sflag:s22] =	ssyncadd.s32 $0xFFFFC000;
	(pc) =	sbr.rel @p0 .LBB2_6-.Ltmp2, $4  }
0x9a: {  	[spmem:s3] =	stream.indirect.scatter.add.f32 [tilespmem:s20], [sflag:$0x3], $0x80, s28, s19, $0x2000b8;
	[tilespmem:$0x1E400] =	vst v63  }
0x9b: {  	_ =	swait.ge [sflag:s17], $0x4000  }
0x9c: {  	[sflag:s17] =	ssyncset.done $0x0  }
0x9d: {  	s26 =	sadd.s32 $0x180, s26;
	[sflag:s17] =	ssyncadd.s32 $0xFFFFC000  }
0x9e: {  	[tilespmem:s20], [sflag:$0x2] =	stream.indirect.gather [hbm4b:s2+s19], $0x80, s26, s19, $0x2000b8;
	[tilespmem:$0x1E400] =	vst v63  }
0x9f: {  	_ =	swait.ge [sflag:s21], $0x4000  }
0xa0: {  	[sflag:s21] =	ssyncset.done $0x0  }
0xa1: {  	[sflag:s21] =	ssyncadd.s32 $0xFFFFC000  }
0xa2: {  	[spmem:s3] =	stream.indirect.scatter.add.f32 [tilespmem:s16], [sflag:$0x3], $0x80, s23, s19, $0x2000b8;
	[tilespmem:$0x1E400] =	vst v63  }
0xa3: {  	_ =	swait.ge [sflag:s17], $0x4000  }
0xa4: {  	[sflag:s17] =	ssyncset.done $0x0  }
0xa5: {  	[sflag:s17] =	ssyncadd.s32 $0xFFFFC000  }
0xa6: {  	_ =	swait.ge [sflag:s22], $0x4000  }
0xa7: {  	[sflag:s22] =	ssyncset.done $0x0  }
0xa8: {  	[sflag:s22] =	ssyncadd.s32 $0xFFFFC000  }
0xa9: {  	[spmem:s3] =	stream.indirect.scatter.add.f32 [tilespmem:s20], [sflag:$0x3], $0x80, s24, s19, $0x2000b8;
	[tilespmem:$0x1E400] =	vst v63  }
0xaa: {  	_ =	swait.ge [sflag:s17], $0x4000  }
0xab: {  	[sflag:s17] =	ssyncset.done $0x0  }
0xac: {  	[sflag:s17] =	ssyncadd.s32 $0xFFFFC000  }
0xad: {  	s25 =	sshll.u32 s0, $0x6;
	_ =	strace $0x9000004C  }
0xae: {  	s31 =	sshrl.u32 s5, $0x3;
	s4 =	sadd.s32 $0x1, s4;
	_ =	strace $0x8000004D  }
0xaf: {  	s25 =	sor.u32 $0x1C03, s25;
	p0 =	sne.s32 s4, s15;
	[bflag:$0x0] =	sbarrier.arrive $0xFFFF  }
0xb0: {  	[hbm:s14], [sflag:s25] =	dma.local [spmem:s31], $0x2780  }
.Ltmp3:
0xb1: {  	_ = 	snop;
	(pc) =	sbr.rel @p0 .LBB2_1-.Ltmp3, $4  }
0xb2: {  	_ =	swait.ge [sflag:s17], $0x2780  }
0xb3: {  	[sflag:s17] =	ssyncset.done $0x0  }
0xb4: {  	[sflag:s17] =	ssyncadd.s32 $0xFFFFD880  }
0xb5: {  	_ =	strace $0x9000004D  }
0xb6: {  	_ =	sfence.sel $0x180000  }
0xb7: {  	[bflag:$0x0] =	sbarrier.arrive $0xFFFF  }
0xb8: {  	p0 =	sne.s32 s0, $0x0;
	_ =	strace $0x9000004A  }
0xb9: {  	s0 =	sadd.s32 @!p0 $0x100000, s1;
	[bflag:$0x2] =	sbarrier.arrive $0xFFFF  }
0xba: {  	[sflag:s0] =	ssyncadd.tile.s32 @!p0 $0x1;
	_ =	shalt  }
.Lfunc_end2:
_tile_overlayer_lowered:
.L_overlay_start_2:
0xbb: {  	(tag) =	ssettag $0x2  }
0xbc: {  	s0 =	rddreg [dreg:$0x0];
	s2 =	stileid.u32  }
0xbd: {  	s1 =	rddreg [dreg:$0x1];
	p0 =	sne.s32 s2, $0x0  }
0xbe: {  	s3 =	rddreg [dreg:$0x2];
	[bflag:$0x3] =	sbarrier.arrive $0xFFFF;
	s2 =	simm.s32 @!p0 $0x1C03  }
0xbf: {  	[timem:s3], [sflag:s2] =	dma.local @!p0 [hbm:s0], s1  }
0xc0: {  	s0 =	simm.s32 @!p0 $0x3  }
0xc1: {  	_ =	swait.ge @!p0 [sflag:s0], s1  }
0xc2: {  	s1 =	ssub.s32 @!p0 $0x0, s1;
	[sflag:s0] =	ssyncset.done @!p0 $0x0  }
0xc3: {  	[sflag:s0] =	ssyncadd.s32 @!p0 s1  }
0xc4: {  	[bflag:$0x3] =	sbarrier.arrive $0xFFFF  }
0xc5: {  	_ =	shalt  }

// kernel: kernel.14.cloned.1.call-start
scs
__scs_entry_jumppad:
0x0: {  	(pc) =	sbr.rel $0x88, $3  }
0x1: {  	(tag) =	ssettag $0x0;
	lr =	simm.s32 $0x1  }
0x2: {  	[smem:$0x3F9B] =	sst lr;
	_ =	strace $0xD0000000  }
0x3: {  	_ = 	snop  }
0x4: {  	_ = 	snop  }
0x5: {  	_ = 	snop  }
0x6: {  	_ = 	snop  }
0x7: {  	_ = 	snop  }
__scs_overlays_trampoline_lowered:
0x8: {  	[smem:$0x3FAA] =	sst s0  }
0x9: {  	[smem:$0x3FAB] =	sst s1  }
0xa: {  	[smem:$0x3FAC] =	sst s2  }
0xb: {  	[smem:$0x3FAD] =	sst s3  }
0xc: {  	[smem:$0x3FAE] =	sst s4  }
0xd: {  	[smem:$0x3FAF] =	sst s5  }
0xe: {  	[smem:$0x3FB0] =	sst s6  }
0xf: {  	[smem:$0x3FB1] =	sst s7  }
0x10: {  	[smem:$0x3FB2] =	sst s8  }
0x11: {  	[smem:$0x3FB3] =	sst s9;
	s0 =	simm.s32 @!p0 $0x0  }
0x12: {  	s1 =	sld [smem:$0x3F99];
	s0 =	simm.s32 @p0 $0x1  }
0x13: {  	[smem:$0x3FB4] =	sst s0;
	s0 =	simm.s32 @!p1 $0x0  }
0x14: {  	s2 =	sld [smem:$0x3F98];
	s0 =	simm.s32 @p1 $0x1  }
0x15: {  	[smem:$0x3FB5] =	sst s0;
	s0 =	simm.s32 @!p2 $0x0  }
0x16: {  	s3 =	sld [smem:$0x3FDB];
	s0 =	simm.s32 @p2 $0x1  }
0x17: {  	s4 =	simm.s32 $0x1BF5;
	[smem:$0x3FB7] =	sst s0  }
0x18: {  	s0 =	sld [smem:$0x3F9A];
	_ =	swait.ge [sflag:s4], $0x0  }
0x19: {  	s7 =	sld [smem:$0x3F9B]  }
0x1a: {  	s8 =	sadd.s32 $0xFFFFE003, lr  }
0x1b: {  	s9 =	sadd.s32 $0xFFFFFEF7, lr;
	s5 =	simm.s32 $0xFFFFFFFF;
	p2 =	slt.u32 s8, $0xFFFFF086  }
0x1c: {  	p1 =	slt.u32 s9, $0xF7A;
	s5 =	simm.s32 @!p2 $0x0  }
0x1d: {  	s5 =	simm.s32 @p1 $0x1;
	p0 =	seq.s32 s7, s2  }
0x1e: {  	s7 =	smul.u32 @!p0 $0xF7A, s2;
	p2 =	seq.s32 @!p0 s5, $0x0  }
0x1f: {  	s9 =	smul.u32 $0xF7A, s1;
	s8 =	simm.s32 @!p0 $0x1BF5;
	p2 =	por !p2, p0  }
0x20: {  	[sflag:s8] =	ssyncset.s32 @!p0 $0xFFFFF086;
	s6 =	sadd.s32 @!p0 s3, s7;
	s7 =	simm.s32 @!p0 $0x108  }
0x21: {  	s3 =	sadd.s32 s3, s9;
	s6 =	sadd.s32 @!p0 $0x88, s6;
	s7 =	simm.s32 @p2 $0x1082  }
0x22: {  	[simem:s7], [sflag:s8] =	dma.local @!p0 [hbm:s6], $0xF7A  }
0x23: {  	s9 =	sor.u32 $0xD0000000, s2;
	s6 =	simm.s32 $0x108;
	_ =	swait.ge @!p0 [sflag:s8], $0x0  }
0x24: {  	s3 =	sadd.s32 $0x88, s3;
	s6 =	simm.s32 @!p1 $0x1082;
	[sflag:s4] =	ssyncset.s32 $0xFFFFF086  }
0x25: {  	[simem:s6], [sflag:s4] =	dma.local [hbm:s3], $0xF7A  }
0x26: {  	[smem:$0x3F9B] =	sst s1;
	(tag) =	ssettag s2;
	_ =	strace s9  }
0x27: {  	s1 =	sld [smem:$0x3FAB]  }
0x28: {  	s2 =	sld [smem:$0x3FAC]  }
0x29: {  	s4 =	sld [smem:$0x3FAE]  }
0x2a: {  	p0 =	seq.s32 s5, $0x0;
	s5 =	sld [smem:$0x3FAF]  }
0x2b: {  	s6 =	sld [smem:$0x3FB0]  }
0x2c: {  	s7 =	sld [smem:$0x3FB1]  }
0x2d: {  	s3 =	simm.s32 $0x108;
	s8 =	sld [smem:$0x3FB2]  }
0x2e: {  	s3 =	simm.s32 @!p0 $0x1082;
	s9 =	sld [smem:$0x3FB3]  }
0x2f: {  	lr =	sadd.s32 s0, s3;
	s0 =	sld [smem:$0x3FAA]  }
0x30: {  	s3 =	sld [smem:$0x3FAD]  }
0x31: {  	[smem:$0x3FB6] =	sst s10  }
0x32: {  	s10 =	sld [smem:$0x3FB4];
	_ =	sdelay $0x3  }
0x33: {  	p0 =	seq.s32 s10, $0x1;
	s10 =	sld [smem:$0x3FB6];
	_ =	sdelay $0x3  }
0x34: {  	[smem:$0x3FB6] =	sst s10  }
0x35: {  	s10 =	sld [smem:$0x3FB5];
	_ =	sdelay $0x3  }
0x36: {  	p1 =	seq.s32 s10, $0x1;
	s10 =	sld [smem:$0x3FB6];
	_ =	sdelay $0x3  }
0x37: {  	[smem:$0x3FB6] =	sst s10  }
0x38: {  	s10 =	sld [smem:$0x3FB7]  }
0x39: {  	_ = 	snop;
	(pc) =	sbr.ind lr, $3  }
0x3a: {  	_ = 	snop  }
0x3b: {  	_ = 	snop  }
0x3c: {  	p2 =	seq.s32 s10, $0x1;
	s10 =	sld [smem:$0x3FB6]  }
0x3d: {  	_ =	shalt  }
0x3e: {  	_ =	shalt  }
0x3f: {  	_ =	shalt  }
0x40: {  	_ =	shalt  }
0x41: {  	_ =	shalt  }
0x42: {  	_ =	shalt  }
0x43: {  	_ =	shalt  }
0x44: {  	_ =	shalt  }
0x45: {  	_ =	shalt  }
0x46: {  	_ =	shalt  }
0x47: {  	_ =	shalt  }
0x48: {  	_ =	shalt  }
0x49: {  	_ =	shalt  }
0x4a: {  	_ =	shalt  }
0x4b: {  	_ =	shalt  }
0x4c: {  	_ =	shalt  }
0x4d: {  	_ =	shalt  }
0x4e: {  	_ =	shalt  }
0x4f: {  	_ =	shalt  }
0x50: {  	_ =	shalt  }
0x51: {  	_ =	shalt  }
0x52: {  	_ =	shalt  }
0x53: {  	_ =	shalt  }
0x54: {  	_ =	shalt  }
0x55: {  	_ =	shalt  }
0x56: {  	_ =	shalt  }
0x57: {  	_ =	shalt  }
0x58: {  	_ =	shalt  }
0x59: {  	_ =	shalt  }
0x5a: {  	_ =	shalt  }
0x5b: {  	_ =	shalt  }
0x5c: {  	_ =	shalt  }
0x5d: {  	_ =	shalt  }
0x5e: {  	_ =	shalt  }
0x5f: {  	_ =	shalt  }
0x60: {  	_ =	shalt  }
0x61: {  	_ =	shalt  }
0x62: {  	_ =	shalt  }
0x63: {  	_ =	shalt  }
0x64: {  	_ =	shalt  }
0x65: {  	_ =	shalt  }
0x66: {  	_ =	shalt  }
0x67: {  	_ =	shalt  }
0x68: {  	_ =	shalt  }
0x69: {  	_ =	shalt  }
0x6a: {  	_ =	shalt  }
0x6b: {  	_ =	shalt  }
0x6c: {  	_ =	shalt  }
0x6d: {  	_ =	shalt  }
0x6e: {  	_ =	shalt  }
0x6f: {  	_ =	shalt  }
0x70: {  	_ =	shalt  }
0x71: {  	_ =	shalt  }
0x72: {  	_ =	shalt  }
0x73: {  	_ =	shalt  }
0x74: {  	_ =	shalt  }
0x75: {  	_ =	shalt  }
0x76: {  	_ =	shalt  }
0x77: {  	_ =	shalt  }
0x78: {  	_ =	shalt  }
0x79: {  	_ =	shalt  }
0x7a: {  	_ =	shalt  }
0x7b: {  	_ =	shalt  }
0x7c: {  	_ =	shalt  }
0x7d: {  	_ =	shalt  }
0x7e: {  	_ =	shalt  }
0x7f: {  	_ =	shalt  }
0x80: {  	_ =	shalt  }
0x81: {  	_ =	shalt  }
0x82: {  	_ =	shalt  }
0x83: {  	_ =	shalt  }
0x84: {  	_ =	shalt  }
0x85: {  	_ =	shalt  }
0x86: {  	_ =	shalt  }
0x87: {  	_ =	shalt  }
.Lfunc_end0:
.L_simem_size_0:
called_computation.2_lowered:
.L_overlay_start_0:
0x88: {  	s2 =	sld [smem:$0x3FD9]  }
0x89: {  	s3 =	sld [smem:$0x3FFE];
	_ =	sdelay $0x1  }
0x8a: {  	s1 =	srdreg.scid  }
0x8b: {  	s0 =	sand.u32 $0x1, s1  }
0x8c: {  	s17 =	sshll.u32 s0, $0xA;
	s2 =	sadd.s32 s3, s2  }
0x8d: {  	s2 =	sadd.s32 s2, s17  }
0x8e: {  	[smem:$0x3FC2] =	sst s2  }
0x8f: {  	_ = 	snop  }
0x90: {  	s2 =	sld [smem:$0x3FD0];
	(tm) =	ssettm $0x1  }
0x91: {  	s18 =	sld [smem:$0x3FFB];
	_ =	sdelay $0x3  }
0x92: {  	_ =	strace s18  }
0x93: {  	s3 =	sld [smem:$0x3FFC];
	_ =	sdelay $0x3  }
0x94: {  	_ =	strace s3  }
0x95: {  	s3 =	sld [smem:$0x3FFD];
	_ =	sdelay $0x3  }
0x96: {  	_ =	strace s3  }
0x97: {  	_ =	strace $0x8FFFFFFF  }
0x98: {  	s19 =	sld [smem:$0x3FDB];
	_ =	sdelay $0x1  }
0x99: {  	s4 =	simm.s32 $_scs_section_size  }
0x9a: {  	s5 =	simm.s32 $_size__tile_overlayer_lowered;
	s6 =	simm.s32 $_tile_overlayer_lowered  }
0x9b: {  	s22 =	simm.s32 $0x1BFF;
	s21 =	sshll.u32 s6, $0x1;
	s3 =	sadd.s32 s4, s19  }
0x9c: {  	s7 =	simm.s32 $0x0;
	s20 =	sshll.u32 s5, $0x1;
	s5 =	sadd.s32 s21, s3  }
0x9d: {  	[timem:s7], [sflag:s22] =	dma.local [hbm:s5], s20  }
0x9e: {  	_ =	swait.ge [sflag:s22], s20  }
0x9f: {  	s4 =	ssub.s32 $0x0, s20;
	[sflag:s22] =	ssyncset.done $0x0  }
0xa0: {  	[sflag:s22] =	ssyncadd.s32 s4;
	_ =	sdelay $0x1  }
0xa1: {  	s23 =	simm.s32 $0x1B8B  }
0xa2: {  	_ =	swait.ge [sflag:s23], $0x1  }
0xa3: {  	[sflag:s23] =	ssyncset.done $0x0  }
0xa4: {  	s25 =	simm.s32 $0x1B8E;
	s24 =	sld [smem:$0x3FFE];
	[sflag:s23] =	ssyncadd.s32 $0xFFFFFFFF  }
0xa5: {  	s26 =	simm.s32 $execute0_lowered;
	[smem:$0x3FD2] =	sst s25  }
0xa6: {  	s5 =	sshll.u32 s26, $0x1;
	_ =	strace $0x8000004F;
	[dreg:$0x1] =	wrdreg $0xFFFFFFFF  }
0xa7: {  	s28 =	simm.s32 $_size_execute0_lowered;
	s3 =	sadd.s32 s3, s5;
	[dreg:$0x0] =	wrdreg $0x0  }
0xa8: {  	s5 =	sshll.u32 s28, $0x1;
	[dreg:$0x2] =	wrdreg s3  }
0xa9: {  	[dreg:$0x3] =	wrdreg s5  }
0xaa: {  	[dreg:$0x4] =	wrdreg $0xC0  }
0xab: {  	_ =	task [dreg:s7], $0x5FFFF  }
0xac: {  	[dreg:$0x1] =	wrdreg $0xFFFFFFFF  }
0xad: {  	[dreg:$0x0] =	wrdreg $0x60  }
0xae: {  	[dreg:$0x2] =	wrdreg s2  }
0xaf: {  	[dreg:$0x3] =	wrdreg s24  }
0xb0: {  	[dreg:$0x4] =	wrdreg $0xA8000  }
0xb1: {  	[dreg:$0x5] =	wrdreg $0x9  }
0xb2: {  	_ =	task.clear_ibuf [dreg:s7], $0x6FFFF;
	_ =	strace $0x9000004F  }
0xb3: {  	s29 =	simm.s32 $0x9;
	_ =	strace $0x80000054  }
0xb4: {  	_ =	swait.ge [sflag:s29], $0x1  }
0xb5: {  	[sflag:s29] =	ssyncadd.s32 $0xFFFFFFFF  }
0xb6: {  	_ =	strace $0x90000054  }
0xb7: {  	_ =	sfence  }
0xb8: {  	s30 =	sld [smem:$0x0];
	_ =	sdelay $0x2  }
0xb9: {  	s31 =	sshll.u32 s1, $0xD;
	s1 =	sshrl.u32 s1, $0x2  }
0xba: {  	s3 =	sand.u32 $0x4000, s31;
	s1 =	sadd.s32 s1, s30  }
0xbb: {  	s0 =	sor.u32 s3, s0;
	s1 =	sshll.u32 s1, $0x11  }
0xbc: {  	s0 =	sor.u32 s1, s0  }
0xbd: {  	s0 =	sadd.s32 $0x8F2B, s0  }
0xbe: {  	[sflag:s0] =	ssyncadd.remote.s32 $0x1  }
0xbf: {  	_ =	sfence.sel $0xFFFF  }
0xc0: {  	[dreg:$0x0] =	wrdreg $0xFFFFFFFF;
	(pc) =	sbr.abs _section_cstart, $3  }
0xc1: {  	[dreg:$0x1] =	wrdreg $0xFFFFFFFF  }
0xc2: {  	_ =	task.clear_ibuf [dreg:s7], $0x2FFFF;
	_ =	strace $0x9FFFFFFF  }
0xc3: {  	(tm) =	ssettm $0x7FFFFFFF  }
tec
execute0_lowered:
.L_overlay_start_1:
0x0: {  	(tag) =	ssettag $0x1  }
0x1: {  	s2 =	rddreg [dreg:$0x0]  }
0x2: {  	s1 =	srdreg.scid;
	s6 =	rddreg [dreg:$0x1]  }
0x3: {  	s0 =	stileid.u32;
	s3 =	rddreg [dreg:$0x2];
	s4 =	simm.s32 $0x0  }
0x4: {  	s16 =	simm.s32 $0x2800;
	s17 =	simm.s32 $0x3;
	s18 =	simm.s32 $0x1400  }
0x5: {  	s19 =	simm.s32 $0x80;
	s20 =	simm.s32 $0x6800;
	s21 =	simm.s32 $0x1  }
0x6: {  	s22 =	simm.s32 $0x2;
	s23 =	simm.s32 $0x2700;
	s9 =	smul.u32 $0x13C00, s0  }
0x7: {  	s5 =	sand.u32 $0x1, s1;
	s26 =	sshll.u32 s0, $0x1;
	s10 =	smul.u32 $0x4F000, s0  }
0x8: {  	s24 =	simm.s32 $0x2780;
	s1 =	sor.u32 s5, s26;
	s8 =	smul.u32 $0x13C000, s5  }
0x9: {  	[smem:$0x7FF] =	sst s4;
	s29 =	ssub.s32 $0x2, s5;
	s7 =	smul.u32 $0x2800, s1  }
0xa: {  	s1 =	rddreg [dreg:$0x3];
	_ =	strace $0x80000050;
	s30 =	sshrl.u32 s10, $0x2  }
0xb: {  	s31 =	sshrl.u32 s29, $0x1;
	s28 =	sadd.s32 s9, s8;
	s5 =	sadd.s32 s30, s3  }
0xc: {  	s15 =	ssub.s32 s29, s31;
	s7 =	sshrl.u32 s7, $0x3;
	s8 =	sadd.s32 $0xC000, s5  }
0xd: {  	s9 =	sadd.s32 $0x10000, s5;
	s13 =	sadd.s32 s7, s6;
	s7 =	sshrl.u32 s28, $0x3  }
0xe: {  	s15 =	smax.u32 s15, $0x1;
	s14 =	sadd.s32 s7, s6;
	s6 =	sadd.s32 $0x4000, s5  }
0xf: {  	s7 =	sadd.s32 $0x8000, s5;
	s10 =	sadd.s32 $0x2600, s13;
	s11 =	sadd.s32 $0xC600, s13  }
0x10: {  	v0 =	vimm.f32 $0.0e+00;
	s12 =	sadd.s32 $0x2880, s13;
	s13 =	sadd.s32 $0xC880, s13;
	s14 =	sadd.s32 $0x16600, s14  }
.LBB2_1:
0x11: {  	_ =	strace $0x80000051;
	s25 =	simm.s32 $0x0;
	s26 =	simm.s32 $0x200  }
.LBB2_2:
0x12: {  	p0 =	sne.s32 s26, $0xFE00;
	[tilespmem:s25+$0x2870] =	vst v0  }
0x13: {  	[tilespmem:s25+$0x2800] =	vst v0  }
0x14: {  	[tilespmem:s25+$0x2810] =	vst v0  }
.Ltmp0:
0x15: {  	[tilespmem:s25+$0x2820] =	vst v0;
	(pc) =	sbr.rel @p0 .LBB2_2-.Ltmp0, $4  }
0x16: {  	[tilespmem:s25+$0x2830] =	vst v0  }
0x17: {  	[tilespmem:s25+$0x2840] =	vst v0  }
0x18: {  	[tilespmem:s25+$0x2850] =	vst v0  }
0x19: {  	[tilespmem:s25+$0x2860] =	vst v0;
	s25 =	sshra.s32 s26, $0x2;
	s26 =	sadd.s32 $0x200, s26  }
0x1a: {  	[tilespmem:s25+$0x2870] =	vst v0  }
0x1b: {  	[tilespmem:s25+$0x2800] =	vst v0  }
0x1c: {  	[tilespmem:s25+$0x2810] =	vst v0  }
0x1d: {  	[tilespmem:s25+$0x2820] =	vst v0  }
0x1e: {  	[tilespmem:s25+$0x2830] =	vst v0  }
0x1f: {  	[tilespmem:s25+$0x2840] =	vst v0  }
0x20: {  	[tilespmem:s25+$0x2850] =	vst v0  }
0x21: {  	[tilespmem:s25+$0x2860] =	vst v0  }
0x22: {  	[spmem:s5] =	stream.linear.scatter [tilespmem:s16], [sflag:$0x3], $0x4000, $0x200038;
	[tilespmem:$0x1E400] =	vst v63  }
0x23: {  	_ =	swait.ge [sflag:s17], $0x4000  }
0x24: {  	[sflag:s17] =	ssyncset.done $0x0  }
0x25: {  	[sflag:s17] =	ssyncadd.s32 $0xFFFFC000  }
0x26: {  	[spmem:s6] =	stream.linear.scatter [tilespmem:s16], [sflag:$0x3], $0x4000, $0x200038;
	[tilespmem:$0x1E400] =	vst v63  }
0x27: {  	_ =	swait.ge [sflag:s17], $0x4000  }
0x28: {  	[sflag:s17] =	ssyncset.done $0x0  }
0x29: {  	[sflag:s17] =	ssyncadd.s32 $0xFFFFC000  }
0x2a: {  	[spmem:s7] =	stream.linear.scatter [tilespmem:s16], [sflag:$0x3], $0x4000, $0x200038;
	[tilespmem:$0x1E400] =	vst v63  }
0x2b: {  	_ =	swait.ge [sflag:s17], $0x4000  }
0x2c: {  	[sflag:s17] =	ssyncset.done $0x0  }
0x2d: {  	[sflag:s17] =	ssyncadd.s32 $0xFFFFC000  }
0x2e: {  	[spmem:s8] =	stream.linear.scatter [tilespmem:s16], [sflag:$0x3], $0x4000, $0x200038;
	[tilespmem:$0x1E400] =	vst v63  }
0x2f: {  	_ =	swait.ge [sflag:s17], $0x4000  }
0x30: {  	[sflag:s17] =	ssyncset.done $0x0  }
0x31: {  	[sflag:s17] =	ssyncadd.s32 $0xFFFFC000  }
0x32: {  	[spmem:s9] =	stream.linear.scatter [tilespmem:s16], [sflag:$0x3], $0x3C00, $0x200038;
	[tilespmem:$0x1E400] =	vst v63  }
0x33: {  	_ =	swait.ge [sflag:s17], $0x3C00  }
0x34: {  	[sflag:s17] =	ssyncset.done $0x0  }
0x35: {  	[sflag:s17] =	ssyncadd.s32 $0xFFFFC400  }
0x36: {  	[bflag:$0x0] =	sbarrier.arrive $0xFFFF  }
0x37: {  	_ =	strace $0x90000051  }
0x38: {  	s28 =	simm.s32 $0x0;
	_ =	strace $0x80000052  }
0x39: {  	[tilespmem:s28], [sflag:$0x3] =	stream.linear.gather [hbm4b:s10+s28], $0x1400, $0x200038;
	[tilespmem:$0x1E400] =	vst v63  }
0x3a: {  	_ =	swait.ge [sflag:s17], $0x1400  }
0x3b: {  	[sflag:s17] =	ssyncset.done $0x0  }
0x3c: {  	[sflag:s17] =	ssyncadd.s32 $0xFFFFEC00  }
0x3d: {  	[tilespmem:s18], [sflag:$0x3] =	stream.linear.gather [hbm4b:s11+s28], $0x1400, $0x200038;
	[tilespmem:$0x1E400] =	vst v63  }
0x3e: {  	_ =	swait.ge [sflag:s17], $0x1400  }
0x3f: {  	[sflag:s17] =	ssyncset.done $0x0  }
0x40: {  	[sflag:s17] =	ssyncadd.s32 $0xFFFFEC00  }
0x41: {  	[tilespmem:s16], [sflag:$0x1] =	stream.indirect.gather [hbm4b:s2+s19], $0x80, s28, s19, $0x2000b8;
	[tilespmem:$0x1E400] =	vst v63  }
0x42: {  	_ = 	snop  }
0x43: {  	[tilespmem:s20], [sflag:$0x2] =	stream.indirect.gather [hbm4b:s2+s19], $0x80, s19, s19, $0x2000b8;
	[tilespmem:$0x1E400] =	vst v63  }
0x44: {  	_ =	swait.ge [sflag:s21], $0x4000  }
0x45: {  	[sflag:s21] =	ssyncset.done $0x0  }
0x46: {  	s29 =	simm.s32 $0x1400;
	[sflag:s21] =	ssyncadd.s32 $0xFFFFC000  }
0x47: {  	[spmem:s3] =	stream.indirect.scatter.add.f32 [tilespmem:s16], [sflag:$0x3], $0x80, s29, s19, $0x2000b8;
	[tilespmem:$0x1E400] =	vst v63  }
0x48: {  	_ =	swait.ge [sflag:s17], $0x4000  }
0x49: {  	[sflag:s17] =	ssyncset.done $0x0  }
0x4a: {  	s30 =	simm.s32 $0x100;
	[sflag:s17] =	ssyncadd.s32 $0xFFFFC000  }
0x4b: {  	[tilespmem:s16], [sflag:$0x1] =	stream.indirect.gather [hbm4b:s2+s19], $0x80, s30, s19, $0x2000b8;
	[tilespmem:$0x1E400] =	vst v63  }
0x4c: {  	_ =	swait.ge [sflag:s22], $0x4000  }
0x4d: {  	[sflag:s22] =	ssyncset.done $0x0  }
0x4e: {  	s31 =	simm.s32 $0x1480;
	[sflag:s22] =	ssyncadd.s32 $0xFFFFC000  }
0x4f: {  	[spmem:s3] =	stream.indirect.scatter.add.f32 [tilespmem:s20], [sflag:$0x3], $0x80, s31, s19, $0x2000b8;
	[tilespmem:$0x1E400] =	vst v63  }
0x50: {  	_ =	swait.ge [sflag:s17], $0x4000  }
0x51: {  	[sflag:s17] =	ssyncset.done $0x0  }
0x52: {  	s25 =	simm.s32 $0x400;
	s26 =	simm.s32 $0x180;
	[sflag:s17] =	ssyncadd.s32 $0xFFFFC000  }
.LBB2_4:
0x53: {  	[tilespmem:s20], [sflag:$0x2] =	stream.indirect.gather [hbm4b:s2+s19], $0x80, s26, s19, $0x2000b8;
	[tilespmem:$0x1E400] =	vst v63  }
0x54: {  	s26 =	smov.u32 s25  }
0x55: {  	p0 =	sne.s32 s25, $0x4800;
	s25 =	sadd.s32 $0x400, s25;
	_ =	swait.ge [sflag:s21], $0x4000  }
0x56: {  	s26 =	sshra.s32 s26, $0x2;
	[sflag:s21] =	ssyncset.done $0x0  }
0x57: {  	s28 =	sadd.s32 $0x1400, s26;
	[sflag:s21] =	ssyncadd.s32 $0xFFFFC000  }
0x58: {  	[spmem:s3] =	stream.indirect.scatter.add.f32 [tilespmem:s16], [sflag:$0x3], $0x80, s28, s19, $0x2000b8;
	[tilespmem:$0x1E400] =	vst v63  }
0x59: {  	_ =	swait.ge [sflag:s17], $0x4000  }
0x5a: {  	[sflag:s17] =	ssyncset.done $0x0  }
0x5b: {  	s28 =	sadd.s32 $0x100, s26;
	[sflag:s17] =	ssyncadd.s32 $0xFFFFC000  }
0x5c: {  	[tilespmem:s16], [sflag:$0x1] =	stream.indirect.gather [hbm4b:s2+s19], $0x80, s28, s19, $0x2000b8;
	[tilespmem:$0x1E400] =	vst v63  }
0x5d: {  	_ =	swait.ge [sflag:s22], $0x4000  }
0x5e: {  	[sflag:s22] =	ssyncset.done $0x0  }
.Ltmp1:
0x5f: {  	s28 =	sadd.s32 $0x1480, s26;
	[sflag:s22] =	ssyncadd.s32 $0xFFFFC000;
	(pc) =	sbr.rel @p0 .LBB2_4-.Ltmp1, $4  }
0x60: {  	[spmem:s3] =	stream.indirect.scatter.add.f32 [tilespmem:s20], [sflag:$0x3], $0x80, s28, s19, $0x2000b8;
	[tilespmem:$0x1E400] =	vst v63  }
0x61: {  	_ =	swait.ge [sflag:s17], $0x4000  }
0x62: {  	[sflag:s17] =	ssyncset.done $0x0  }
0x63: {  	s26 =	sadd.s32 $0x180, s26;
	[sflag:s17] =	ssyncadd.s32 $0xFFFFC000  }
0x64: {  	[tilespmem:s20], [sflag:$0x2] =	stream.indirect.gather [hbm4b:s2+s19], $0x80, s26, s19, $0x2000b8;
	[tilespmem:$0x1E400] =	vst v63  }
0x65: {  	_ =	swait.ge [sflag:s21], $0x4000  }
0x66: {  	[sflag:s21] =	ssyncset.done $0x0  }
0x67: {  	[sflag:s21] =	ssyncadd.s32 $0xFFFFC000  }
0x68: {  	[spmem:s3] =	stream.indirect.scatter.add.f32 [tilespmem:s16], [sflag:$0x3], $0x80, s23, s19, $0x2000b8;
	[tilespmem:$0x1E400] =	vst v63  }
0x69: {  	_ =	swait.ge [sflag:s17], $0x4000  }
0x6a: {  	[sflag:s17] =	ssyncset.done $0x0  }
0x6b: {  	[sflag:s17] =	ssyncadd.s32 $0xFFFFC000  }
0x6c: {  	_ =	swait.ge [sflag:s22], $0x4000  }
0x6d: {  	[sflag:s22] =	ssyncset.done $0x0  }
0x6e: {  	[sflag:s22] =	ssyncadd.s32 $0xFFFFC000  }
0x6f: {  	[spmem:s3] =	stream.indirect.scatter.add.f32 [tilespmem:s20], [sflag:$0x3], $0x80, s24, s19, $0x2000b8;
	[tilespmem:$0x1E400] =	vst v63  }
0x70: {  	_ =	swait.ge [sflag:s17], $0x4000  }
0x71: {  	[sflag:s17] =	ssyncset.done $0x0  }
0x72: {  	s25 =	simm.s32 $0x0;
	[sflag:s17] =	ssyncadd.s32 $0xFFFFC000  }
0x73: {  	[tilespmem:s25], [sflag:$0x3] =	stream.linear.gather [hbm4b:s12+s25], $0x1400, $0x200038;
	[tilespmem:$0x1E400] =	vst v63  }
0x74: {  	_ =	swait.ge [sflag:s17], $0x1400  }
0x75: {  	[sflag:s17] =	ssyncset.done $0x0  }
0x76: {  	[sflag:s17] =	ssyncadd.s32 $0xFFFFEC00  }
0x77: {  	[tilespmem:s18], [sflag:$0x3] =	stream.linear.gather [hbm4b:s13+s25], $0x1400, $0x200038;
	[tilespmem:$0x1E400] =	vst v63  }
0x78: {  	_ =	swait.ge [sflag:s17], $0x1400  }
0x79: {  	[sflag:s17] =	ssyncset.done $0x0  }
0x7a: {  	[sflag:s17] =	ssyncadd.s32 $0xFFFFEC00  }
0x7b: {  	[tilespmem:s16], [sflag:$0x1] =	stream.indirect.gather [hbm4b:s2+s19], $0x80, s25, s19, $0x2000b8;
	[tilespmem:$0x1E400] =	vst v63  }
0x7c: {  	_ = 	snop  }
0x7d: {  	[tilespmem:s20], [sflag:$0x2] =	stream.indirect.gather [hbm4b:s2+s19], $0x80, s19, s19, $0x2000b8;
	[tilespmem:$0x1E400] =	vst v63  }
0x7e: {  	_ =	swait.ge [sflag:s21], $0x4000  }
0x7f: {  	[sflag:s21] =	ssyncset.done $0x0  }
0x80: {  	s29 =	simm.s32 $0x1400;
	[sflag:s21] =	ssyncadd.s32 $0xFFFFC000  }
0x81: {  	[spmem:s3] =	stream.indirect.scatter.add.f32 [tilespmem:s16], [sflag:$0x3], $0x80, s29, s19, $0x2000b8;
	[tilespmem:$0x1E400] =	vst v63  }
0x82: {  	_ =	swait.ge [sflag:s17], $0x4000  }
0x83: {  	[sflag:s17] =	ssyncset.done $0x0  }
0x84: {  	s30 =	simm.s32 $0x100;
	[sflag:s17] =	ssyncadd.s32 $0xFFFFC000  }
0x85: {  	[tilespmem:s16], [sflag:$0x1] =	stream.indirect.gather [hbm4b:s2+s19], $0x80, s30, s19, $0x2000b8;
	[tilespmem:$0x1E400] =	vst v63  }
0x86: {  	_ =	swait.ge [sflag:s22], $0x4000  }
0x87: {  	[sflag:s22] =	ssyncset.done $0x0  }
0x88: {  	s31 =	simm.s32 $0x1480;
	[sflag:s22] =	ssyncadd.s32 $0xFFFFC000  }
0x89: {  	[spmem:s3] =	stream.indirect.scatter.add.f32 [tilespmem:s20], [sflag:$0x3], $0x80, s31, s19, $0x2000b8;
	[tilespmem:$0x1E400] =	vst v63  }
0x8a: {  	_ =	swait.ge [sflag:s17], $0x4000  }
0x8b: {  	[sflag:s17] =	ssyncset.done $0x0  }
0x8c: {  	s26 =	simm.s32 $0x180;
	s25 =	simm.s32 $0x400;
	[sflag:s17] =	ssyncadd.s32 $0xFFFFC000  }
.LBB2_6:
0x8d: {  	[tilespmem:s20], [sflag:$0x2] =	stream.indirect.gather [hbm4b:s2+s19], $0x80, s26, s19, $0x2000b8;
	[tilespmem:$0x1E400] =	vst v63  }
0x8e: {  	s26 =	smov.u32 s25  }
0x8f: {  	p0 =	sne.s32 s25, $0x4800;
	s25 =	sadd.s32 $0x400, s25;
	_ =	swait.ge [sflag:s21], $0x4000  }
0x90: {  	s26 =	sshra.s32 s26, $0x2;
	[sflag:s21] =	ssyncset.done $0x0  }
0x91: {  	s28 =	sadd.s32 $0x1400, s26;
	[sflag:s21] =	ssyncadd.s32 $0xFFFFC000  }
0x92: {  	[spmem:s3] =	stream.indirect.scatter.add.f32 [tilespmem:s16], [sflag:$0x3], $0x80, s28, s19, $0x2000b8;
	[tilespmem:$0x1E400] =	vst v63  }
0x93: {  	_ =	swait.ge [sflag:s17], $0x4000  }
0x94: {  	[sflag:s17] =	ssyncset.done $0x0  }
0x95: {  	s28 =	sadd.s32 $0x100, s26;
	[sflag:s17] =	ssyncadd.s32 $0xFFFFC000  }
0x96: {  	[tilespmem:s16], [sflag:$0x1] =	stream.indirect.gather [hbm4b:s2+s19], $0x80, s28, s19, $0x2000b8;
	[tilespmem:$0x1E400] =	vst v63  }
0x97: {  	_ =	swait.ge [sflag:s22], $0x4000  }
0x98: {  	[sflag:s22] =	ssyncset.done $0x0  }
.Ltmp2:
0x99: {  	s28 =	sadd.s32 $0x1480, s26;
	[sflag:s22] =	ssyncadd.s32 $0xFFFFC000;
	(pc) =	sbr.rel @p0 .LBB2_6-.Ltmp2, $4  }
0x9a: {  	[spmem:s3] =	stream.indirect.scatter.add.f32 [tilespmem:s20], [sflag:$0x3], $0x80, s28, s19, $0x2000b8;
	[tilespmem:$0x1E400] =	vst v63  }
0x9b: {  	_ =	swait.ge [sflag:s17], $0x4000  }
0x9c: {  	[sflag:s17] =	ssyncset.done $0x0  }
0x9d: {  	s26 =	sadd.s32 $0x180, s26;
	[sflag:s17] =	ssyncadd.s32 $0xFFFFC000  }
0x9e: {  	[tilespmem:s20], [sflag:$0x2] =	stream.indirect.gather [hbm4b:s2+s19], $0x80, s26, s19, $0x2000b8;
	[tilespmem:$0x1E400] =	vst v63  }
0x9f: {  	_ =	swait.ge [sflag:s21], $0x4000  }
0xa0: {  	[sflag:s21] =	ssyncset.done $0x0  }
0xa1: {  	[sflag:s21] =	ssyncadd.s32 $0xFFFFC000  }
0xa2: {  	[spmem:s3] =	stream.indirect.scatter.add.f32 [tilespmem:s16], [sflag:$0x3], $0x80, s23, s19, $0x2000b8;
	[tilespmem:$0x1E400] =	vst v63  }
0xa3: {  	_ =	swait.ge [sflag:s17], $0x4000  }
0xa4: {  	[sflag:s17] =	ssyncset.done $0x0  }
0xa5: {  	[sflag:s17] =	ssyncadd.s32 $0xFFFFC000  }
0xa6: {  	_ =	swait.ge [sflag:s22], $0x4000  }
0xa7: {  	[sflag:s22] =	ssyncset.done $0x0  }
0xa8: {  	[sflag:s22] =	ssyncadd.s32 $0xFFFFC000  }
0xa9: {  	[spmem:s3] =	stream.indirect.scatter.add.f32 [tilespmem:s20], [sflag:$0x3], $0x80, s24, s19, $0x2000b8;
	[tilespmem:$0x1E400] =	vst v63  }
0xaa: {  	_ =	swait.ge [sflag:s17], $0x4000  }
0xab: {  	[sflag:s17] =	ssyncset.done $0x0  }
0xac: {  	[sflag:s17] =	ssyncadd.s32 $0xFFFFC000  }
0xad: {  	s25 =	sshll.u32 s0, $0x6;
	_ =	strace $0x90000052  }
0xae: {  	s31 =	sshrl.u32 s5, $0x3;
	s4 =	sadd.s32 $0x1, s4;
	_ =	strace $0x80000053  }
0xaf: {  	s25 =	sor.u32 $0x1C03, s25;
	p0 =	sne.s32 s4, s15;
	[bflag:$0x0] =	sbarrier.arrive $0xFFFF  }
0xb0: {  	[hbm:s14], [sflag:s25] =	dma.local [spmem:s31], $0x2780  }
.Ltmp3:
0xb1: {  	_ = 	snop;
	(pc) =	sbr.rel @p0 .LBB2_1-.Ltmp3, $4  }
0xb2: {  	_ =	swait.ge [sflag:s17], $0x2780  }
0xb3: {  	[sflag:s17] =	ssyncset.done $0x0  }
0xb4: {  	[sflag:s17] =	ssyncadd.s32 $0xFFFFD880  }
0xb5: {  	_ =	strace $0x90000053  }
0xb6: {  	_ =	sfence.sel $0x180000  }
0xb7: {  	[bflag:$0x0] =	sbarrier.arrive $0xFFFF  }
0xb8: {  	p0 =	sne.s32 s0, $0x0;
	_ =	strace $0x90000050  }
0xb9: {  	s0 =	sadd.s32 @!p0 $0x100000, s1;
	[bflag:$0x2] =	sbarrier.arrive $0xFFFF  }
0xba: {  	[sflag:s0] =	ssyncadd.tile.s32 @!p0 $0x1;
	_ =	shalt  }
.Lfunc_end2:
_tile_overlayer_lowered:
.L_overlay_start_2:
0xbb: {  	(tag) =	ssettag $0x2  }
0xbc: {  	s0 =	rddreg [dreg:$0x0];
	s2 =	stileid.u32  }
0xbd: {  	s1 =	rddreg [dreg:$0x1];
	p0 =	sne.s32 s2, $0x0  }
0xbe: {  	s3 =	rddreg [dreg:$0x2];
	[bflag:$0x3] =	sbarrier.arrive $0xFFFF;
	s2 =	simm.s32 @!p0 $0x1C03  }
0xbf: {  	[timem:s3], [sflag:s2] =	dma.local @!p0 [hbm:s0], s1  }
0xc0: {  	s0 =	simm.s32 @!p0 $0x3  }
0xc1: {  	_ =	swait.ge @!p0 [sflag:s0], s1  }
0xc2: {  	s1 =	ssub.s32 @!p0 $0x0, s1;
	[sflag:s0] =	ssyncset.done @!p0 $0x0  }
0xc3: {  	[sflag:s0] =	ssyncadd.s32 @!p0 s1  }
0xc4: {  	[bflag:$0x3] =	sbarrier.arrive $0xFFFF  }
0xc5: {  	_ =	shalt  }

// kernel: kernel.8.cloned.1.call-start
scs
__scs_entry_jumppad:
0x0: {  	(pc) =	sbr.rel $0x88, $3  }
0x1: {  	(tag) =	ssettag $0x0;
	lr =	simm.s32 $0x1  }
0x2: {  	[smem:$0x3F9B] =	sst lr;
	_ =	strace $0xD0000000  }
0x3: {  	_ = 	snop  }
0x4: {  	_ = 	snop  }
0x5: {  	_ = 	snop  }
0x6: {  	_ = 	snop  }
0x7: {  	_ = 	snop  }
__scs_overlays_trampoline_lowered:
0x8: {  	[smem:$0x3FAA] =	sst s0  }
0x9: {  	[smem:$0x3FAB] =	sst s1  }
0xa: {  	[smem:$0x3FAC] =	sst s2  }
0xb: {  	[smem:$0x3FAD] =	sst s3  }
0xc: {  	[smem:$0x3FAE] =	sst s4  }
0xd: {  	[smem:$0x3FAF] =	sst s5  }
0xe: {  	[smem:$0x3FB0] =	sst s6  }
0xf: {  	[smem:$0x3FB1] =	sst s7  }
0x10: {  	[smem:$0x3FB2] =	sst s8  }
0x11: {  	[smem:$0x3FB3] =	sst s9;
	s0 =	simm.s32 @!p0 $0x0  }
0x12: {  	s1 =	sld [smem:$0x3F99];
	s0 =	simm.s32 @p0 $0x1  }
0x13: {  	[smem:$0x3FB4] =	sst s0;
	s0 =	simm.s32 @!p1 $0x0  }
0x14: {  	s2 =	sld [smem:$0x3F98];
	s0 =	simm.s32 @p1 $0x1  }
0x15: {  	[smem:$0x3FB5] =	sst s0;
	s0 =	simm.s32 @!p2 $0x0  }
0x16: {  	s3 =	sld [smem:$0x3FDB];
	s0 =	simm.s32 @p2 $0x1  }
0x17: {  	s4 =	simm.s32 $0x1BF5;
	[smem:$0x3FB7] =	sst s0  }
0x18: {  	s0 =	sld [smem:$0x3F9A];
	_ =	swait.ge [sflag:s4], $0x0  }
0x19: {  	s7 =	sld [smem:$0x3F9B]  }
0x1a: {  	s8 =	sadd.s32 $0xFFFFE003, lr  }
0x1b: {  	s9 =	sadd.s32 $0xFFFFFEF7, lr;
	s5 =	simm.s32 $0xFFFFFFFF;
	p2 =	slt.u32 s8, $0xFFFFF086  }
0x1c: {  	p1 =	slt.u32 s9, $0xF7A;
	s5 =	simm.s32 @!p2 $0x0  }
0x1d: {  	s5 =	simm.s32 @p1 $0x1;
	p0 =	seq.s32 s7, s2  }
0x1e: {  	s7 =	smul.u32 @!p0 $0xF7A, s2;
	p2 =	seq.s32 @!p0 s5, $0x0  }
0x1f: {  	s9 =	smul.u32 $0xF7A, s1;
	s8 =	simm.s32 @!p0 $0x1BF5;
	p2 =	por !p2, p0  }
0x20: {  	[sflag:s8] =	ssyncset.s32 @!p0 $0xFFFFF086;
	s6 =	sadd.s32 @!p0 s3, s7;
	s7 =	simm.s32 @!p0 $0x108  }
0x21: {  	s3 =	sadd.s32 s3, s9;
	s6 =	sadd.s32 @!p0 $0x88, s6;
	s7 =	simm.s32 @p2 $0x1082  }
0x22: {  	[simem:s7], [sflag:s8] =	dma.local @!p0 [hbm:s6], $0xF7A  }
0x23: {  	s9 =	sor.u32 $0xD0000000, s2;
	s6 =	simm.s32 $0x108;
	_ =	swait.ge @!p0 [sflag:s8], $0x0  }
0x24: {  	s3 =	sadd.s32 $0x88, s3;
	s6 =	simm.s32 @!p1 $0x1082;
	[sflag:s4] =	ssyncset.s32 $0xFFFFF086  }
0x25: {  	[simem:s6], [sflag:s4] =	dma.local [hbm:s3], $0xF7A  }
0x26: {  	[smem:$0x3F9B] =	sst s1;
	(tag) =	ssettag s2;
	_ =	strace s9  }
0x27: {  	s1 =	sld [smem:$0x3FAB]  }
0x28: {  	s2 =	sld [smem:$0x3FAC]  }
0x29: {  	s4 =	sld [smem:$0x3FAE]  }
0x2a: {  	p0 =	seq.s32 s5, $0x0;
	s5 =	sld [smem:$0x3FAF]  }
0x2b: {  	s6 =	sld [smem:$0x3FB0]  }
0x2c: {  	s7 =	sld [smem:$0x3FB1]  }
0x2d: {  	s3 =	simm.s32 $0x108;
	s8 =	sld [smem:$0x3FB2]  }
0x2e: {  	s3 =	simm.s32 @!p0 $0x1082;
	s9 =	sld [smem:$0x3FB3]  }
0x2f: {  	lr =	sadd.s32 s0, s3;
	s0 =	sld [smem:$0x3FAA]  }
0x30: {  	s3 =	sld [smem:$0x3FAD]  }
0x31: {  	[smem:$0x3FB6] =	sst s10  }
0x32: {  	s10 =	sld [smem:$0x3FB4];
	_ =	sdelay $0x3  }
0x33: {  	p0 =	seq.s32 s10, $0x1;
	s10 =	sld [smem:$0x3FB6];
	_ =	sdelay $0x3  }
0x34: {  	[smem:$0x3FB6] =	sst s10  }
0x35: {  	s10 =	sld [smem:$0x3FB5];
	_ =	sdelay $0x3  }
0x36: {  	p1 =	seq.s32 s10, $0x1;
	s10 =	sld [smem:$0x3FB6];
	_ =	sdelay $0x3  }
0x37: {  	[smem:$0x3FB6] =	sst s10  }
0x38: {  	s10 =	sld [smem:$0x3FB7]  }
0x39: {  	_ = 	snop;
	(pc) =	sbr.ind lr, $3  }
0x3a: {  	_ = 	snop  }
0x3b: {  	_ = 	snop  }
0x3c: {  	p2 =	seq.s32 s10, $0x1;
	s10 =	sld [smem:$0x3FB6]  }
0x3d: {  	_ =	shalt  }
0x3e: {  	_ =	shalt  }
0x3f: {  	_ =	shalt  }
0x40: {  	_ =	shalt  }
0x41: {  	_ =	shalt  }
0x42: {  	_ =	shalt  }
0x43: {  	_ =	shalt  }
0x44: {  	_ =	shalt  }
0x45: {  	_ =	shalt  }
0x46: {  	_ =	shalt  }
0x47: {  	_ =	shalt  }
0x48: {  	_ =	shalt  }
0x49: {  	_ =	shalt  }
0x4a: {  	_ =	shalt  }
0x4b: {  	_ =	shalt  }
0x4c: {  	_ =	shalt  }
0x4d: {  	_ =	shalt  }
0x4e: {  	_ =	shalt  }
0x4f: {  	_ =	shalt  }
0x50: {  	_ =	shalt  }
0x51: {  	_ =	shalt  }
0x52: {  	_ =	shalt  }
0x53: {  	_ =	shalt  }
0x54: {  	_ =	shalt  }
0x55: {  	_ =	shalt  }
0x56: {  	_ =	shalt  }
0x57: {  	_ =	shalt  }
0x58: {  	_ =	shalt  }
0x59: {  	_ =	shalt  }
0x5a: {  	_ =	shalt  }
0x5b: {  	_ =	shalt  }
0x5c: {  	_ =	shalt  }
0x5d: {  	_ =	shalt  }
0x5e: {  	_ =	shalt  }
0x5f: {  	_ =	shalt  }
0x60: {  	_ =	shalt  }
0x61: {  	_ =	shalt  }
0x62: {  	_ =	shalt  }
0x63: {  	_ =	shalt  }
0x64: {  	_ =	shalt  }
0x65: {  	_ =	shalt  }
0x66: {  	_ =	shalt  }
0x67: {  	_ =	shalt  }
0x68: {  	_ =	shalt  }
0x69: {  	_ =	shalt  }
0x6a: {  	_ =	shalt  }
0x6b: {  	_ =	shalt  }
0x6c: {  	_ =	shalt  }
0x6d: {  	_ =	shalt  }
0x6e: {  	_ =	shalt  }
0x6f: {  	_ =	shalt  }
0x70: {  	_ =	shalt  }
0x71: {  	_ =	shalt  }
0x72: {  	_ =	shalt  }
0x73: {  	_ =	shalt  }
0x74: {  	_ =	shalt  }
0x75: {  	_ =	shalt  }
0x76: {  	_ =	shalt  }
0x77: {  	_ =	shalt  }
0x78: {  	_ =	shalt  }
0x79: {  	_ =	shalt  }
0x7a: {  	_ =	shalt  }
0x7b: {  	_ =	shalt  }
0x7c: {  	_ =	shalt  }
0x7d: {  	_ =	shalt  }
0x7e: {  	_ =	shalt  }
0x7f: {  	_ =	shalt  }
0x80: {  	_ =	shalt  }
0x81: {  	_ =	shalt  }
0x82: {  	_ =	shalt  }
0x83: {  	_ =	shalt  }
0x84: {  	_ =	shalt  }
0x85: {  	_ =	shalt  }
0x86: {  	_ =	shalt  }
0x87: {  	_ =	shalt  }
.Lfunc_end0:
.L_simem_size_0:
called_computation_lowered:
.L_overlay_start_0:
0x88: {  	s2 =	sld [smem:$0x3FD9]  }
0x89: {  	s3 =	sld [smem:$0x3FFE];
	_ =	sdelay $0x1  }
0x8a: {  	s1 =	srdreg.scid  }
0x8b: {  	s0 =	sand.u32 $0x1, s1  }
0x8c: {  	s17 =	sshll.u32 s0, $0xA;
	s2 =	sadd.s32 s3, s2  }
0x8d: {  	s2 =	sadd.s32 s2, s17  }
0x8e: {  	[smem:$0x3FC2] =	sst s2  }
0x8f: {  	_ = 	snop  }
0x90: {  	s2 =	sld [smem:$0x3FD0];
	(tm) =	ssettm $0x1  }
0x91: {  	s18 =	sld [smem:$0x3FFB];
	_ =	sdelay $0x3  }
0x92: {  	_ =	strace s18  }
0x93: {  	s3 =	sld [smem:$0x3FFC];
	_ =	sdelay $0x3  }
0x94: {  	_ =	strace s3  }
0x95: {  	s3 =	sld [smem:$0x3FFD];
	_ =	sdelay $0x3  }
0x96: {  	_ =	strace s3  }
0x97: {  	_ =	strace $0x8FFFFFFF  }
0x98: {  	s19 =	sld [smem:$0x3FDB];
	_ =	sdelay $0x1  }
0x99: {  	s4 =	simm.s32 $_scs_section_size  }
0x9a: {  	s5 =	simm.s32 $_size__tile_overlayer_lowered;
	s6 =	simm.s32 $_tile_overlayer_lowered  }
0x9b: {  	s22 =	simm.s32 $0x1BFF;
	s21 =	sshll.u32 s6, $0x1;
	s3 =	sadd.s32 s4, s19  }
0x9c: {  	s7 =	simm.s32 $0x0;
	s20 =	sshll.u32 s5, $0x1;
	s5 =	sadd.s32 s21, s3  }
0x9d: {  	[timem:s7], [sflag:s22] =	dma.local [hbm:s5], s20  }
0x9e: {  	_ =	swait.ge [sflag:s22], s20  }
0x9f: {  	s4 =	ssub.s32 $0x0, s20;
	[sflag:s22] =	ssyncset.done $0x0  }
0xa0: {  	[sflag:s22] =	ssyncadd.s32 s4;
	_ =	sdelay $0x1  }
0xa1: {  	s23 =	simm.s32 $0x1B8B  }
0xa2: {  	_ =	swait.ge [sflag:s23], $0x1  }
0xa3: {  	[sflag:s23] =	ssyncset.done $0x0  }
0xa4: {  	s25 =	simm.s32 $0x1B8E;
	s24 =	sld [smem:$0x3FFE];
	[sflag:s23] =	ssyncadd.s32 $0xFFFFFFFF  }
0xa5: {  	s26 =	simm.s32 $execute0_lowered;
	[smem:$0x3FD2] =	sst s25  }
0xa6: {  	s5 =	sshll.u32 s26, $0x1;
	_ =	strace $0x80000046;
	[dreg:$0x1] =	wrdreg $0xFFFFFFFF  }
0xa7: {  	s28 =	simm.s32 $_size_execute0_lowered;
	s3 =	sadd.s32 s3, s5;
	[dreg:$0x0] =	wrdreg $0x0  }
0xa8: {  	s5 =	sshll.u32 s28, $0x1;
	[dreg:$0x2] =	wrdreg s3  }
0xa9: {  	[dreg:$0x3] =	wrdreg s5  }
0xaa: {  	[dreg:$0x4] =	wrdreg $0xC0  }
0xab: {  	_ =	task [dreg:s7], $0x5FFFF  }
0xac: {  	[dreg:$0x1] =	wrdreg $0xFFFFFFFF  }
0xad: {  	[dreg:$0x0] =	wrdreg $0x60  }
0xae: {  	[dreg:$0x2] =	wrdreg s24  }
0xaf: {  	[dreg:$0x3] =	wrdreg s2  }
0xb0: {  	[dreg:$0x4] =	wrdreg $0x9  }
0xb1: {  	_ =	task.clear_ibuf [dreg:s7], $0x5FFFF;
	_ =	strace $0x90000046  }
0xb2: {  	s29 =	simm.s32 $0x9;
	_ =	strace $0x80000048  }
0xb3: {  	_ =	swait.ge [sflag:s29], $0x1  }
0xb4: {  	[sflag:s29] =	ssyncadd.s32 $0xFFFFFFFF  }
0xb5: {  	_ =	strace $0x90000048  }
0xb6: {  	_ =	sfence  }
0xb7: {  	s30 =	sld [smem:$0x0];
	_ =	sdelay $0x2  }
0xb8: {  	s31 =	sshll.u32 s1, $0xD;
	s1 =	sshrl.u32 s1, $0x2  }
0xb9: {  	s3 =	sand.u32 $0x4000, s31;
	s1 =	sadd.s32 s1, s30  }
0xba: {  	s0 =	sor.u32 s3, s0;
	s1 =	sshll.u32 s1, $0x11  }
0xbb: {  	s0 =	sor.u32 s1, s0  }
0xbc: {  	s0 =	sadd.s32 $0x8F2B, s0  }
0xbd: {  	[sflag:s0] =	ssyncadd.remote.s32 $0x1  }
0xbe: {  	_ =	sfence.sel $0xFFFF  }
0xbf: {  	[dreg:$0x0] =	wrdreg $0xFFFFFFFF;
	(pc) =	sbr.abs _section_cstart, $3  }
0xc0: {  	[dreg:$0x1] =	wrdreg $0xFFFFFFFF  }
0xc1: {  	_ =	task.clear_ibuf [dreg:s7], $0x2FFFF;
	_ =	strace $0x9FFFFFFF  }
0xc2: {  	(tm) =	ssettm $0x7FFFFFFF  }
0xc3: {  	_ =	shalt  }
tec
execute0_lowered:
.L_overlay_start_1:
0x0: {  	(tag) =	ssettag $0x1  }
0x1: {  	s3 =	rddreg [dreg:$0x0];
	s1 =	srdreg.scid  }
0x2: {  	s0 =	stileid.u32;
	s4 =	rddreg [dreg:$0x1]  }
0x3: {  	s9 =	simm.s32 $0x400;
	s10 =	simm.s32 $0x0;
	s5 =	sand.u32 $0x1, s1  }
0x4: {  	s2 =	sshll.u32 s0, $0x1;
	s1 =	rddreg [dreg:$0x2];
	s8 =	sshrl.u32 s0, $0x2  }
0x5: {  	s6 =	sor.u32 s5, s2;
	s2 =	simm.s32 $0x0;
	s8 =	smul.u32 $0x13C00, s8  }
0x6: {  	s5 =	ssub.s32 $0x2, s5;
	s7 =	smul.u32 $0x2800, s6;
	[smem:$0x7FF] =	sst s2  }
0x7: {  	s6 =	sshll.u32 s6, $0x7;
	s31 =	sshrl.u32 s5, $0x1;
	_ =	strace $0x80000047  }
0x8: {  	s6 =	sand.u32 $0x380, s6;
	s5 =	ssub.s32 s5, s31;
	s7 =	sshrl.u32 s7, $0x3  }
0x9: {  	s6 =	sor.u32 s8, s6;
	s5 =	smax.u32 s5, $0x1;
	s8 =	simm.s32 $0x80  }
0xa: {  	s3 =	sadd.s32 s3, s7;
	s6 =	sshrl.u32 s6, $0x3;
	s7 =	simm.s32 $0x2800  }
0xb: {  	v0 =	vimm.f32 $0.0e+00;
	v1 =	vimm.f32 $1.000000000e+00;
	s3 =	sadd.s32 $0xC600, s3;
	s4 =	sadd.s32 s4, s6;
	s6 =	simm.s32 $0x1  }
.LBB2_1:
0xc: {  	[tilespmem:s2], [sflag:$0x1] =	stream.linear.gather [hbm4b:s3+s2], $0x2800, $0x38;
	[tilespmem:$0x4F80] =	vst v63  }
0xd: {  	_ =	swait.ge [sflag:s6], $0x2800  }
0xe: {  	[sflag:s6] =	ssyncset.done $0x0  }
0xf: {  	s11 =	simm.s32 $0x0;
	[sflag:s6] =	ssyncadd.s32 $0xFFFFD800  }
.LBB2_2:
0x10: {  	p0 =	sne.s32 s11, $0x9D00  }
.Ltmp0:
0x11: {  	s12 =	sshra.s32 s11, $0x2;
	(pc) =	sbr.rel @p0 .LBB2_2-.Ltmp0, $4  }
0x12: {  	[tilespmem:s12+$0x2800] =	vst v0  }
0x13: {  	[tilespmem:s12+$0x2810] =	vst v0  }
0x14: {  	[tilespmem:s12+$0x2820] =	vst v0  }
0x15: {  	s11 =	sadd.s32 $0x100, s11;
	[tilespmem:s12+$0x2830] =	vst v0  }
0x16: {  	s11 =	simm.s32 $0x0  }
.LBB2_4:
0x17: {  	s12 =	sshra.s32 s11, $0x2  }
0x18: {  	v2 =	vld [tilespmem:s12+$0x0];
	_ =	sdelay $0x7  }
0x19: {  	[tilespmem:v2+s7+$0x0] =	vst.idx.add.f32.msk $0xffff, v1  }
0x1a: {  	v2 =	vld [tilespmem:s12+$0x10];
	_ =	sdelay $0x7  }
0x1b: {  	[tilespmem:v2+s7+$0x0] =	vst.idx.add.f32.msk $0xffff, v1  }
0x1c: {  	v2 =	vld [tilespmem:s12+$0x20];
	_ =	sdelay $0x7  }
0x1d: {  	[tilespmem:v2+s7+$0x0] =	vst.idx.add.f32.msk $0xffff, v1  }
0x1e: {  	v2 =	vld [tilespmem:s12+$0x30];
	_ =	sdelay $0x7  }
0x1f: {  	[tilespmem:v2+s7+$0x0] =	vst.idx.add.f32.msk $0xffff, v1  }
0x20: {  	v2 =	vld [tilespmem:s12+$0x40];
	_ =	sdelay $0x7  }
0x21: {  	[tilespmem:v2+s7+$0x0] =	vst.idx.add.f32.msk $0xffff, v1  }
0x22: {  	v2 =	vld [tilespmem:s12+$0x50];
	_ =	sdelay $0x7  }
0x23: {  	[tilespmem:v2+s7+$0x0] =	vst.idx.add.f32.msk $0xffff, v1  }
0x24: {  	v2 =	vld [tilespmem:s12+$0x60];
	_ =	sdelay $0x7  }
0x25: {  	[tilespmem:v2+s7+$0x0] =	vst.idx.add.f32.msk $0xffff, v1  }
0x26: {  	v2 =	vld [tilespmem:s12+$0x70];
	_ =	sdelay $0x2  }
0x27: {  	p0 =	sne.s32 s11, $0x9E00  }
.Ltmp1:
0x28: {  	_ = 	snop;
	(pc) =	sbr.rel @p0 .LBB2_4-.Ltmp1, $2  }
0x29: {  	_ =	sdelay $0x2  }
0x2a: {  	s11 =	sadd.s32 $0x200, s11;
	[tilespmem:v2+s7+$0x0] =	vst.idx.add.f32.msk $0xffff, v1  }
0x2b: {  	s10 =	sadd.s32 $0x1, s10  }
0x2c: {  	p0 =	sne.s32 s10, s5  }
.Ltmp2:
0x2d: {  	_ = 	snop;
	(pc) =	sbr.rel @p0 .LBB2_1-.Ltmp2, $4  }
0x2e: {  	[hbm4b:s4+s8] =	stream.strided.scatter [tilespmem:s7], [sflag:$0x1], $0x2780, s9, s8, $0x38;
	[tilespmem:$0x4F80] =	vst v63  }
0x2f: {  	_ =	swait.ge [sflag:s6], $0x2780  }
0x30: {  	[sflag:s6] =	ssyncset.done $0x0  }
0x31: {  	[sflag:s6] =	ssyncadd.s32 $0xFFFFD880  }
0x32: {  	_ =	sfence.sel $0x180000  }
0x33: {  	[bflag:$0x0] =	sbarrier.arrive $0xFFFF  }
0x34: {  	p0 =	sne.s32 s0, $0x0;
	_ =	strace $0x90000047  }
0x35: {  	s0 =	sadd.s32 @!p0 $0x100000, s1;
	[bflag:$0x2] =	sbarrier.arrive $0xFFFF  }
0x36: {  	[sflag:s0] =	ssyncadd.tile.s32 @!p0 $0x1;
	_ =	shalt  }
.Lfunc_end2:
_tile_overlayer_lowered:
.L_overlay_start_2:
0x37: {  	(tag) =	ssettag $0x2  }
0x38: {  	s0 =	rddreg [dreg:$0x0];
	s2 =	stileid.u32  }
0x39: {  	s1 =	rddreg [dreg:$0x1];
	p0 =	sne.s32 s2, $0x0  }
0x3a: {  	s3 =	rddreg [dreg:$0x2];
	[bflag:$0x3] =	sbarrier.arrive $0xFFFF;
	s2 =	simm.s32 @!p0 $0x1C01  }
0x3b: {  	[timem:s3], [sflag:s2] =	dma.local @!p0 [hbm:s0], s1  }
0x3c: {  	s0 =	simm.s32 @!p0 $0x1  }
0x3d: {  	_ =	swait.ge @!p0 [sflag:s0], s1  }
0x3e: {  	s1 =	ssub.s32 @!p0 $0x0, s1;
	[sflag:s0] =	ssyncset.done @!p0 $0x0  }
0x3f: {  	[sflag:s0] =	ssyncadd.s32 @!p0 s1  }
0x40: {  	[bflag:$0x3] =	sbarrier.arrive $0xFFFF  }
0x41: {  	_ =	shalt  }

</sc_bundles>
